<compile_context>
chip_gen: v7x
topology: tpu7x:2x2x1
jax: 0.10.2.dev20260603
libtpu: 0.0.44.dev20260713+nightly
codegen_flags: <defaults>
</compile_context>

<pallas_src>
import functools

import jax
import jax.numpy as jnp
from jax import lax
from jax.experimental import pallas as pl
from jax.experimental.pallas import tpu as pltpu
from jax.experimental.pallas import tpu_sc as plsc

_NC = 2
_NS = 16
_NW = _NC * _NS

_CH = 128
_LANES = 16


def kernel(input_ids, table):
    B, H = input_ids.shape
    V, D = table.shape
    n_bhi = B // _CH
    n_cells = H * n_bhi
    per_w = n_cells // _NW
    fhi = D // 8
    cell_elems = _CH * D

    ids2 = input_ids.T.reshape(n_cells, _CH)

    mesh = plsc.VectorSubcoreMesh(core_axis_name="c", subcore_axis_name="s")

    @functools.partial(
        pl.kernel,
        out_type=jax.ShapeDtypeStruct((H, fhi, n_bhi, 8 * _CH), table.dtype),
        mesh=mesh,
        scratch_types=[
            pltpu.VMEM((per_w, _CH), jnp.int32),
            pltpu.VMEM((_CH, D), jnp.float32),
            pltpu.VMEM((_CH, D), jnp.float32),
            pltpu.VMEM((cell_elems,), jnp.float32),
            pltpu.VMEM((cell_elems,), jnp.float32),
            pltpu.SemaphoreType.DMA,
            pltpu.SemaphoreType.DMA,
            pltpu.SemaphoreType.DMA,
            pltpu.SemaphoreType.DMA,
        ],
        compiler_params=pltpu.CompilerParams(
            use_tc_tiling_on_sc=False, needs_layout_passes=False
        ),
    )
    def run(ids_hbm, table_hbm, out_hbm, idx_v, rows0, rows1, cell0, cell1,
            sg0, sg1, so0, so1):
        wid = lax.axis_index("s") * _NC + lax.axis_index("c")
        base = wid * per_w
        pltpu.sync_copy(ids_hbm.at[pl.ds(base, per_w)], idx_v)

        rows = (rows0, rows1)
        cells = (cell0, cell1)
        sgs = (sg0, sg1)
        sos = (so0, so1)

        iota = lax.iota(jnp.int32, _LANES)
        rot = [jnp.bitwise_and(iota + j, _LANES - 1) for j in range(_LANES)]
        sbase = [rot[j] * _CH + iota for j in range(_LANES)]

        def fire_gather(l, b):
            pltpu.async_copy(table_hbm.at[idx_v.at[l]], rows[b], sgs[b])

        def wait_gather(l, b):
            pltpu.make_async_copy(table_hbm.at[idx_v.at[l]], rows[b],
                                  sgs[b]).wait()

        def out_slices(l, b):
            c = base + l
            h = c // n_bhi
            bhi = c % n_bhi
            return [
                (cells[b].at[pl.ds(q * 8 * _CH, 8 * _CH)],
                 out_hbm.at[h, q, bhi])
                for q in range(fhi)
            ]

        def fire_out(l, b):
            for src, dst in out_slices(l, b):
                pltpu.async_copy(src, dst, sos[b])

        def wait_out(l, b):
            for src, dst in out_slices(l, b):
                pltpu.make_async_copy(src, dst, sos[b]).wait()

        n_blk_b = _CH // _LANES

        def transpose(b):
            rbuf = rows[b]
            cbuf = cells[b]

            def blk(k, carry):
                f0 = (k // n_blk_b) * _LANES
                b0 = (k % n_blk_b) * _LANES
                bvec = iota + b0
                off = f0 * _CH + b0
                for j in range(_LANES):
                    vals = plsc.load_gather(rbuf, [bvec, rot[j] + f0])
                    plsc.store_scatter(cbuf, [sbase[j] + off], vals)
                return carry

            lax.fori_loop(0, (D // _LANES) * n_blk_b, blk, 0)

        fire_gather(0, 0)
        fire_gather(1, 1)
        wait_gather(0, 0)
        transpose(0)
        fire_out(0, 0)

        def body(i, carry):
            l1 = 2 * i + 1
            wait_gather(l1, 1)
            fire_gather(l1 + 1, 0)
            transpose(1)
            wait_out(l1 - 1, 0)
            fire_out(l1, 1)
            l2 = 2 * i + 2
            wait_gather(l2, 0)
            fire_gather(l2 + 1, 1)
            transpose(0)
            wait_out(l2 - 1, 1)
            fire_out(l2, 0)
            return carry

        lax.fori_loop(0, (per_w - 2) // 2, body, 0)

        l_last = per_w - 1
        wait_gather(l_last, 1)
        transpose(1)
        wait_out(l_last - 1, 0)
        fire_out(l_last, 1)
        wait_out(l_last, 1)

    out5 = run(ids2, table)
    out5 = out5.reshape(H, fhi, n_bhi, 8, _CH)
    return out5.transpose(2, 4, 0, 1, 3).reshape(B, H, D)

# --- scband reference (transcript-rebuilt; emitter-appended) ---
"""Pipeline reference for scband-embedding-table-38439957299433 (READ-ONLY COPY).

The authoritative reference and input builder live on the scoring server;
editing this copy changes nothing except your own understanding.
"""

import jax, jax.numpy as jnp
import numpy as np

VOCAB = 1000000
DIM = 64
BATCH = 4096
HIST = 200


def setup_inputs(seed: int = 0) -> dict:
    key = jax.random.key(seed)
    k1, k2 = jax.random.split(key)
    input_ids = jax.random.randint(k1, (BATCH, HIST), 0, VOCAB, dtype=jnp.int32)
    table = jax.random.normal(k2, (VOCAB, DIM), dtype=jnp.float32)
    # nn.Embedding(padding_idx=0): row 0 is the padding row (zero vector)
    table = table.at[0].set(0.0)
    return {"input_ids": input_ids, "table": table}


def reference(input_ids, table):
    # EmbeddingTable.forward: encoder lookup followed by dropout.
    # Dropout is identity at inference (eval mode), so forward is a pure gather.
    input_embeds = jnp.take(table, input_ids, axis=0)
    return input_embeds

if __name__ == "__main__":
    import jax
    _d = setup_inputs()
    print(jax.jit(kernel)(*tuple(_d.values())))

</pallas_src>

<mosaic_0001>
#map = affine_map<(d0, d1) -> (0, 0)>
#map1 = affine_map<(d0, d1) -> (0, 0, 0, 0)>
module attributes {stable_mosaic.version = 14 : i64} {
  func.func @run(%arg0: i32, %arg1: i32, %arg2: memref<6400x128xi32, #tpu.memory_space<hbm>>, %arg3: memref<1000000x64xf32, #tpu.memory_space<hbm>>, %arg4: memref<200x8x32x1024xf32, #tpu.memory_space<hbm>>, %arg5: memref<200x128xi32, #tpu.memory_space<vmem>>, %arg6: memref<128x64xf32, #tpu.memory_space<vmem>>, %arg7: memref<128x64xf32, #tpu.memory_space<vmem>>, %arg8: memref<8192xf32, #tpu.memory_space<vmem>>, %arg9: memref<8192xf32, #tpu.memory_space<vmem>>, %arg10: memref<!tpu.dma_semaphore, #tpu.memory_space<semaphore_mem>>, %arg11: memref<!tpu.dma_semaphore, #tpu.memory_space<semaphore_mem>>, %arg12: memref<!tpu.dma_semaphore, #tpu.memory_space<semaphore_mem>>, %arg13: memref<!tpu.dma_semaphore, #tpu.memory_space<semaphore_mem>>) attributes {dimension_semantics = [#tpu.dimension_semantics<core_parallel>, #tpu.dimension_semantics<subcore_parallel>], iteration_bounds = array<i64: 2, 16>, scalar_prefetch = 0 : i64, scratch_operands = 9 : i64, tpu.core_type = #tpu.core_type<sc_vector_subcore>, window_params = [{transform_indices = #map}, {transform_indices = #map}, {transform_indices = #map1}]} {
    %mul3A = arith.constant 2 : i32
    %mul3A_0 = arith.muli %arg1, %mul3A : i32
    %add3A = arith.addi %mul3A_0, %arg0 : i32
    %mul3A_1 = arith.constant 200 : i32
    %mul3A_2 = arith.muli %add3A, %mul3A_1 : i32
    "tpu.region"() ({
      %run_scoped3A = tpu.sem_alloc : memref<!tpu.dma_semaphore, #tpu.memory_space<semaphore_mem>>
      %dma_start3A_716 = arith.constant 0 : i32
      %dma_start3A_717 = tpu.memref_slice %arg2[%mul3A_2, %dma_start3A_716] : memref<6400x128xi32, #tpu.memory_space<hbm>> -> memref<200x128xi32, #tpu.memory_space<hbm>>
      %dma_start3A_718 = arith.constant 0 : i32
      %dma_start3A_719 = tpu.memref_slice %arg2[%mul3A_2, %dma_start3A_718] : memref<6400x128xi32, #tpu.memory_space<hbm>> -> memref<200x128xi32, #tpu.memory_space<hbm>>
      tpu.enqueue_dma source(%dma_start3A_719 : memref<200x128xi32, #tpu.memory_space<hbm>>) target(%arg5 : memref<200x128xi32, #tpu.memory_space<vmem>>) target_semaphore(%run_scoped3A : memref<!tpu.dma_semaphore, #tpu.memory_space<semaphore_mem>>)
      %dma_wait3A_720 = arith.constant 0 : i32
      %dma_wait3A_721 = tpu.memref_slice %arg2[%mul3A_2, %dma_wait3A_720] : memref<6400x128xi32, #tpu.memory_space<hbm>> -> memref<200x128xi32, #tpu.memory_space<hbm>>
      %dma_wait3A_722 = arith.constant 0 : i32
      %dma_wait3A_723 = tpu.memref_slice %arg2[%mul3A_2, %dma_wait3A_722] : memref<6400x128xi32, #tpu.memory_space<hbm>> -> memref<200x128xi32, #tpu.memory_space<hbm>>
      tpu.wait_dma2 semaphore(%run_scoped3A : memref<!tpu.dma_semaphore, #tpu.memory_space<semaphore_mem>>) src(%dma_wait3A_723 : memref<200x128xi32, #tpu.memory_space<hbm>>) dst(%arg5 : memref<200x128xi32, #tpu.memory_space<vmem>>)
      tpu.yield
    }) : () -> ()
    %iota3A = tpu.iota {dimensions = array<i32: 0>} : vector<16xi32>
    %add3A_3 = arith.constant 0 : i32
    %add3A_4 = vector.broadcast %add3A_3 : i32 to vector<16xi32>
    %add3A_5 = arith.addi %iota3A, %add3A_4 : vector<16xi32>
    %and3A = arith.constant 15 : i32
    %and3A_6 = vector.broadcast %and3A : i32 to vector<16xi32>
    %and3A_7 = arith.andi %add3A_5, %and3A_6 : vector<16xi32>
    %add3A_8 = arith.constant 1 : i32
    %add3A_9 = vector.broadcast %add3A_8 : i32 to vector<16xi32>
    %add3A_10 = arith.addi %iota3A, %add3A_9 : vector<16xi32>
    %and3A_11 = arith.constant 15 : i32
    %and3A_12 = vector.broadcast %and3A_11 : i32 to vector<16xi32>
    %and3A_13 = arith.andi %add3A_10, %and3A_12 : vector<16xi32>
    %add3A_14 = arith.constant 2 : i32
    %add3A_15 = vector.broadcast %add3A_14 : i32 to vector<16xi32>
    %add3A_16 = arith.addi %iota3A, %add3A_15 : vector<16xi32>
    %and3A_17 = arith.constant 15 : i32
    %and3A_18 = vector.broadcast %and3A_17 : i32 to vector<16xi32>
    %and3A_19 = arith.andi %add3A_16, %and3A_18 : vector<16xi32>
    %add3A_20 = arith.constant 3 : i32
    %add3A_21 = vector.broadcast %add3A_20 : i32 to vector<16xi32>
    %add3A_22 = arith.addi %iota3A, %add3A_21 : vector<16xi32>
    %and3A_23 = arith.constant 15 : i32
    %and3A_24 = vector.broadcast %and3A_23 : i32 to vector<16xi32>
    %and3A_25 = arith.andi %add3A_22, %and3A_24 : vector<16xi32>
    %add3A_26 = arith.constant 4 : i32
    %add3A_27 = vector.broadcast %add3A_26 : i32 to vector<16xi32>
    %add3A_28 = arith.addi %iota3A, %add3A_27 : vector<16xi32>
    %and3A_29 = arith.constant 15 : i32
    %and3A_30 = vector.broadcast %and3A_29 : i32 to vector<16xi32>
    %and3A_31 = arith.andi %add3A_28, %and3A_30 : vector<16xi32>
    %add3A_32 = arith.constant 5 : i32
    %add3A_33 = vector.broadcast %add3A_32 : i32 to vector<16xi32>
    %add3A_34 = arith.addi %iota3A, %add3A_33 : vector<16xi32>
    %and3A_35 = arith.constant 15 : i32
    %and3A_36 = vector.broadcast %and3A_35 : i32 to vector<16xi32>
    %and3A_37 = arith.andi %add3A_34, %and3A_36 : vector<16xi32>
    %add3A_38 = arith.constant 6 : i32
    %add3A_39 = vector.broadcast %add3A_38 : i32 to vector<16xi32>
    %add3A_40 = arith.addi %iota3A, %add3A_39 : vector<16xi32>
    %and3A_41 = arith.constant 15 : i32
    %and3A_42 = vector.broadcast %and3A_41 : i32 to vector<16xi32>
    %and3A_43 = arith.andi %add3A_40, %and3A_42 : vector<16xi32>
    %add3A_44 = arith.constant 7 : i32
    %add3A_45 = vector.broadcast %add3A_44 : i32 to vector<16xi32>
    %add3A_46 = arith.addi %iota3A, %add3A_45 : vector<16xi32>
    %and3A_47 = arith.constant 15 : i32
    %and3A_48 = vector.broadcast %and3A_47 : i32 to vector<16xi32>
    %and3A_49 = arith.andi %add3A_46, %and3A_48 : vector<16xi32>
    %add3A_50 = arith.constant 8 : i32
    %add3A_51 = vector.broadcast %add3A_50 : i32 to vector<16xi32>
    %add3A_52 = arith.addi %iota3A, %add3A_51 : vector<16xi32>
    %and3A_53 = arith.constant 15 : i32
    %and3A_54 = vector.broadcast %and3A_53 : i32 to vector<16xi32>
    %and3A_55 = arith.andi %add3A_52, %and3A_54 : vector<16xi32>
    %add3A_56 = arith.constant 9 : i32
    %add3A_57 = vector.broadcast %add3A_56 : i32 to vector<16xi32>
    %add3A_58 = arith.addi %iota3A, %add3A_57 : vector<16xi32>
    %and3A_59 = arith.constant 15 : i32
    %and3A_60 = vector.broadcast %and3A_59 : i32 to vector<16xi32>
    %and3A_61 = arith.andi %add3A_58, %and3A_60 : vector<16xi32>
    %add3A_62 = arith.constant 10 : i32
    %add3A_63 = vector.broadcast %add3A_62 : i32 to vector<16xi32>
    %add3A_64 = arith.addi %iota3A, %add3A_63 : vector<16xi32>
    %and3A_65 = arith.constant 15 : i32
    %and3A_66 = vector.broadcast %and3A_65 : i32 to vector<16xi32>
    %and3A_67 = arith.andi %add3A_64, %and3A_66 : vector<16xi32>
    %add3A_68 = arith.constant 11 : i32
    %add3A_69 = vector.broadcast %add3A_68 : i32 to vector<16xi32>
    %add3A_70 = arith.addi %iota3A, %add3A_69 : vector<16xi32>
    %and3A_71 = arith.constant 15 : i32
    %and3A_72 = vector.broadcast %and3A_71 : i32 to vector<16xi32>
    %and3A_73 = arith.andi %add3A_70, %and3A_72 : vector<16xi32>
    %add3A_74 = arith.constant 12 : i32
    %add3A_75 = vector.broadcast %add3A_74 : i32 to vector<16xi32>
    %add3A_76 = arith.addi %iota3A, %add3A_75 : vector<16xi32>
    %and3A_77 = arith.constant 15 : i32
    %and3A_78 = vector.broadcast %and3A_77 : i32 to vector<16xi32>
    %and3A_79 = arith.andi %add3A_76, %and3A_78 : vector<16xi32>
    %add3A_80 = arith.constant 13 : i32
    %add3A_81 = vector.broadcast %add3A_80 : i32 to vector<16xi32>
    %add3A_82 = arith.addi %iota3A, %add3A_81 : vector<16xi32>
    %and3A_83 = arith.constant 15 : i32
    %and3A_84 = vector.broadcast %and3A_83 : i32 to vector<16xi32>
    %and3A_85 = arith.andi %add3A_82, %and3A_84 : vector<16xi32>
    %add3A_86 = arith.constant 14 : i32
    %add3A_87 = vector.broadcast %add3A_86 : i32 to vector<16xi32>
    %add3A_88 = arith.addi %iota3A, %add3A_87 : vector<16xi32>
    %and3A_89 = arith.constant 15 : i32
    %and3A_90 = vector.broadcast %and3A_89 : i32 to vector<16xi32>
    %and3A_91 = arith.andi %add3A_88, %and3A_90 : vector<16xi32>
    %add3A_92 = arith.constant 15 : i32
    %add3A_93 = vector.broadcast %add3A_92 : i32 to vector<16xi32>
    %add3A_94 = arith.addi %iota3A, %add3A_93 : vector<16xi32>
    %and3A_95 = arith.constant 15 : i32
    %and3A_96 = vector.broadcast %and3A_95 : i32 to vector<16xi32>
    %and3A_97 = arith.andi %add3A_94, %and3A_96 : vector<16xi32>
    %mul3A_98 = arith.constant 128 : i32
    %mul3A_99 = vector.broadcast %mul3A_98 : i32 to vector<16xi32>
    %mul3A_100 = arith.muli %and3A_7, %mul3A_99 : vector<16xi32>
    %add3A_101 = arith.addi %mul3A_100, %iota3A : vector<16xi32>
    %mul3A_102 = arith.constant 128 : i32
    %mul3A_103 = vector.broadcast %mul3A_102 : i32 to vector<16xi32>
    %mul3A_104 = arith.muli %and3A_13, %mul3A_103 : vector<16xi32>
    %add3A_105 = arith.addi %mul3A_104, %iota3A : vector<16xi32>
    %mul3A_106 = arith.constant 128 : i32
    %mul3A_107 = vector.broadcast %mul3A_106 : i32 to vector<16xi32>
    %mul3A_108 = arith.muli %and3A_19, %mul3A_107 : vector<16xi32>
    %add3A_109 = arith.addi %mul3A_108, %iota3A : vector<16xi32>
    %mul3A_110 = arith.constant 128 : i32
    %mul3A_111 = vector.broadcast %mul3A_110 : i32 to vector<16xi32>
    %mul3A_112 = arith.muli %and3A_25, %mul3A_111 : vector<16xi32>
    %add3A_113 = arith.addi %mul3A_112, %iota3A : vector<16xi32>
    %mul3A_114 = arith.constant 128 : i32
    %mul3A_115 = vector.broadcast %mul3A_114 : i32 to vector<16xi32>
    %mul3A_116 = arith.muli %and3A_31, %mul3A_115 : vector<16xi32>
    %add3A_117 = arith.addi %mul3A_116, %iota3A : vector<16xi32>
    %mul3A_118 = arith.constant 128 : i32
    %mul3A_119 = vector.broadcast %mul3A_118 : i32 to vector<16xi32>
    %mul3A_120 = arith.muli %and3A_37, %mul3A_119 : vector<16xi32>
    %add3A_121 = arith.addi %mul3A_120, %iota3A : vector<16xi32>
    %mul3A_122 = arith.constant 128 : i32
    %mul3A_123 = vector.broadcast %mul3A_122 : i32 to vector<16xi32>
    %mul3A_124 = arith.muli %and3A_43, %mul3A_123 : vector<16xi32>
    %add3A_125 = arith.addi %mul3A_124, %iota3A : vector<16xi32>
    %mul3A_126 = arith.constant 128 : i32
    %mul3A_127 = vector.broadcast %mul3A_126 : i32 to vector<16xi32>
    %mul3A_128 = arith.muli %and3A_49, %mul3A_127 : vector<16xi32>
    %add3A_129 = arith.addi %mul3A_128, %iota3A : vector<16xi32>
    %mul3A_130 = arith.constant 128 : i32
    %mul3A_131 = vector.broadcast %mul3A_130 : i32 to vector<16xi32>
    %mul3A_132 = arith.muli %and3A_55, %mul3A_131 : vector<16xi32>
    %add3A_133 = arith.addi %mul3A_132, %iota3A : vector<16xi32>
    %mul3A_134 = arith.constant 128 : i32
    %mul3A_135 = vector.broadcast %mul3A_134 : i32 to vector<16xi32>
    %mul3A_136 = arith.muli %and3A_61, %mul3A_135 : vector<16xi32>
    %add3A_137 = arith.addi %mul3A_136, %iota3A : vector<16xi32>
    %mul3A_138 = arith.constant 128 : i32
    %mul3A_139 = vector.broadcast %mul3A_138 : i32 to vector<16xi32>
    %mul3A_140 = arith.muli %and3A_67, %mul3A_139 : vector<16xi32>
    %add3A_141 = arith.addi %mul3A_140, %iota3A : vector<16xi32>
    %mul3A_142 = arith.constant 128 : i32
    %mul3A_143 = vector.broadcast %mul3A_142 : i32 to vector<16xi32>
    %mul3A_144 = arith.muli %and3A_73, %mul3A_143 : vector<16xi32>
    %add3A_145 = arith.addi %mul3A_144, %iota3A : vector<16xi32>
    %mul3A_146 = arith.constant 128 : i32
    %mul3A_147 = vector.broadcast %mul3A_146 : i32 to vector<16xi32>
    %mul3A_148 = arith.muli %and3A_79, %mul3A_147 : vector<16xi32>
    %add3A_149 = arith.addi %mul3A_148, %iota3A : vector<16xi32>
    %mul3A_150 = arith.constant 128 : i32
    %mul3A_151 = vector.broadcast %mul3A_150 : i32 to vector<16xi32>
    %mul3A_152 = arith.muli %and3A_85, %mul3A_151 : vector<16xi32>
    %add3A_153 = arith.addi %mul3A_152, %iota3A : vector<16xi32>
    %mul3A_154 = arith.constant 128 : i32
    %mul3A_155 = vector.broadcast %mul3A_154 : i32 to vector<16xi32>
    %mul3A_156 = arith.muli %and3A_91, %mul3A_155 : vector<16xi32>
    %add3A_157 = arith.addi %mul3A_156, %iota3A : vector<16xi32>
    %mul3A_158 = arith.constant 128 : i32
    %mul3A_159 = vector.broadcast %mul3A_158 : i32 to vector<16xi32>
    %mul3A_160 = arith.muli %and3A_97, %mul3A_159 : vector<16xi32>
    %add3A_161 = arith.addi %mul3A_160, %iota3A : vector<16xi32>
    %dma_start3A = arith.constant 0 : i32
    %dma_start3A_162 = arith.constant 0 : i32
    %dma_start3A_163 = tpu.memref_slice %arg5[%dma_start3A, %dma_start3A_162] : memref<200x128xi32, #tpu.memory_space<vmem>> -> memref<1x128xi32, #tpu.memory_space<vmem>>
    %dma_start3A_164 = tpu.memref_squeeze %dma_start3A_163 : memref<1x128xi32, #tpu.memory_space<vmem>> -> memref<128xi32, #tpu.memory_space<vmem>>
    %dma_start3A_165 = arith.constant 0 : i32
    %dma_start3A_166 = arith.constant 0 : i32
    %dma_start3A_167 = tpu.memref_slice %arg3[%dma_start3A_165, %dma_start3A_166] : memref<1000000x64xf32, #tpu.memory_space<hbm>> -> memref<1000000x64xf32, #tpu.memory_space<hbm>>
    tpu.enqueue_indirect_dma source(%dma_start3A_167 : memref<1000000x64xf32, #tpu.memory_space<hbm>>) target(%arg6 : memref<128x64xf32, #tpu.memory_space<vmem>>) offsets(%dma_start3A_164 : memref<128xi32, #tpu.memory_space<vmem>>) semaphore(%arg10 : memref<!tpu.dma_semaphore, #tpu.memory_space<semaphore_mem>>)
    %dma_start3A_168 = arith.constant 1 : i32
    %dma_start3A_169 = arith.constant 0 : i32
    %dma_start3A_170 = tpu.memref_slice %arg5[%dma_start3A_168, %dma_start3A_169] : memref<200x128xi32, #tpu.memory_space<vmem>> -> memref<1x128xi32, #tpu.memory_space<vmem>>
    %dma_start3A_171 = tpu.memref_squeeze %dma_start3A_170 : memref<1x128xi32, #tpu.memory_space<vmem>> -> memref<128xi32, #tpu.memory_space<vmem>>
    %dma_start3A_172 = arith.constant 0 : i32
    %dma_start3A_173 = arith.constant 0 : i32
    %dma_start3A_174 = tpu.memref_slice %arg3[%dma_start3A_172, %dma_start3A_173] : memref<1000000x64xf32, #tpu.memory_space<hbm>> -> memref<1000000x64xf32, #tpu.memory_space<hbm>>
    tpu.enqueue_indirect_dma source(%dma_start3A_174 : memref<1000000x64xf32, #tpu.memory_space<hbm>>) target(%arg7 : memref<128x64xf32, #tpu.memory_space<vmem>>) offsets(%dma_start3A_171 : memref<128xi32, #tpu.memory_space<vmem>>) semaphore(%arg11 : memref<!tpu.dma_semaphore, #tpu.memory_space<semaphore_mem>>)
    %dma_wait3A = arith.constant 0 : i32
    %dma_wait3A_175 = arith.constant 0 : i32
    %dma_wait3A_176 = tpu.memref_slice %arg5[%dma_wait3A, %dma_wait3A_175] : memref<200x128xi32, #tpu.memory_space<vmem>> -> memref<1x128xi32, #tpu.memory_space<vmem>>
    %dma_wait3A_177 = tpu.memref_squeeze %dma_wait3A_176 : memref<1x128xi32, #tpu.memory_space<vmem>> -> memref<128xi32, #tpu.memory_space<vmem>>
    %dma_wait3A_178 = arith.constant 0 : i32
    %dma_wait3A_179 = arith.constant 0 : i32
    %dma_wait3A_180 = tpu.memref_slice %arg3[%dma_wait3A_178, %dma_wait3A_179] : memref<1000000x64xf32, #tpu.memory_space<hbm>> -> memref<1000000x64xf32, #tpu.memory_space<hbm>>
    tpu.wait_indirect_dma semaphore(%arg10 : memref<!tpu.dma_semaphore, #tpu.memory_space<semaphore_mem>>) src(%dma_wait3A_180 : memref<1000000x64xf32, #tpu.memory_space<hbm>>) dst(%arg6 : memref<128x64xf32, #tpu.memory_space<vmem>>)
    %scan3A = arith.constant 0 : i32
    %scan3A_181 = arith.constant 0 : i32
    %scan3A_182 = arith.constant 32 : i32
    %scan3A_183 = arith.addi %scan3A_181, %scan3A_182 : i32
    %scan3A_184 = arith.constant 1 : i32
    scf.for %scan3A_716 = %scan3A_181 to %scan3A_183 step %scan3A_184  : i32 {
      %jit3A_717 = arith.constant 8 : i32
      %div3A_718 = arith.divsi %scan3A_716, %jit3A_717 : i32
      %sign3A_719 = arith.constant 0 : i32
      %sign3A_720 = arith.cmpi sgt, %scan3A_716, %sign3A_719 : i32
      %sign3A_721 = arith.extui %sign3A_720 : i1 to i32
      %sign3A_722 = arith.constant 0 : i32
      %sign3A_723 = arith.cmpi slt, %scan3A_716, %sign3A_722 : i32
      %sign3A_724 = arith.extui %sign3A_723 : i1 to i32
      %sign3A_725 = arith.subi %sign3A_721, %sign3A_724 : i32
      %sign3A_726 = arith.constant 0 : i32
      %sign3A_727 = arith.cmpi sgt, %jit3A_717, %sign3A_726 : i32
      %sign3A_728 = arith.extui %sign3A_727 : i1 to i32
      %sign3A_729 = arith.constant 0 : i32
      %sign3A_730 = arith.cmpi slt, %jit3A_717, %sign3A_729 : i32
      %sign3A_731 = arith.extui %sign3A_730 : i1 to i32
      %sign3A_732 = arith.subi %sign3A_728, %sign3A_731 : i32
      %ne3A_733 = arith.cmpi ne, %sign3A_725, %sign3A_732 : i32
      %rem3A_734 = arith.remsi %scan3A_716, %jit3A_717 : i32
      %ne3A_735 = arith.constant 0 : i32
      %ne3A_736 = arith.cmpi ne, %rem3A_734, %ne3A_735 : i32
      %and3A_737 = arith.andi %ne3A_733, %ne3A_736 : i1
      %sub3A_738 = arith.constant 1 : i32
      %sub3A_739 = arith.subi %div3A_718, %sub3A_738 : i32
      %select_n3A_740 = arith.select %and3A_737, %sub3A_739, %div3A_718 : i32
      %mul3A_741 = arith.constant 16 : i32
      %mul3A_742 = arith.muli %select_n3A_740, %mul3A_741 : i32
      %jit3A_743 = arith.constant 8 : i32
      %eq3A_744 = arith.constant 0 : i32
      %eq3A_745 = arith.cmpi eq, %jit3A_743, %eq3A_744 : i32
      %jit3A_746 = arith.constant 1 : i32
      %select_n3A_747 = arith.select %eq3A_745, %jit3A_746, %jit3A_743 : i32
      %rem3A_748 = arith.remsi %scan3A_716, %select_n3A_747 : i32
      %ne3A_749 = arith.constant 0 : i32
      %ne3A_750 = arith.cmpi ne, %rem3A_748, %ne3A_749 : i32
      %lt3A_751 = arith.constant 0 : i32
      %lt3A_752 = arith.cmpi slt, %rem3A_748, %lt3A_751 : i32
      %lt3A_753 = arith.constant 0 : i32
      %lt3A_754 = arith.cmpi slt, %select_n3A_747, %lt3A_753 : i32
      %ne3A_755 = arith.xori %lt3A_752, %lt3A_754 : i1
      %and3A_756 = arith.andi %ne3A_755, %ne3A_750 : i1
      %add3A_757 = arith.addi %rem3A_748, %select_n3A_747 : i32
      %select_n3A_758 = arith.select %and3A_756, %add3A_757, %rem3A_748 : i32
      %mul3A_759 = arith.constant 16 : i32
      %mul3A_760 = arith.muli %select_n3A_758, %mul3A_759 : i32
      %add3A_761 = vector.broadcast %mul3A_760 : i32 to vector<16xi32>
      %add3A_762 = arith.addi %iota3A, %add3A_761 : vector<16xi32>
      %mul3A_763 = arith.constant 128 : i32
      %mul3A_764 = arith.muli %mul3A_742, %mul3A_763 : i32
      %add3A_765 = arith.addi %mul3A_764, %mul3A_760 : i32
      %add3A_766 = vector.broadcast %mul3A_742 : i32 to vector<16xi32>
      %add3A_767 = arith.addi %and3A_7, %add3A_766 : vector<16xi32>
      %gather3A = tpu.vector_load_idx %arg6[%add3A_762, %add3A_767] : memref<128x64xf32, #tpu.memory_space<vmem>>[vector<16xi32>, vector<16xi32>], vector<16xf32>,
      %add3A_768 = vector.broadcast %add3A_765 : i32 to vector<16xi32>
      %add3A_769 = arith.addi %add3A_101, %add3A_768 : vector<16xi32>
      tpu.vector_store_idx %arg8[%add3A_769], %gather3A : memref<8192xf32, #tpu.memory_space<vmem>>[vector<16xi32>], vector<16xf32>,
      %add3A_770 = vector.broadcast %mul3A_742 : i32 to vector<16xi32>
      %add3A_771 = arith.addi %and3A_13, %add3A_770 : vector<16xi32>
      %gather3A_772 = tpu.vector_load_idx %arg6[%add3A_762, %add3A_771] : memref<128x64xf32, #tpu.memory_space<vmem>>[vector<16xi32>, vector<16xi32>], vector<16xf32>,
      %add3A_773 = vector.broadcast %add3A_765 : i32 to vector<16xi32>
      %add3A_774 = arith.addi %add3A_105, %add3A_773 : vector<16xi32>
      tpu.vector_store_idx %arg8[%add3A_774], %gather3A_772 : memref<8192xf32, #tpu.memory_space<vmem>>[vector<16xi32>], vector<16xf32>,
      %add3A_775 = vector.broadcast %mul3A_742 : i32 to vector<16xi32>
      %add3A_776 = arith.addi %and3A_19, %add3A_775 : vector<16xi32>
      %gather3A_777 = tpu.vector_load_idx %arg6[%add3A_762, %add3A_776] : memref<128x64xf32, #tpu.memory_space<vmem>>[vector<16xi32>, vector<16xi32>], vector<16xf32>,
      %add3A_778 = vector.broadcast %add3A_765 : i32 to vector<16xi32>
      %add3A_779 = arith.addi %add3A_109, %add3A_778 : vector<16xi32>
      tpu.vector_store_idx %arg8[%add3A_779], %gather3A_777 : memref<8192xf32, #tpu.memory_space<vmem>>[vector<16xi32>], vector<16xf32>,
      %add3A_780 = vector.broadcast %mul3A_742 : i32 to vector<16xi32>
      %add3A_781 = arith.addi %and3A_25, %add3A_780 : vector<16xi32>
      %gather3A_782 = tpu.vector_load_idx %arg6[%add3A_762, %add3A_781] : memref<128x64xf32, #tpu.memory_space<vmem>>[vector<16xi32>, vector<16xi32>], vector<16xf32>,
      %add3A_783 = vector.broadcast %add3A_765 : i32 to vector<16xi32>
      %add3A_784 = arith.addi %add3A_113, %add3A_783 : vector<16xi32>
      tpu.vector_store_idx %arg8[%add3A_784], %gather3A_782 : memref<8192xf32, #tpu.memory_space<vmem>>[vector<16xi32>], vector<16xf32>,
      %add3A_785 = vector.broadcast %mul3A_742 : i32 to vector<16xi32>
      %add3A_786 = arith.addi %and3A_31, %add3A_785 : vector<16xi32>
      %gather3A_787 = tpu.vector_load_idx %arg6[%add3A_762, %add3A_786] : memref<128x64xf32, #tpu.memory_space<vmem>>[vector<16xi32>, vector<16xi32>], vector<16xf32>,
      %add3A_788 = vector.broadcast %add3A_765 : i32 to vector<16xi32>
      %add3A_789 = arith.addi %add3A_117, %add3A_788 : vector<16xi32>
      tpu.vector_store_idx %arg8[%add3A_789], %gather3A_787 : memref<8192xf32, #tpu.memory_space<vmem>>[vector<16xi32>], vector<16xf32>,
      %add3A_790 = vector.broadcast %mul3A_742 : i32 to vector<16xi32>
      %add3A_791 = arith.addi %and3A_37, %add3A_790 : vector<16xi32>
      %gather3A_792 = tpu.vector_load_idx %arg6[%add3A_762, %add3A_791] : memref<128x64xf32, #tpu.memory_space<vmem>>[vector<16xi32>, vector<16xi32>], vector<16xf32>,
      %add3A_793 = vector.broadcast %add3A_765 : i32 to vector<16xi32>
      %add3A_794 = arith.addi %add3A_121, %add3A_793 : vector<16xi32>
      tpu.vector_store_idx %arg8[%add3A_794], %gather3A_792 : memref<8192xf32, #tpu.memory_space<vmem>>[vector<16xi32>], vector<16xf32>,
      %add3A_795 = vector.broadcast %mul3A_742 : i32 to vector<16xi32>
      %add3A_796 = arith.addi %and3A_43, %add3A_795 : vector<16xi32>
      %gather3A_797 = tpu.vector_load_idx %arg6[%add3A_762, %add3A_796] : memref<128x64xf32, #tpu.memory_space<vmem>>[vector<16xi32>, vector<16xi32>], vector<16xf32>,
      %add3A_798 = vector.broadcast %add3A_765 : i32 to vector<16xi32>
      %add3A_799 = arith.addi %add3A_125, %add3A_798 : vector<16xi32>
      tpu.vector_store_idx %arg8[%add3A_799], %gather3A_797 : memref<8192xf32, #tpu.memory_space<vmem>>[vector<16xi32>], vector<16xf32>,
      %add3A_800 = vector.broadcast %mul3A_742 : i32 to vector<16xi32>
      %add3A_801 = arith.addi %and3A_49, %add3A_800 : vector<16xi32>
      %gather3A_802 = tpu.vector_load_idx %arg6[%add3A_762, %add3A_801] : memref<128x64xf32, #tpu.memory_space<vmem>>[vector<16xi32>, vector<16xi32>], vector<16xf32>,
      %add3A_803 = vector.broadcast %add3A_765 : i32 to vector<16xi32>
      %add3A_804 = arith.addi %add3A_129, %add3A_803 : vector<16xi32>
      tpu.vector_store_idx %arg8[%add3A_804], %gather3A_802 : memref<8192xf32, #tpu.memory_space<vmem>>[vector<16xi32>], vector<16xf32>,
      %add3A_805 = vector.broadcast %mul3A_742 : i32 to vector<16xi32>
      %add3A_806 = arith.addi %and3A_55, %add3A_805 : vector<16xi32>
      %gather3A_807 = tpu.vector_load_idx %arg6[%add3A_762, %add3A_806] : memref<128x64xf32, #tpu.memory_space<vmem>>[vector<16xi32>, vector<16xi32>], vector<16xf32>,
      %add3A_808 = vector.broadcast %add3A_765 : i32 to vector<16xi32>
      %add3A_809 = arith.addi %add3A_133, %add3A_808 : vector<16xi32>
      tpu.vector_store_idx %arg8[%add3A_809], %gather3A_807 : memref<8192xf32, #tpu.memory_space<vmem>>[vector<16xi32>], vector<16xf32>,
      %add3A_810 = vector.broadcast %mul3A_742 : i32 to vector<16xi32>
      %add3A_811 = arith.addi %and3A_61, %add3A_810 : vector<16xi32>
      %gather3A_812 = tpu.vector_load_idx %arg6[%add3A_762, %add3A_811] : memref<128x64xf32, #tpu.memory_space<vmem>>[vector<16xi32>, vector<16xi32>], vector<16xf32>,
      %add3A_813 = vector.broadcast %add3A_765 : i32 to vector<16xi32>
      %add3A_814 = arith.addi %add3A_137, %add3A_813 : vector<16xi32>
      tpu.vector_store_idx %arg8[%add3A_814], %gather3A_812 : memref<8192xf32, #tpu.memory_space<vmem>>[vector<16xi32>], vector<16xf32>,
      %add3A_815 = vector.broadcast %mul3A_742 : i32 to vector<16xi32>
      %add3A_816 = arith.addi %and3A_67, %add3A_815 : vector<16xi32>
      %gather3A_817 = tpu.vector_load_idx %arg6[%add3A_762, %add3A_816] : memref<128x64xf32, #tpu.memory_space<vmem>>[vector<16xi32>, vector<16xi32>], vector<16xf32>,
      %add3A_818 = vector.broadcast %add3A_765 : i32 to vector<16xi32>
      %add3A_819 = arith.addi %add3A_141, %add3A_818 : vector<16xi32>
      tpu.vector_store_idx %arg8[%add3A_819], %gather3A_817 : memref<8192xf32, #tpu.memory_space<vmem>>[vector<16xi32>], vector<16xf32>,
      %add3A_820 = vector.broadcast %mul3A_742 : i32 to vector<16xi32>
      %add3A_821 = arith.addi %and3A_73, %add3A_820 : vector<16xi32>
      %gather3A_822 = tpu.vector_load_idx %arg6[%add3A_762, %add3A_821] : memref<128x64xf32, #tpu.memory_space<vmem>>[vector<16xi32>, vector<16xi32>], vector<16xf32>,
      %add3A_823 = vector.broadcast %add3A_765 : i32 to vector<16xi32>
      %add3A_824 = arith.addi %add3A_145, %add3A_823 : vector<16xi32>
      tpu.vector_store_idx %arg8[%add3A_824], %gather3A_822 : memref<8192xf32, #tpu.memory_space<vmem>>[vector<16xi32>], vector<16xf32>,
      %add3A_825 = vector.broadcast %mul3A_742 : i32 to vector<16xi32>
      %add3A_826 = arith.addi %and3A_79, %add3A_825 : vector<16xi32>
      %gather3A_827 = tpu.vector_load_idx %arg6[%add3A_762, %add3A_826] : memref<128x64xf32, #tpu.memory_space<vmem>>[vector<16xi32>, vector<16xi32>], vector<16xf32>,
      %add3A_828 = vector.broadcast %add3A_765 : i32 to vector<16xi32>
      %add3A_829 = arith.addi %add3A_149, %add3A_828 : vector<16xi32>
      tpu.vector_store_idx %arg8[%add3A_829], %gather3A_827 : memref<8192xf32, #tpu.memory_space<vmem>>[vector<16xi32>], vector<16xf32>,
      %add3A_830 = vector.broadcast %mul3A_742 : i32 to vector<16xi32>
      %add3A_831 = arith.addi %and3A_85, %add3A_830 : vector<16xi32>
      %gather3A_832 = tpu.vector_load_idx %arg6[%add3A_762, %add3A_831] : memref<128x64xf32, #tpu.memory_space<vmem>>[vector<16xi32>, vector<16xi32>], vector<16xf32>,
      %add3A_833 = vector.broadcast %add3A_765 : i32 to vector<16xi32>
      %add3A_834 = arith.addi %add3A_153, %add3A_833 : vector<16xi32>
      tpu.vector_store_idx %arg8[%add3A_834], %gather3A_832 : memref<8192xf32, #tpu.memory_space<vmem>>[vector<16xi32>], vector<16xf32>,
      %add3A_835 = vector.broadcast %mul3A_742 : i32 to vector<16xi32>
      %add3A_836 = arith.addi %and3A_91, %add3A_835 : vector<16xi32>
      %gather3A_837 = tpu.vector_load_idx %arg6[%add3A_762, %add3A_836] : memref<128x64xf32, #tpu.memory_space<vmem>>[vector<16xi32>, vector<16xi32>], vector<16xf32>,
      %add3A_838 = vector.broadcast %add3A_765 : i32 to vector<16xi32>
      %add3A_839 = arith.addi %add3A_157, %add3A_838 : vector<16xi32>
      tpu.vector_store_idx %arg8[%add3A_839], %gather3A_837 : memref<8192xf32, #tpu.memory_space<vmem>>[vector<16xi32>], vector<16xf32>,
      %add3A_840 = vector.broadcast %mul3A_742 : i32 to vector<16xi32>
      %add3A_841 = arith.addi %and3A_97, %add3A_840 : vector<16xi32>
      %gather3A_842 = tpu.vector_load_idx %arg6[%add3A_762, %add3A_841] : memref<128x64xf32, #tpu.memory_space<vmem>>[vector<16xi32>, vector<16xi32>], vector<16xf32>,
      %add3A_843 = vector.broadcast %add3A_765 : i32 to vector<16xi32>
      %add3A_844 = arith.addi %add3A_161, %add3A_843 : vector<16xi32>
      tpu.vector_store_idx %arg8[%add3A_844], %gather3A_842 : memref<8192xf32, #tpu.memory_space<vmem>>[vector<16xi32>], vector<16xf32>,
    }
    %scan3A_185 = arith.constant 32 : i32
    %add3A_186 = arith.constant 0 : i32
    %add3A_187 = arith.addi %mul3A_2, %add3A_186 : i32
    %jit3A = arith.constant 32 : i32
    %div3A = arith.divsi %add3A_187, %jit3A : i32
    %sign3A = arith.constant 0 : i32
    %sign3A_188 = arith.cmpi sgt, %add3A_187, %sign3A : i32
    %sign3A_189 = arith.extui %sign3A_188 : i1 to i32
    %sign3A_190 = arith.constant 0 : i32
    %sign3A_191 = arith.cmpi slt, %add3A_187, %sign3A_190 : i32
    %sign3A_192 = arith.extui %sign3A_191 : i1 to i32
    %sign3A_193 = arith.subi %sign3A_189, %sign3A_192 : i32
    %sign3A_194 = arith.constant 0 : i32
    %sign3A_195 = arith.cmpi sgt, %jit3A, %sign3A_194 : i32
    %sign3A_196 = arith.extui %sign3A_195 : i1 to i32
    %sign3A_197 = arith.constant 0 : i32
    %sign3A_198 = arith.cmpi slt, %jit3A, %sign3A_197 : i32
    %sign3A_199 = arith.extui %sign3A_198 : i1 to i32
    %sign3A_200 = arith.subi %sign3A_196, %sign3A_199 : i32
    %ne3A = arith.cmpi ne, %sign3A_193, %sign3A_200 : i32
    %rem3A = arith.remsi %add3A_187, %jit3A : i32
    %ne3A_201 = arith.constant 0 : i32
    %ne3A_202 = arith.cmpi ne, %rem3A, %ne3A_201 : i32
    %and3A_203 = arith.andi %ne3A, %ne3A_202 : i1
    %sub3A = arith.constant 1 : i32
    %sub3A_204 = arith.subi %div3A, %sub3A : i32
    %select_n3A = arith.select %and3A_203, %sub3A_204, %div3A : i32
    %jit3A_205 = arith.constant 32 : i32
    %eq3A = arith.constant 0 : i32
    %eq3A_206 = arith.cmpi eq, %jit3A_205, %eq3A : i32
    %jit3A_207 = arith.constant 1 : i32
    %select_n3A_208 = arith.select %eq3A_206, %jit3A_207, %jit3A_205 : i32
    %rem3A_209 = arith.remsi %add3A_187, %select_n3A_208 : i32
    %ne3A_210 = arith.constant 0 : i32
    %ne3A_211 = arith.cmpi ne, %rem3A_209, %ne3A_210 : i32
    %lt3A = arith.constant 0 : i32
    %lt3A_212 = arith.cmpi slt, %rem3A_209, %lt3A : i32
    %lt3A_213 = arith.constant 0 : i32
    %lt3A_214 = arith.cmpi slt, %select_n3A_208, %lt3A_213 : i32
    %ne3A_215 = arith.xori %lt3A_212, %lt3A_214 : i1
    %and3A_216 = arith.andi %ne3A_215, %ne3A_211 : i1
    %add3A_217 = arith.addi %rem3A_209, %select_n3A_208 : i32
    %select_n3A_218 = arith.select %and3A_216, %add3A_217, %rem3A_209 : i32
    %dma_start3A_219 = arith.constant 0 : i32
    %dma_start3A_220 = arith.constant 0 : i32
    %dma_start3A_221 = tpu.memref_slice %arg8[%dma_start3A_220] : memref<8192xf32, #tpu.memory_space<vmem>> -> memref<1024xf32, #tpu.memory_space<vmem>>
    %dma_start3A_222 = arith.constant 0 : i32
    %dma_start3A_223 = tpu.memref_slice %arg4[%select_n3A, %dma_start3A_219, %select_n3A_218, %dma_start3A_222] : memref<200x8x32x1024xf32, #tpu.memory_space<hbm>> -> memref<1x1x1x1024xf32, #tpu.memory_space<hbm>>
    %dma_start3A_224 = tpu.memref_squeeze %dma_start3A_223 : memref<1x1x1x1024xf32, #tpu.memory_space<hbm>> -> memref<1024xf32, #tpu.memory_space<hbm>>
    %dma_start3A_225 = arith.constant 0 : i32
    %dma_start3A_226 = tpu.memref_slice %arg4[%select_n3A, %dma_start3A_219, %select_n3A_218, %dma_start3A_225] : memref<200x8x32x1024xf32, #tpu.memory_space<hbm>> -> memref<1x1x1x1024xf32, #tpu.memory_space<hbm>>
    %dma_start3A_227 = tpu.memref_squeeze %dma_start3A_226 : memref<1x1x1x1024xf32, #tpu.memory_space<hbm>> -> memref<1024xf32, #tpu.memory_space<hbm>>
    %dma_start3A_228 = arith.constant 0 : i32
    %dma_start3A_229 = tpu.memref_slice %arg8[%dma_start3A_228] : memref<8192xf32, #tpu.memory_space<vmem>> -> memref<1024xf32, #tpu.memory_space<vmem>>
    tpu.enqueue_dma source(%dma_start3A_229 : memref<1024xf32, #tpu.memory_space<vmem>>) target(%dma_start3A_227 : memref<1024xf32, #tpu.memory_space<hbm>>) target_semaphore(%arg12 : memref<!tpu.dma_semaphore, #tpu.memory_space<semaphore_mem>>)
    %dma_start3A_230 = arith.constant 1 : i32
    %dma_start3A_231 = arith.constant 1024 : i32
    %dma_start3A_232 = tpu.memref_slice %arg8[%dma_start3A_231] : memref<8192xf32, #tpu.memory_space<vmem>> -> memref<1024xf32, #tpu.memory_space<vmem>>
    %dma_start3A_233 = arith.constant 0 : i32
    %dma_start3A_234 = tpu.memref_slice %arg4[%select_n3A, %dma_start3A_230, %select_n3A_218, %dma_start3A_233] : memref<200x8x32x1024xf32, #tpu.memory_space<hbm>> -> memref<1x1x1x1024xf32, #tpu.memory_space<hbm>>
    %dma_start3A_235 = tpu.memref_squeeze %dma_start3A_234 : memref<1x1x1x1024xf32, #tpu.memory_space<hbm>> -> memref<1024xf32, #tpu.memory_space<hbm>>
    %dma_start3A_236 = arith.constant 0 : i32
    %dma_start3A_237 = tpu.memref_slice %arg4[%select_n3A, %dma_start3A_230, %select_n3A_218, %dma_start3A_236] : memref<200x8x32x1024xf32, #tpu.memory_space<hbm>> -> memref<1x1x1x1024xf32, #tpu.memory_space<hbm>>
    %dma_start3A_238 = tpu.memref_squeeze %dma_start3A_237 : memref<1x1x1x1024xf32, #tpu.memory_space<hbm>> -> memref<1024xf32, #tpu.memory_space<hbm>>
    %dma_start3A_239 = arith.constant 1024 : i32
    %dma_start3A_240 = tpu.memref_slice %arg8[%dma_start3A_239] : memref<8192xf32, #tpu.memory_space<vmem>> -> memref<1024xf32, #tpu.memory_space<vmem>>
    tpu.enqueue_dma source(%dma_start3A_240 : memref<1024xf32, #tpu.memory_space<vmem>>) target(%dma_start3A_238 : memref<1024xf32, #tpu.memory_space<hbm>>) target_semaphore(%arg12 : memref<!tpu.dma_semaphore, #tpu.memory_space<semaphore_mem>>)
    %dma_start3A_241 = arith.constant 2 : i32
    %dma_start3A_242 = arith.constant 2048 : i32
    %dma_start3A_243 = tpu.memref_slice %arg8[%dma_start3A_242] : memref<8192xf32, #tpu.memory_space<vmem>> -> memref<1024xf32, #tpu.memory_space<vmem>>
    %dma_start3A_244 = arith.constant 0 : i32
    %dma_start3A_245 = tpu.memref_slice %arg4[%select_n3A, %dma_start3A_241, %select_n3A_218, %dma_start3A_244] : memref<200x8x32x1024xf32, #tpu.memory_space<hbm>> -> memref<1x1x1x1024xf32, #tpu.memory_space<hbm>>
    %dma_start3A_246 = tpu.memref_squeeze %dma_start3A_245 : memref<1x1x1x1024xf32, #tpu.memory_space<hbm>> -> memref<1024xf32, #tpu.memory_space<hbm>>
    %dma_start3A_247 = arith.constant 0 : i32
    %dma_start3A_248 = tpu.memref_slice %arg4[%select_n3A, %dma_start3A_241, %select_n3A_218, %dma_start3A_247] : memref<200x8x32x1024xf32, #tpu.memory_space<hbm>> -> memref<1x1x1x1024xf32, #tpu.memory_space<hbm>>
    %dma_start3A_249 = tpu.memref_squeeze %dma_start3A_248 : memref<1x1x1x1024xf32, #tpu.memory_space<hbm>> -> memref<1024xf32, #tpu.memory_space<hbm>>
    %dma_start3A_250 = arith.constant 2048 : i32
    %dma_start3A_251 = tpu.memref_slice %arg8[%dma_start3A_250] : memref<8192xf32, #tpu.memory_space<vmem>> -> memref<1024xf32, #tpu.memory_space<vmem>>
    tpu.enqueue_dma source(%dma_start3A_251 : memref<1024xf32, #tpu.memory_space<vmem>>) target(%dma_start3A_249 : memref<1024xf32, #tpu.memory_space<hbm>>) target_semaphore(%arg12 : memref<!tpu.dma_semaphore, #tpu.memory_space<semaphore_mem>>)
    %dma_start3A_252 = arith.constant 3 : i32
    %dma_start3A_253 = arith.constant 3072 : i32
    %dma_start3A_254 = tpu.memref_slice %arg8[%dma_start3A_253] : memref<8192xf32, #tpu.memory_space<vmem>> -> memref<1024xf32, #tpu.memory_space<vmem>>
    %dma_start3A_255 = arith.constant 0 : i32
    %dma_start3A_256 = tpu.memref_slice %arg4[%select_n3A, %dma_start3A_252, %select_n3A_218, %dma_start3A_255] : memref<200x8x32x1024xf32, #tpu.memory_space<hbm>> -> memref<1x1x1x1024xf32, #tpu.memory_space<hbm>>
    %dma_start3A_257 = tpu.memref_squeeze %dma_start3A_256 : memref<1x1x1x1024xf32, #tpu.memory_space<hbm>> -> memref<1024xf32, #tpu.memory_space<hbm>>
    %dma_start3A_258 = arith.constant 0 : i32
    %dma_start3A_259 = tpu.memref_slice %arg4[%select_n3A, %dma_start3A_252, %select_n3A_218, %dma_start3A_258] : memref<200x8x32x1024xf32, #tpu.memory_space<hbm>> -> memref<1x1x1x1024xf32, #tpu.memory_space<hbm>>
    %dma_start3A_260 = tpu.memref_squeeze %dma_start3A_259 : memref<1x1x1x1024xf32, #tpu.memory_space<hbm>> -> memref<1024xf32, #tpu.memory_space<hbm>>
    %dma_start3A_261 = arith.constant 3072 : i32
    %dma_start3A_262 = tpu.memref_slice %arg8[%dma_start3A_261] : memref<8192xf32, #tpu.memory_space<vmem>> -> memref<1024xf32, #tpu.memory_space<vmem>>
    tpu.enqueue_dma source(%dma_start3A_262 : memref<1024xf32, #tpu.memory_space<vmem>>) target(%dma_start3A_260 : memref<1024xf32, #tpu.memory_space<hbm>>) target_semaphore(%arg12 : memref<!tpu.dma_semaphore, #tpu.memory_space<semaphore_mem>>)
    %dma_start3A_263 = arith.constant 4 : i32
    %dma_start3A_264 = arith.constant 4096 : i32
    %dma_start3A_265 = tpu.memref_slice %arg8[%dma_start3A_264] : memref<8192xf32, #tpu.memory_space<vmem>> -> memref<1024xf32, #tpu.memory_space<vmem>>
    %dma_start3A_266 = arith.constant 0 : i32
    %dma_start3A_267 = tpu.memref_slice %arg4[%select_n3A, %dma_start3A_263, %select_n3A_218, %dma_start3A_266] : memref<200x8x32x1024xf32, #tpu.memory_space<hbm>> -> memref<1x1x1x1024xf32, #tpu.memory_space<hbm>>
    %dma_start3A_268 = tpu.memref_squeeze %dma_start3A_267 : memref<1x1x1x1024xf32, #tpu.memory_space<hbm>> -> memref<1024xf32, #tpu.memory_space<hbm>>
    %dma_start3A_269 = arith.constant 0 : i32
    %dma_start3A_270 = tpu.memref_slice %arg4[%select_n3A, %dma_start3A_263, %select_n3A_218, %dma_start3A_269] : memref<200x8x32x1024xf32, #tpu.memory_space<hbm>> -> memref<1x1x1x1024xf32, #tpu.memory_space<hbm>>
    %dma_start3A_271 = tpu.memref_squeeze %dma_start3A_270 : memref<1x1x1x1024xf32, #tpu.memory_space<hbm>> -> memref<1024xf32, #tpu.memory_space<hbm>>
    %dma_start3A_272 = arith.constant 4096 : i32
    %dma_start3A_273 = tpu.memref_slice %arg8[%dma_start3A_272] : memref<8192xf32, #tpu.memory_space<vmem>> -> memref<1024xf32, #tpu.memory_space<vmem>>
    tpu.enqueue_dma source(%dma_start3A_273 : memref<1024xf32, #tpu.memory_space<vmem>>) target(%dma_start3A_271 : memref<1024xf32, #tpu.memory_space<hbm>>) target_semaphore(%arg12 : memref<!tpu.dma_semaphore, #tpu.memory_space<semaphore_mem>>)
    %dma_start3A_274 = arith.constant 5 : i32
    %dma_start3A_275 = arith.constant 5120 : i32
    %dma_start3A_276 = tpu.memref_slice %arg8[%dma_start3A_275] : memref<8192xf32, #tpu.memory_space<vmem>> -> memref<1024xf32, #tpu.memory_space<vmem>>
    %dma_start3A_277 = arith.constant 0 : i32
    %dma_start3A_278 = tpu.memref_slice %arg4[%select_n3A, %dma_start3A_274, %select_n3A_218, %dma_start3A_277] : memref<200x8x32x1024xf32, #tpu.memory_space<hbm>> -> memref<1x1x1x1024xf32, #tpu.memory_space<hbm>>
    %dma_start3A_279 = tpu.memref_squeeze %dma_start3A_278 : memref<1x1x1x1024xf32, #tpu.memory_space<hbm>> -> memref<1024xf32, #tpu.memory_space<hbm>>
    %dma_start3A_280 = arith.constant 0 : i32
    %dma_start3A_281 = tpu.memref_slice %arg4[%select_n3A, %dma_start3A_274, %select_n3A_218, %dma_start3A_280] : memref<200x8x32x1024xf32, #tpu.memory_space<hbm>> -> memref<1x1x1x1024xf32, #tpu.memory_space<hbm>>
    %dma_start3A_282 = tpu.memref_squeeze %dma_start3A_281 : memref<1x1x1x1024xf32, #tpu.memory_space<hbm>> -> memref<1024xf32, #tpu.memory_space<hbm>>
    %dma_start3A_283 = arith.constant 5120 : i32
    %dma_start3A_284 = tpu.memref_slice %arg8[%dma_start3A_283] : memref<8192xf32, #tpu.memory_space<vmem>> -> memref<1024xf32, #tpu.memory_space<vmem>>
    tpu.enqueue_dma source(%dma_start3A_284 : memref<1024xf32, #tpu.memory_space<vmem>>) target(%dma_start3A_282 : memref<1024xf32, #tpu.memory_space<hbm>>) target_semaphore(%arg12 : memref<!tpu.dma_semaphore, #tpu.memory_space<semaphore_mem>>)
    %dma_start3A_285 = arith.constant 6 : i32
    %dma_start3A_286 = arith.constant 6144 : i32
    %dma_start3A_287 = tpu.memref_slice %arg8[%dma_start3A_286] : memref<8192xf32, #tpu.memory_space<vmem>> -> memref<1024xf32, #tpu.memory_space<vmem>>
    %dma_start3A_288 = arith.constant 0 : i32
    %dma_start3A_289 = tpu.memref_slice %arg4[%select_n3A, %dma_start3A_285, %select_n3A_218, %dma_start3A_288] : memref<200x8x32x1024xf32, #tpu.memory_space<hbm>> -> memref<1x1x1x1024xf32, #tpu.memory_space<hbm>>
    %dma_start3A_290 = tpu.memref_squeeze %dma_start3A_289 : memref<1x1x1x1024xf32, #tpu.memory_space<hbm>> -> memref<1024xf32, #tpu.memory_space<hbm>>
    %dma_start3A_291 = arith.constant 0 : i32
    %dma_start3A_292 = tpu.memref_slice %arg4[%select_n3A, %dma_start3A_285, %select_n3A_218, %dma_start3A_291] : memref<200x8x32x1024xf32, #tpu.memory_space<hbm>> -> memref<1x1x1x1024xf32, #tpu.memory_space<hbm>>
    %dma_start3A_293 = tpu.memref_squeeze %dma_start3A_292 : memref<1x1x1x1024xf32, #tpu.memory_space<hbm>> -> memref<1024xf32, #tpu.memory_space<hbm>>
    %dma_start3A_294 = arith.constant 6144 : i32
    %dma_start3A_295 = tpu.memref_slice %arg8[%dma_start3A_294] : memref<8192xf32, #tpu.memory_space<vmem>> -> memref<1024xf32, #tpu.memory_space<vmem>>
    tpu.enqueue_dma source(%dma_start3A_295 : memref<1024xf32, #tpu.memory_space<vmem>>) target(%dma_start3A_293 : memref<1024xf32, #tpu.memory_space<hbm>>) target_semaphore(%arg12 : memref<!tpu.dma_semaphore, #tpu.memory_space<semaphore_mem>>)
    %dma_start3A_296 = arith.constant 7 : i32
    %dma_start3A_297 = arith.constant 7168 : i32
    %dma_start3A_298 = tpu.memref_slice %arg8[%dma_start3A_297] : memref<8192xf32, #tpu.memory_space<vmem>> -> memref<1024xf32, #tpu.memory_space<vmem>>
    %dma_start3A_299 = arith.constant 0 : i32
    %dma_start3A_300 = tpu.memref_slice %arg4[%select_n3A, %dma_start3A_296, %select_n3A_218, %dma_start3A_299] : memref<200x8x32x1024xf32, #tpu.memory_space<hbm>> -> memref<1x1x1x1024xf32, #tpu.memory_space<hbm>>
    %dma_start3A_301 = tpu.memref_squeeze %dma_start3A_300 : memref<1x1x1x1024xf32, #tpu.memory_space<hbm>> -> memref<1024xf32, #tpu.memory_space<hbm>>
    %dma_start3A_302 = arith.constant 0 : i32
    %dma_start3A_303 = tpu.memref_slice %arg4[%select_n3A, %dma_start3A_296, %select_n3A_218, %dma_start3A_302] : memref<200x8x32x1024xf32, #tpu.memory_space<hbm>> -> memref<1x1x1x1024xf32, #tpu.memory_space<hbm>>
    %dma_start3A_304 = tpu.memref_squeeze %dma_start3A_303 : memref<1x1x1x1024xf32, #tpu.memory_space<hbm>> -> memref<1024xf32, #tpu.memory_space<hbm>>
    %dma_start3A_305 = arith.constant 7168 : i32
    %dma_start3A_306 = tpu.memref_slice %arg8[%dma_start3A_305] : memref<8192xf32, #tpu.memory_space<vmem>> -> memref<1024xf32, #tpu.memory_space<vmem>>
    tpu.enqueue_dma source(%dma_start3A_306 : memref<1024xf32, #tpu.memory_space<vmem>>) target(%dma_start3A_304 : memref<1024xf32, #tpu.memory_space<hbm>>) target_semaphore(%arg12 : memref<!tpu.dma_semaphore, #tpu.memory_space<semaphore_mem>>)
    %scan3A_307 = arith.constant 0 : i32
    %scan3A_308 = arith.constant 0 : i32
    %scan3A_309 = arith.constant 99 : i32
    %scan3A_310 = arith.addi %scan3A_308, %scan3A_309 : i32
    %scan3A_311 = arith.constant 1 : i32
    scf.for %scan3A_716 = %scan3A_308 to %scan3A_310 step %scan3A_311  : i32 {
      %mul3A_717 = arith.constant 2 : i32
      %mul3A_718 = arith.muli %mul3A_717, %scan3A_716 : i32
      %add3A_719 = arith.constant 1 : i32
      %add3A_720 = arith.addi %mul3A_718, %add3A_719 : i32
      %dma_wait3A_721 = arith.constant 0 : i32
      %dma_wait3A_722 = tpu.memref_slice %arg5[%add3A_720, %dma_wait3A_721] : memref<200x128xi32, #tpu.memory_space<vmem>> -> memref<1x128xi32, #tpu.memory_space<vmem>>
      %dma_wait3A_723 = tpu.memref_squeeze %dma_wait3A_722 : memref<1x128xi32, #tpu.memory_space<vmem>> -> memref<128xi32, #tpu.memory_space<vmem>>
      %dma_wait3A_724 = arith.constant 0 : i32
      %dma_wait3A_725 = arith.constant 0 : i32
      %dma_wait3A_726 = tpu.memref_slice %arg3[%dma_wait3A_724, %dma_wait3A_725] : memref<1000000x64xf32, #tpu.memory_space<hbm>> -> memref<1000000x64xf32, #tpu.memory_space<hbm>>
      tpu.wait_indirect_dma semaphore(%arg11 : memref<!tpu.dma_semaphore, #tpu.memory_space<semaphore_mem>>) src(%dma_wait3A_726 : memref<1000000x64xf32, #tpu.memory_space<hbm>>) dst(%arg7 : memref<128x64xf32, #tpu.memory_space<vmem>>)
      %add3A_727 = arith.constant 1 : i32
      %add3A_728 = arith.addi %add3A_720, %add3A_727 : i32
      %dma_start3A_729 = arith.constant 0 : i32
      %dma_start3A_730 = tpu.memref_slice %arg5[%add3A_728, %dma_start3A_729] : memref<200x128xi32, #tpu.memory_space<vmem>> -> memref<1x128xi32, #tpu.memory_space<vmem>>
      %dma_start3A_731 = tpu.memref_squeeze %dma_start3A_730 : memref<1x128xi32, #tpu.memory_space<vmem>> -> memref<128xi32, #tpu.memory_space<vmem>>
      %dma_start3A_732 = arith.constant 0 : i32
      %dma_start3A_733 = arith.constant 0 : i32
      %dma_start3A_734 = tpu.memref_slice %arg3[%dma_start3A_732, %dma_start3A_733] : memref<1000000x64xf32, #tpu.memory_space<hbm>> -> memref<1000000x64xf32, #tpu.memory_space<hbm>>
      tpu.enqueue_indirect_dma source(%dma_start3A_734 : memref<1000000x64xf32, #tpu.memory_space<hbm>>) target(%arg6 : memref<128x64xf32, #tpu.memory_space<vmem>>) offsets(%dma_start3A_731 : memref<128xi32, #tpu.memory_space<vmem>>) semaphore(%arg10 : memref<!tpu.dma_semaphore, #tpu.memory_space<semaphore_mem>>)
      %scan3A_735 = arith.constant 0 : i32
      %scan3A_736 = arith.constant 0 : i32
      %scan3A_737 = arith.constant 32 : i32
      %scan3A_738 = arith.addi %scan3A_736, %scan3A_737 : i32
      %scan3A_739 = arith.constant 1 : i32
      scf.for %scan3A_1285 = %scan3A_736 to %scan3A_738 step %scan3A_739  : i32 {
        %jit3A_1286 = arith.constant 8 : i32
        %div3A_1287 = arith.divsi %scan3A_1285, %jit3A_1286 : i32
        %sign3A_1288 = arith.constant 0 : i32
        %sign3A_1289 = arith.cmpi sgt, %scan3A_1285, %sign3A_1288 : i32
        %sign3A_1290 = arith.extui %sign3A_1289 : i1 to i32
        %sign3A_1291 = arith.constant 0 : i32
        %sign3A_1292 = arith.cmpi slt, %scan3A_1285, %sign3A_1291 : i32
        %sign3A_1293 = arith.extui %sign3A_1292 : i1 to i32
        %sign3A_1294 = arith.subi %sign3A_1290, %sign3A_1293 : i32
        %sign3A_1295 = arith.constant 0 : i32
        %sign3A_1296 = arith.cmpi sgt, %jit3A_1286, %sign3A_1295 : i32
        %sign3A_1297 = arith.extui %sign3A_1296 : i1 to i32
        %sign3A_1298 = arith.constant 0 : i32
        %sign3A_1299 = arith.cmpi slt, %jit3A_1286, %sign3A_1298 : i32
        %sign3A_1300 = arith.extui %sign3A_1299 : i1 to i32
        %sign3A_1301 = arith.subi %sign3A_1297, %sign3A_1300 : i32
        %ne3A_1302 = arith.cmpi ne, %sign3A_1294, %sign3A_1301 : i32
        %rem3A_1303 = arith.remsi %scan3A_1285, %jit3A_1286 : i32
        %ne3A_1304 = arith.constant 0 : i32
        %ne3A_1305 = arith.cmpi ne, %rem3A_1303, %ne3A_1304 : i32
        %and3A_1306 = arith.andi %ne3A_1302, %ne3A_1305 : i1
        %sub3A_1307 = arith.constant 1 : i32
        %sub3A_1308 = arith.subi %div3A_1287, %sub3A_1307 : i32
        %select_n3A_1309 = arith.select %and3A_1306, %sub3A_1308, %div3A_1287 : i32
        %mul3A_1310 = arith.constant 16 : i32
        %mul3A_1311 = arith.muli %select_n3A_1309, %mul3A_1310 : i32
        %jit3A_1312 = arith.constant 8 : i32
        %eq3A_1313 = arith.constant 0 : i32
        %eq3A_1314 = arith.cmpi eq, %jit3A_1312, %eq3A_1313 : i32
        %jit3A_1315 = arith.constant 1 : i32
        %select_n3A_1316 = arith.select %eq3A_1314, %jit3A_1315, %jit3A_1312 : i32
        %rem3A_1317 = arith.remsi %scan3A_1285, %select_n3A_1316 : i32
        %ne3A_1318 = arith.constant 0 : i32
        %ne3A_1319 = arith.cmpi ne, %rem3A_1317, %ne3A_1318 : i32
        %lt3A_1320 = arith.constant 0 : i32
        %lt3A_1321 = arith.cmpi slt, %rem3A_1317, %lt3A_1320 : i32
        %lt3A_1322 = arith.constant 0 : i32
        %lt3A_1323 = arith.cmpi slt, %select_n3A_1316, %lt3A_1322 : i32
        %ne3A_1324 = arith.xori %lt3A_1321, %lt3A_1323 : i1
        %and3A_1325 = arith.andi %ne3A_1324, %ne3A_1319 : i1
        %add3A_1326 = arith.addi %rem3A_1317, %select_n3A_1316 : i32
        %select_n3A_1327 = arith.select %and3A_1325, %add3A_1326, %rem3A_1317 : i32
        %mul3A_1328 = arith.constant 16 : i32
        %mul3A_1329 = arith.muli %select_n3A_1327, %mul3A_1328 : i32
        %add3A_1330 = vector.broadcast %mul3A_1329 : i32 to vector<16xi32>
        %add3A_1331 = arith.addi %iota3A, %add3A_1330 : vector<16xi32>
        %mul3A_1332 = arith.constant 128 : i32
        %mul3A_1333 = arith.muli %mul3A_1311, %mul3A_1332 : i32
        %add3A_1334 = arith.addi %mul3A_1333, %mul3A_1329 : i32
        %add3A_1335 = vector.broadcast %mul3A_1311 : i32 to vector<16xi32>
        %add3A_1336 = arith.addi %and3A_7, %add3A_1335 : vector<16xi32>
        %gather3A = tpu.vector_load_idx %arg7[%add3A_1331, %add3A_1336] : memref<128x64xf32, #tpu.memory_space<vmem>>[vector<16xi32>, vector<16xi32>], vector<16xf32>,
        %add3A_1337 = vector.broadcast %add3A_1334 : i32 to vector<16xi32>
        %add3A_1338 = arith.addi %add3A_101, %add3A_1337 : vector<16xi32>
        tpu.vector_store_idx %arg9[%add3A_1338], %gather3A : memref<8192xf32, #tpu.memory_space<vmem>>[vector<16xi32>], vector<16xf32>,
        %add3A_1339 = vector.broadcast %mul3A_1311 : i32 to vector<16xi32>
        %add3A_1340 = arith.addi %and3A_13, %add3A_1339 : vector<16xi32>
        %gather3A_1341 = tpu.vector_load_idx %arg7[%add3A_1331, %add3A_1340] : memref<128x64xf32, #tpu.memory_space<vmem>>[vector<16xi32>, vector<16xi32>], vector<16xf32>,
        %add3A_1342 = vector.broadcast %add3A_1334 : i32 to vector<16xi32>
        %add3A_1343 = arith.addi %add3A_105, %add3A_1342 : vector<16xi32>
        tpu.vector_store_idx %arg9[%add3A_1343], %gather3A_1341 : memref<8192xf32, #tpu.memory_space<vmem>>[vector<16xi32>], vector<16xf32>,
        %add3A_1344 = vector.broadcast %mul3A_1311 : i32 to vector<16xi32>
        %add3A_1345 = arith.addi %and3A_19, %add3A_1344 : vector<16xi32>
        %gather3A_1346 = tpu.vector_load_idx %arg7[%add3A_1331, %add3A_1345] : memref<128x64xf32, #tpu.memory_space<vmem>>[vector<16xi32>, vector<16xi32>], vector<16xf32>,
        %add3A_1347 = vector.broadcast %add3A_1334 : i32 to vector<16xi32>
        %add3A_1348 = arith.addi %add3A_109, %add3A_1347 : vector<16xi32>
        tpu.vector_store_idx %arg9[%add3A_1348], %gather3A_1346 : memref<8192xf32, #tpu.memory_space<vmem>>[vector<16xi32>], vector<16xf32>,
        %add3A_1349 = vector.broadcast %mul3A_1311 : i32 to vector<16xi32>
        %add3A_1350 = arith.addi %and3A_25, %add3A_1349 : vector<16xi32>
        %gather3A_1351 = tpu.vector_load_idx %arg7[%add3A_1331, %add3A_1350] : memref<128x64xf32, #tpu.memory_space<vmem>>[vector<16xi32>, vector<16xi32>], vector<16xf32>,
        %add3A_1352 = vector.broadcast %add3A_1334 : i32 to vector<16xi32>
        %add3A_1353 = arith.addi %add3A_113, %add3A_1352 : vector<16xi32>
        tpu.vector_store_idx %arg9[%add3A_1353], %gather3A_1351 : memref<8192xf32, #tpu.memory_space<vmem>>[vector<16xi32>], vector<16xf32>,
        %add3A_1354 = vector.broadcast %mul3A_1311 : i32 to vector<16xi32>
        %add3A_1355 = arith.addi %and3A_31, %add3A_1354 : vector<16xi32>
        %gather3A_1356 = tpu.vector_load_idx %arg7[%add3A_1331, %add3A_1355] : memref<128x64xf32, #tpu.memory_space<vmem>>[vector<16xi32>, vector<16xi32>], vector<16xf32>,
        %add3A_1357 = vector.broadcast %add3A_1334 : i32 to vector<16xi32>
        %add3A_1358 = arith.addi %add3A_117, %add3A_1357 : vector<16xi32>
        tpu.vector_store_idx %arg9[%add3A_1358], %gather3A_1356 : memref<8192xf32, #tpu.memory_space<vmem>>[vector<16xi32>], vector<16xf32>,
        %add3A_1359 = vector.broadcast %mul3A_1311 : i32 to vector<16xi32>
        %add3A_1360 = arith.addi %and3A_37, %add3A_1359 : vector<16xi32>
        %gather3A_1361 = tpu.vector_load_idx %arg7[%add3A_1331, %add3A_1360] : memref<128x64xf32, #tpu.memory_space<vmem>>[vector<16xi32>, vector<16xi32>], vector<16xf32>,
        %add3A_1362 = vector.broadcast %add3A_1334 : i32 to vector<16xi32>
        %add3A_1363 = arith.addi %add3A_121, %add3A_1362 : vector<16xi32>
        tpu.vector_store_idx %arg9[%add3A_1363], %gather3A_1361 : memref<8192xf32, #tpu.memory_space<vmem>>[vector<16xi32>], vector<16xf32>,
        %add3A_1364 = vector.broadcast %mul3A_1311 : i32 to vector<16xi32>
        %add3A_1365 = arith.addi %and3A_43, %add3A_1364 : vector<16xi32>
        %gather3A_1366 = tpu.vector_load_idx %arg7[%add3A_1331, %add3A_1365] : memref<128x64xf32, #tpu.memory_space<vmem>>[vector<16xi32>, vector<16xi32>], vector<16xf32>,
        %add3A_1367 = vector.broadcast %add3A_1334 : i32 to vector<16xi32>
        %add3A_1368 = arith.addi %add3A_125, %add3A_1367 : vector<16xi32>
        tpu.vector_store_idx %arg9[%add3A_1368], %gather3A_1366 : memref<8192xf32, #tpu.memory_space<vmem>>[vector<16xi32>], vector<16xf32>,
        %add3A_1369 = vector.broadcast %mul3A_1311 : i32 to vector<16xi32>
        %add3A_1370 = arith.addi %and3A_49, %add3A_1369 : vector<16xi32>
        %gather3A_1371 = tpu.vector_load_idx %arg7[%add3A_1331, %add3A_1370] : memref<128x64xf32, #tpu.memory_space<vmem>>[vector<16xi32>, vector<16xi32>], vector<16xf32>,
        %add3A_1372 = vector.broadcast %add3A_1334 : i32 to vector<16xi32>
        %add3A_1373 = arith.addi %add3A_129, %add3A_1372 : vector<16xi32>
        tpu.vector_store_idx %arg9[%add3A_1373], %gather3A_1371 : memref<8192xf32, #tpu.memory_space<vmem>>[vector<16xi32>], vector<16xf32>,
        %add3A_1374 = vector.broadcast %mul3A_1311 : i32 to vector<16xi32>
        %add3A_1375 = arith.addi %and3A_55, %add3A_1374 : vector<16xi32>
        %gather3A_1376 = tpu.vector_load_idx %arg7[%add3A_1331, %add3A_1375] : memref<128x64xf32, #tpu.memory_space<vmem>>[vector<16xi32>, vector<16xi32>], vector<16xf32>,
        %add3A_1377 = vector.broadcast %add3A_1334 : i32 to vector<16xi32>
        %add3A_1378 = arith.addi %add3A_133, %add3A_1377 : vector<16xi32>
        tpu.vector_store_idx %arg9[%add3A_1378], %gather3A_1376 : memref<8192xf32, #tpu.memory_space<vmem>>[vector<16xi32>], vector<16xf32>,
        %add3A_1379 = vector.broadcast %mul3A_1311 : i32 to vector<16xi32>
        %add3A_1380 = arith.addi %and3A_61, %add3A_1379 : vector<16xi32>
        %gather3A_1381 = tpu.vector_load_idx %arg7[%add3A_1331, %add3A_1380] : memref<128x64xf32, #tpu.memory_space<vmem>>[vector<16xi32>, vector<16xi32>], vector<16xf32>,
        %add3A_1382 = vector.broadcast %add3A_1334 : i32 to vector<16xi32>
        %add3A_1383 = arith.addi %add3A_137, %add3A_1382 : vector<16xi32>
        tpu.vector_store_idx %arg9[%add3A_1383], %gather3A_1381 : memref<8192xf32, #tpu.memory_space<vmem>>[vector<16xi32>], vector<16xf32>,
        %add3A_1384 = vector.broadcast %mul3A_1311 : i32 to vector<16xi32>
        %add3A_1385 = arith.addi %and3A_67, %add3A_1384 : vector<16xi32>
        %gather3A_1386 = tpu.vector_load_idx %arg7[%add3A_1331, %add3A_1385] : memref<128x64xf32, #tpu.memory_space<vmem>>[vector<16xi32>, vector<16xi32>], vector<16xf32>,
        %add3A_1387 = vector.broadcast %add3A_1334 : i32 to vector<16xi32>
        %add3A_1388 = arith.addi %add3A_141, %add3A_1387 : vector<16xi32>
        tpu.vector_store_idx %arg9[%add3A_1388], %gather3A_1386 : memref<8192xf32, #tpu.memory_space<vmem>>[vector<16xi32>], vector<16xf32>,
        %add3A_1389 = vector.broadcast %mul3A_1311 : i32 to vector<16xi32>
        %add3A_1390 = arith.addi %and3A_73, %add3A_1389 : vector<16xi32>
        %gather3A_1391 = tpu.vector_load_idx %arg7[%add3A_1331, %add3A_1390] : memref<128x64xf32, #tpu.memory_space<vmem>>[vector<16xi32>, vector<16xi32>], vector<16xf32>,
        %add3A_1392 = vector.broadcast %add3A_1334 : i32 to vector<16xi32>
        %add3A_1393 = arith.addi %add3A_145, %add3A_1392 : vector<16xi32>
        tpu.vector_store_idx %arg9[%add3A_1393], %gather3A_1391 : memref<8192xf32, #tpu.memory_space<vmem>>[vector<16xi32>], vector<16xf32>,
        %add3A_1394 = vector.broadcast %mul3A_1311 : i32 to vector<16xi32>
        %add3A_1395 = arith.addi %and3A_79, %add3A_1394 : vector<16xi32>
        %gather3A_1396 = tpu.vector_load_idx %arg7[%add3A_1331, %add3A_1395] : memref<128x64xf32, #tpu.memory_space<vmem>>[vector<16xi32>, vector<16xi32>], vector<16xf32>,
        %add3A_1397 = vector.broadcast %add3A_1334 : i32 to vector<16xi32>
        %add3A_1398 = arith.addi %add3A_149, %add3A_1397 : vector<16xi32>
        tpu.vector_store_idx %arg9[%add3A_1398], %gather3A_1396 : memref<8192xf32, #tpu.memory_space<vmem>>[vector<16xi32>], vector<16xf32>,
        %add3A_1399 = vector.broadcast %mul3A_1311 : i32 to vector<16xi32>
        %add3A_1400 = arith.addi %and3A_85, %add3A_1399 : vector<16xi32>
        %gather3A_1401 = tpu.vector_load_idx %arg7[%add3A_1331, %add3A_1400] : memref<128x64xf32, #tpu.memory_space<vmem>>[vector<16xi32>, vector<16xi32>], vector<16xf32>,
        %add3A_1402 = vector.broadcast %add3A_1334 : i32 to vector<16xi32>
        %add3A_1403 = arith.addi %add3A_153, %add3A_1402 : vector<16xi32>
        tpu.vector_store_idx %arg9[%add3A_1403], %gather3A_1401 : memref<8192xf32, #tpu.memory_space<vmem>>[vector<16xi32>], vector<16xf32>,
        %add3A_1404 = vector.broadcast %mul3A_1311 : i32 to vector<16xi32>
        %add3A_1405 = arith.addi %and3A_91, %add3A_1404 : vector<16xi32>
        %gather3A_1406 = tpu.vector_load_idx %arg7[%add3A_1331, %add3A_1405] : memref<128x64xf32, #tpu.memory_space<vmem>>[vector<16xi32>, vector<16xi32>], vector<16xf32>,
        %add3A_1407 = vector.broadcast %add3A_1334 : i32 to vector<16xi32>
        %add3A_1408 = arith.addi %add3A_157, %add3A_1407 : vector<16xi32>
        tpu.vector_store_idx %arg9[%add3A_1408], %gather3A_1406 : memref<8192xf32, #tpu.memory_space<vmem>>[vector<16xi32>], vector<16xf32>,
        %add3A_1409 = vector.broadcast %mul3A_1311 : i32 to vector<16xi32>
        %add3A_1410 = arith.addi %and3A_97, %add3A_1409 : vector<16xi32>
        %gather3A_1411 = tpu.vector_load_idx %arg7[%add3A_1331, %add3A_1410] : memref<128x64xf32, #tpu.memory_space<vmem>>[vector<16xi32>, vector<16xi32>], vector<16xf32>,
        %add3A_1412 = vector.broadcast %add3A_1334 : i32 to vector<16xi32>
        %add3A_1413 = arith.addi %add3A_161, %add3A_1412 : vector<16xi32>
        tpu.vector_store_idx %arg9[%add3A_1413], %gather3A_1411 : memref<8192xf32, #tpu.memory_space<vmem>>[vector<16xi32>], vector<16xf32>,
      }
      %scan3A_740 = arith.constant 32 : i32
      %sub3A_741 = arith.constant 1 : i32
      %sub3A_742 = arith.subi %add3A_720, %sub3A_741 : i32
      %add3A_743 = arith.addi %mul3A_2, %sub3A_742 : i32
      %jit3A_744 = arith.constant 32 : i32
      %div3A_745 = arith.divsi %add3A_743, %jit3A_744 : i32
      %sign3A_746 = arith.constant 0 : i32
      %sign3A_747 = arith.cmpi sgt, %add3A_743, %sign3A_746 : i32
      %sign3A_748 = arith.extui %sign3A_747 : i1 to i32
      %sign3A_749 = arith.constant 0 : i32
      %sign3A_750 = arith.cmpi slt, %add3A_743, %sign3A_749 : i32
      %sign3A_751 = arith.extui %sign3A_750 : i1 to i32
      %sign3A_752 = arith.subi %sign3A_748, %sign3A_751 : i32
      %sign3A_753 = arith.constant 0 : i32
      %sign3A_754 = arith.cmpi sgt, %jit3A_744, %sign3A_753 : i32
      %sign3A_755 = arith.extui %sign3A_754 : i1 to i32
      %sign3A_756 = arith.constant 0 : i32
      %sign3A_757 = arith.cmpi slt, %jit3A_744, %sign3A_756 : i32
      %sign3A_758 = arith.extui %sign3A_757 : i1 to i32
      %sign3A_759 = arith.subi %sign3A_755, %sign3A_758 : i32
      %ne3A_760 = arith.cmpi ne, %sign3A_752, %sign3A_759 : i32
      %rem3A_761 = arith.remsi %add3A_743, %jit3A_744 : i32
      %ne3A_762 = arith.constant 0 : i32
      %ne3A_763 = arith.cmpi ne, %rem3A_761, %ne3A_762 : i32
      %and3A_764 = arith.andi %ne3A_760, %ne3A_763 : i1
      %sub3A_765 = arith.constant 1 : i32
      %sub3A_766 = arith.subi %div3A_745, %sub3A_765 : i32
      %select_n3A_767 = arith.select %and3A_764, %sub3A_766, %div3A_745 : i32
      %jit3A_768 = arith.constant 32 : i32
      %eq3A_769 = arith.constant 0 : i32
      %eq3A_770 = arith.cmpi eq, %jit3A_768, %eq3A_769 : i32
      %jit3A_771 = arith.constant 1 : i32
      %select_n3A_772 = arith.select %eq3A_770, %jit3A_771, %jit3A_768 : i32
      %rem3A_773 = arith.remsi %add3A_743, %select_n3A_772 : i32
      %ne3A_774 = arith.constant 0 : i32
      %ne3A_775 = arith.cmpi ne, %rem3A_773, %ne3A_774 : i32
      %lt3A_776 = arith.constant 0 : i32
      %lt3A_777 = arith.cmpi slt, %rem3A_773, %lt3A_776 : i32
      %lt3A_778 = arith.constant 0 : i32
      %lt3A_779 = arith.cmpi slt, %select_n3A_772, %lt3A_778 : i32
      %ne3A_780 = arith.xori %lt3A_777, %lt3A_779 : i1
      %and3A_781 = arith.andi %ne3A_780, %ne3A_775 : i1
      %add3A_782 = arith.addi %rem3A_773, %select_n3A_772 : i32
      %select_n3A_783 = arith.select %and3A_781, %add3A_782, %rem3A_773 : i32
      %dma_wait3A_784 = arith.constant 0 : i32
      %dma_wait3A_785 = arith.constant 0 : i32
      %dma_wait3A_786 = tpu.memref_slice %arg8[%dma_wait3A_785] : memref<8192xf32, #tpu.memory_space<vmem>> -> memref<1024xf32, #tpu.memory_space<vmem>>
      %dma_wait3A_787 = arith.constant 0 : i32
      %dma_wait3A_788 = tpu.memref_slice %arg4[%select_n3A_767, %dma_wait3A_784, %select_n3A_783, %dma_wait3A_787] : memref<200x8x32x1024xf32, #tpu.memory_space<hbm>> -> memref<1x1x1x1024xf32, #tpu.memory_space<hbm>>
      %dma_wait3A_789 = tpu.memref_squeeze %dma_wait3A_788 : memref<1x1x1x1024xf32, #tpu.memory_space<hbm>> -> memref<1024xf32, #tpu.memory_space<hbm>>
      %dma_wait3A_790 = arith.constant 0 : i32
      %dma_wait3A_791 = tpu.memref_slice %arg4[%select_n3A_767, %dma_wait3A_784, %select_n3A_783, %dma_wait3A_790] : memref<200x8x32x1024xf32, #tpu.memory_space<hbm>> -> memref<1x1x1x1024xf32, #tpu.memory_space<hbm>>
      %dma_wait3A_792 = tpu.memref_squeeze %dma_wait3A_791 : memref<1x1x1x1024xf32, #tpu.memory_space<hbm>> -> memref<1024xf32, #tpu.memory_space<hbm>>
      %dma_wait3A_793 = arith.constant 0 : i32
      %dma_wait3A_794 = tpu.memref_slice %arg8[%dma_wait3A_793] : memref<8192xf32, #tpu.memory_space<vmem>> -> memref<1024xf32, #tpu.memory_space<vmem>>
      tpu.wait_dma2 semaphore(%arg12 : memref<!tpu.dma_semaphore, #tpu.memory_space<semaphore_mem>>) src(%dma_wait3A_794 : memref<1024xf32, #tpu.memory_space<vmem>>) dst(%dma_wait3A_792 : memref<1024xf32, #tpu.memory_space<hbm>>)
      %dma_wait3A_795 = arith.constant 1 : i32
      %dma_wait3A_796 = arith.constant 1024 : i32
      %dma_wait3A_797 = tpu.memref_slice %arg8[%dma_wait3A_796] : memref<8192xf32, #tpu.memory_space<vmem>> -> memref<1024xf32, #tpu.memory_space<vmem>>
      %dma_wait3A_798 = arith.constant 0 : i32
      %dma_wait3A_799 = tpu.memref_slice %arg4[%select_n3A_767, %dma_wait3A_795, %select_n3A_783, %dma_wait3A_798] : memref<200x8x32x1024xf32, #tpu.memory_space<hbm>> -> memref<1x1x1x1024xf32, #tpu.memory_space<hbm>>
      %dma_wait3A_800 = tpu.memref_squeeze %dma_wait3A_799 : memref<1x1x1x1024xf32, #tpu.memory_space<hbm>> -> memref<1024xf32, #tpu.memory_space<hbm>>
      %dma_wait3A_801 = arith.constant 0 : i32
      %dma_wait3A_802 = tpu.memref_slice %arg4[%select_n3A_767, %dma_wait3A_795, %select_n3A_783, %dma_wait3A_801] : memref<200x8x32x1024xf32, #tpu.memory_space<hbm>> -> memref<1x1x1x1024xf32, #tpu.memory_space<hbm>>
      %dma_wait3A_803 = tpu.memref_squeeze %dma_wait3A_802 : memref<1x1x1x1024xf32, #tpu.memory_space<hbm>> -> memref<1024xf32, #tpu.memory_space<hbm>>
      %dma_wait3A_804 = arith.constant 1024 : i32
      %dma_wait3A_805 = tpu.memref_slice %arg8[%dma_wait3A_804] : memref<8192xf32, #tpu.memory_space<vmem>> -> memref<1024xf32, #tpu.memory_space<vmem>>
      tpu.wait_dma2 semaphore(%arg12 : memref<!tpu.dma_semaphore, #tpu.memory_space<semaphore_mem>>) src(%dma_wait3A_805 : memref<1024xf32, #tpu.memory_space<vmem>>) dst(%dma_wait3A_803 : memref<1024xf32, #tpu.memory_space<hbm>>)
      %dma_wait3A_806 = arith.constant 2 : i32
      %dma_wait3A_807 = arith.constant 2048 : i32
      %dma_wait3A_808 = tpu.memref_slice %arg8[%dma_wait3A_807] : memref<8192xf32, #tpu.memory_space<vmem>> -> memref<1024xf32, #tpu.memory_space<vmem>>
      %dma_wait3A_809 = arith.constant 0 : i32
      %dma_wait3A_810 = tpu.memref_slice %arg4[%select_n3A_767, %dma_wait3A_806, %select_n3A_783, %dma_wait3A_809] : memref<200x8x32x1024xf32, #tpu.memory_space<hbm>> -> memref<1x1x1x1024xf32, #tpu.memory_space<hbm>>
      %dma_wait3A_811 = tpu.memref_squeeze %dma_wait3A_810 : memref<1x1x1x1024xf32, #tpu.memory_space<hbm>> -> memref<1024xf32, #tpu.memory_space<hbm>>
      %dma_wait3A_812 = arith.constant 0 : i32
      %dma_wait3A_813 = tpu.memref_slice %arg4[%select_n3A_767, %dma_wait3A_806, %select_n3A_783, %dma_wait3A_812] : memref<200x8x32x1024xf32, #tpu.memory_space<hbm>> -> memref<1x1x1x1024xf32, #tpu.memory_space<hbm>>
      %dma_wait3A_814 = tpu.memref_squeeze %dma_wait3A_813 : memref<1x1x1x1024xf32, #tpu.memory_space<hbm>> -> memref<1024xf32, #tpu.memory_space<hbm>>
      %dma_wait3A_815 = arith.constant 2048 : i32
      %dma_wait3A_816 = tpu.memref_slice %arg8[%dma_wait3A_815] : memref<8192xf32, #tpu.memory_space<vmem>> -> memref<1024xf32, #tpu.memory_space<vmem>>
      tpu.wait_dma2 semaphore(%arg12 : memref<!tpu.dma_semaphore, #tpu.memory_space<semaphore_mem>>) src(%dma_wait3A_816 : memref<1024xf32, #tpu.memory_space<vmem>>) dst(%dma_wait3A_814 : memref<1024xf32, #tpu.memory_space<hbm>>)
      %dma_wait3A_817 = arith.constant 3 : i32
      %dma_wait3A_818 = arith.constant 3072 : i32
      %dma_wait3A_819 = tpu.memref_slice %arg8[%dma_wait3A_818] : memref<8192xf32, #tpu.memory_space<vmem>> -> memref<1024xf32, #tpu.memory_space<vmem>>
      %dma_wait3A_820 = arith.constant 0 : i32
      %dma_wait3A_821 = tpu.memref_slice %arg4[%select_n3A_767, %dma_wait3A_817, %select_n3A_783, %dma_wait3A_820] : memref<200x8x32x1024xf32, #tpu.memory_space<hbm>> -> memref<1x1x1x1024xf32, #tpu.memory_space<hbm>>
      %dma_wait3A_822 = tpu.memref_squeeze %dma_wait3A_821 : memref<1x1x1x1024xf32, #tpu.memory_space<hbm>> -> memref<1024xf32, #tpu.memory_space<hbm>>
      %dma_wait3A_823 = arith.constant 0 : i32
      %dma_wait3A_824 = tpu.memref_slice %arg4[%select_n3A_767, %dma_wait3A_817, %select_n3A_783, %dma_wait3A_823] : memref<200x8x32x1024xf32, #tpu.memory_space<hbm>> -> memref<1x1x1x1024xf32, #tpu.memory_space<hbm>>
      %dma_wait3A_825 = tpu.memref_squeeze %dma_wait3A_824 : memref<1x1x1x1024xf32, #tpu.memory_space<hbm>> -> memref<1024xf32, #tpu.memory_space<hbm>>
      %dma_wait3A_826 = arith.constant 3072 : i32
      %dma_wait3A_827 = tpu.memref_slice %arg8[%dma_wait3A_826] : memref<8192xf32, #tpu.memory_space<vmem>> -> memref<1024xf32, #tpu.memory_space<vmem>>
      tpu.wait_dma2 semaphore(%arg12 : memref<!tpu.dma_semaphore, #tpu.memory_space<semaphore_mem>>) src(%dma_wait3A_827 : memref<1024xf32, #tpu.memory_space<vmem>>) dst(%dma_wait3A_825 : memref<1024xf32, #tpu.memory_space<hbm>>)
      %dma_wait3A_828 = arith.constant 4 : i32
      %dma_wait3A_829 = arith.constant 4096 : i32
      %dma_wait3A_830 = tpu.memref_slice %arg8[%dma_wait3A_829] : memref<8192xf32, #tpu.memory_space<vmem>> -> memref<1024xf32, #tpu.memory_space<vmem>>
      %dma_wait3A_831 = arith.constant 0 : i32
      %dma_wait3A_832 = tpu.memref_slice %arg4[%select_n3A_767, %dma_wait3A_828, %select_n3A_783, %dma_wait3A_831] : memref<200x8x32x1024xf32, #tpu.memory_space<hbm>> -> memref<1x1x1x1024xf32, #tpu.memory_space<hbm>>
      %dma_wait3A_833 = tpu.memref_squeeze %dma_wait3A_832 : memref<1x1x1x1024xf32, #tpu.memory_space<hbm>> -> memref<1024xf32, #tpu.memory_space<hbm>>
      %dma_wait3A_834 = arith.constant 0 : i32
      %dma_wait3A_835 = tpu.memref_slice %arg4[%select_n3A_767, %dma_wait3A_828, %select_n3A_783, %dma_wait3A_834] : memref<200x8x32x1024xf32, #tpu.memory_space<hbm>> -> memref<1x1x1x1024xf32, #tpu.memory_space<hbm>>
      %dma_wait3A_836 = tpu.memref_squeeze %dma_wait3A_835 : memref<1x1x1x1024xf32, #tpu.memory_space<hbm>> -> memref<1024xf32, #tpu.memory_space<hbm>>
      %dma_wait3A_837 = arith.constant 4096 : i32
      %dma_wait3A_838 = tpu.memref_slice %arg8[%dma_wait3A_837] : memref<8192xf32, #tpu.memory_space<vmem>> -> memref<1024xf32, #tpu.memory_space<vmem>>
      tpu.wait_dma2 semaphore(%arg12 : memref<!tpu.dma_semaphore, #tpu.memory_space<semaphore_mem>>) src(%dma_wait3A_838 : memref<1024xf32, #tpu.memory_space<vmem>>) dst(%dma_wait3A_836 : memref<1024xf32, #tpu.memory_space<hbm>>)
      %dma_wait3A_839 = arith.constant 5 : i32
      %dma_wait3A_840 = arith.constant 5120 : i32
      %dma_wait3A_841 = tpu.memref_slice %arg8[%dma_wait3A_840] : memref<8192xf32, #tpu.memory_space<vmem>> -> memref<1024xf32, #tpu.memory_space<vmem>>
      %dma_wait3A_842 = arith.constant 0 : i32
      %dma_wait3A_843 = tpu.memref_slice %arg4[%select_n3A_767, %dma_wait3A_839, %select_n3A_783, %dma_wait3A_842] : memref<200x8x32x1024xf32, #tpu.memory_space<hbm>> -> memref<1x1x1x1024xf32, #tpu.memory_space<hbm>>
      %dma_wait3A_844 = tpu.memref_squeeze %dma_wait3A_843 : memref<1x1x1x1024xf32, #tpu.memory_space<hbm>> -> memref<1024xf32, #tpu.memory_space<hbm>>
      %dma_wait3A_845 = arith.constant 0 : i32
      %dma_wait3A_846 = tpu.memref_slice %arg4[%select_n3A_767, %dma_wait3A_839, %select_n3A_783, %dma_wait3A_845] : memref<200x8x32x1024xf32, #tpu.memory_space<hbm>> -> memref<1x1x1x1024xf32, #tpu.memory_space<hbm>>
      %dma_wait3A_847 = tpu.memref_squeeze %dma_wait3A_846 : memref<1x1x1x1024xf32, #tpu.memory_space<hbm>> -> memref<1024xf32, #tpu.memory_space<hbm>>
      %dma_wait3A_848 = arith.constant 5120 : i32
      %dma_wait3A_849 = tpu.memref_slice %arg8[%dma_wait3A_848] : memref<8192xf32, #tpu.memory_space<vmem>> -> memref<1024xf32, #tpu.memory_space<vmem>>
      tpu.wait_dma2 semaphore(%arg12 : memref<!tpu.dma_semaphore, #tpu.memory_space<semaphore_mem>>) src(%dma_wait3A_849 : memref<1024xf32, #tpu.memory_space<vmem>>) dst(%dma_wait3A_847 : memref<1024xf32, #tpu.memory_space<hbm>>)
      %dma_wait3A_850 = arith.constant 6 : i32
      %dma_wait3A_851 = arith.constant 6144 : i32
      %dma_wait3A_852 = tpu.memref_slice %arg8[%dma_wait3A_851] : memref<8192xf32, #tpu.memory_space<vmem>> -> memref<1024xf32, #tpu.memory_space<vmem>>
      %dma_wait3A_853 = arith.constant 0 : i32
      %dma_wait3A_854 = tpu.memref_slice %arg4[%select_n3A_767, %dma_wait3A_850, %select_n3A_783, %dma_wait3A_853] : memref<200x8x32x1024xf32, #tpu.memory_space<hbm>> -> memref<1x1x1x1024xf32, #tpu.memory_space<hbm>>
      %dma_wait3A_855 = tpu.memref_squeeze %dma_wait3A_854 : memref<1x1x1x1024xf32, #tpu.memory_space<hbm>> -> memref<1024xf32, #tpu.memory_space<hbm>>
      %dma_wait3A_856 = arith.constant 0 : i32
      %dma_wait3A_857 = tpu.memref_slice %arg4[%select_n3A_767, %dma_wait3A_850, %select_n3A_783, %dma_wait3A_856] : memref<200x8x32x1024xf32, #tpu.memory_space<hbm>> -> memref<1x1x1x1024xf32, #tpu.memory_space<hbm>>
      %dma_wait3A_858 = tpu.memref_squeeze %dma_wait3A_857 : memref<1x1x1x1024xf32, #tpu.memory_space<hbm>> -> memref<1024xf32, #tpu.memory_space<hbm>>
      %dma_wait3A_859 = arith.constant 6144 : i32
      %dma_wait3A_860 = tpu.memref_slice %arg8[%dma_wait3A_859] : memref<8192xf32, #tpu.memory_space<vmem>> -> memref<1024xf32, #tpu.memory_space<vmem>>
      tpu.wait_dma2 semaphore(%arg12 : memref<!tpu.dma_semaphore, #tpu.memory_space<semaphore_mem>>) src(%dma_wait3A_860 : memref<1024xf32, #tpu.memory_space<vmem>>) dst(%dma_wait3A_858 : memref<1024xf32, #tpu.memory_space<hbm>>)
      %dma_wait3A_861 = arith.constant 7 : i32
      %dma_wait3A_862 = arith.constant 7168 : i32
      %dma_wait3A_863 = tpu.memref_slice %arg8[%dma_wait3A_862] : memref<8192xf32, #tpu.memory_space<vmem>> -> memref<1024xf32, #tpu.memory_space<vmem>>
      %dma_wait3A_864 = arith.constant 0 : i32
      %dma_wait3A_865 = tpu.memref_slice %arg4[%select_n3A_767, %dma_wait3A_861, %select_n3A_783, %dma_wait3A_864] : memref<200x8x32x1024xf32, #tpu.memory_space<hbm>> -> memref<1x1x1x1024xf32, #tpu.memory_space<hbm>>
      %dma_wait3A_866 = tpu.memref_squeeze %dma_wait3A_865 : memref<1x1x1x1024xf32, #tpu.memory_space<hbm>> -> memref<1024xf32, #tpu.memory_space<hbm>>
      %dma_wait3A_867 = arith.constant 0 : i32
      %dma_wait3A_868 = tpu.memref_slice %arg4[%select_n3A_767, %dma_wait3A_861, %select_n3A_783, %dma_wait3A_867] : memref<200x8x32x1024xf32, #tpu.memory_space<hbm>> -> memref<1x1x1x1024xf32, #tpu.memory_space<hbm>>
      %dma_wait3A_869 = tpu.memref_squeeze %dma_wait3A_868 : memref<1x1x1x1024xf32, #tpu.memory_space<hbm>> -> memref<1024xf32, #tpu.memory_space<hbm>>
      %dma_wait3A_870 = arith.constant 7168 : i32
      %dma_wait3A_871 = tpu.memref_slice %arg8[%dma_wait3A_870] : memref<8192xf32, #tpu.memory_space<vmem>> -> memref<1024xf32, #tpu.memory_space<vmem>>
      tpu.wait_dma2 semaphore(%arg12 : memref<!tpu.dma_semaphore, #tpu.memory_space<semaphore_mem>>) src(%dma_wait3A_871 : memref<1024xf32, #tpu.memory_space<vmem>>) dst(%dma_wait3A_869 : memref<1024xf32, #tpu.memory_space<hbm>>)
      %add3A_872 = arith.addi %mul3A_2, %add3A_720 : i32
      %jit3A_873 = arith.constant 32 : i32
      %div3A_874 = arith.divsi %add3A_872, %jit3A_873 : i32
      %sign3A_875 = arith.constant 0 : i32
      %sign3A_876 = arith.cmpi sgt, %add3A_872, %sign3A_875 : i32
      %sign3A_877 = arith.extui %sign3A_876 : i1 to i32
      %sign3A_878 = arith.constant 0 : i32
      %sign3A_879 = arith.cmpi slt, %add3A_872, %sign3A_878 : i32
      %sign3A_880 = arith.extui %sign3A_879 : i1 to i32
      %sign3A_881 = arith.subi %sign3A_877, %sign3A_880 : i32
      %sign3A_882 = arith.constant 0 : i32
      %sign3A_883 = arith.cmpi sgt, %jit3A_873, %sign3A_882 : i32
      %sign3A_884 = arith.extui %sign3A_883 : i1 to i32
      %sign3A_885 = arith.constant 0 : i32
      %sign3A_886 = arith.cmpi slt, %jit3A_873, %sign3A_885 : i32
      %sign3A_887 = arith.extui %sign3A_886 : i1 to i32
      %sign3A_888 = arith.subi %sign3A_884, %sign3A_887 : i32
      %ne3A_889 = arith.cmpi ne, %sign3A_881, %sign3A_888 : i32
      %rem3A_890 = arith.remsi %add3A_872, %jit3A_873 : i32
      %ne3A_891 = arith.constant 0 : i32
      %ne3A_892 = arith.cmpi ne, %rem3A_890, %ne3A_891 : i32
      %and3A_893 = arith.andi %ne3A_889, %ne3A_892 : i1
      %sub3A_894 = arith.constant 1 : i32
      %sub3A_895 = arith.subi %div3A_874, %sub3A_894 : i32
      %select_n3A_896 = arith.select %and3A_893, %sub3A_895, %div3A_874 : i32
      %jit3A_897 = arith.constant 32 : i32
      %eq3A_898 = arith.constant 0 : i32
      %eq3A_899 = arith.cmpi eq, %jit3A_897, %eq3A_898 : i32
      %jit3A_900 = arith.constant 1 : i32
      %select_n3A_901 = arith.select %eq3A_899, %jit3A_900, %jit3A_897 : i32
      %rem3A_902 = arith.remsi %add3A_872, %select_n3A_901 : i32
      %ne3A_903 = arith.constant 0 : i32
      %ne3A_904 = arith.cmpi ne, %rem3A_902, %ne3A_903 : i32
      %lt3A_905 = arith.constant 0 : i32
      %lt3A_906 = arith.cmpi slt, %rem3A_902, %lt3A_905 : i32
      %lt3A_907 = arith.constant 0 : i32
      %lt3A_908 = arith.cmpi slt, %select_n3A_901, %lt3A_907 : i32
      %ne3A_909 = arith.xori %lt3A_906, %lt3A_908 : i1
      %and3A_910 = arith.andi %ne3A_909, %ne3A_904 : i1
      %add3A_911 = arith.addi %rem3A_902, %select_n3A_901 : i32
      %select_n3A_912 = arith.select %and3A_910, %add3A_911, %rem3A_902 : i32
      %dma_start3A_913 = arith.constant 0 : i32
      %dma_start3A_914 = arith.constant 0 : i32
      %dma_start3A_915 = tpu.memref_slice %arg9[%dma_start3A_914] : memref<8192xf32, #tpu.memory_space<vmem>> -> memref<1024xf32, #tpu.memory_space<vmem>>
      %dma_start3A_916 = arith.constant 0 : i32
      %dma_start3A_917 = tpu.memref_slice %arg4[%select_n3A_896, %dma_start3A_913, %select_n3A_912, %dma_start3A_916] : memref<200x8x32x1024xf32, #tpu.memory_space<hbm>> -> memref<1x1x1x1024xf32, #tpu.memory_space<hbm>>
      %dma_start3A_918 = tpu.memref_squeeze %dma_start3A_917 : memref<1x1x1x1024xf32, #tpu.memory_space<hbm>> -> memref<1024xf32, #tpu.memory_space<hbm>>
      %dma_start3A_919 = arith.constant 0 : i32
      %dma_start3A_920 = tpu.memref_slice %arg4[%select_n3A_896, %dma_start3A_913, %select_n3A_912, %dma_start3A_919] : memref<200x8x32x1024xf32, #tpu.memory_space<hbm>> -> memref<1x1x1x1024xf32, #tpu.memory_space<hbm>>
      %dma_start3A_921 = tpu.memref_squeeze %dma_start3A_920 : memref<1x1x1x1024xf32, #tpu.memory_space<hbm>> -> memref<1024xf32, #tpu.memory_space<hbm>>
      %dma_start3A_922 = arith.constant 0 : i32
      %dma_start3A_923 = tpu.memref_slice %arg9[%dma_start3A_922] : memref<8192xf32, #tpu.memory_space<vmem>> -> memref<1024xf32, #tpu.memory_space<vmem>>
      tpu.enqueue_dma source(%dma_start3A_923 : memref<1024xf32, #tpu.memory_space<vmem>>) target(%dma_start3A_921 : memref<1024xf32, #tpu.memory_space<hbm>>) target_semaphore(%arg13 : memref<!tpu.dma_semaphore, #tpu.memory_space<semaphore_mem>>)
      %dma_start3A_924 = arith.constant 1 : i32
      %dma_start3A_925 = arith.constant 1024 : i32
      %dma_start3A_926 = tpu.memref_slice %arg9[%dma_start3A_925] : memref<8192xf32, #tpu.memory_space<vmem>> -> memref<1024xf32, #tpu.memory_space<vmem>>
      %dma_start3A_927 = arith.constant 0 : i32
      %dma_start3A_928 = tpu.memref_slice %arg4[%select_n3A_896, %dma_start3A_924, %select_n3A_912, %dma_start3A_927] : memref<200x8x32x1024xf32, #tpu.memory_space<hbm>> -> memref<1x1x1x1024xf32, #tpu.memory_space<hbm>>
      %dma_start3A_929 = tpu.memref_squeeze %dma_start3A_928 : memref<1x1x1x1024xf32, #tpu.memory_space<hbm>> -> memref<1024xf32, #tpu.memory_space<hbm>>
      %dma_start3A_930 = arith.constant 0 : i32
      %dma_start3A_931 = tpu.memref_slice %arg4[%select_n3A_896, %dma_start3A_924, %select_n3A_912, %dma_start3A_930] : memref<200x8x32x1024xf32, #tpu.memory_space<hbm>> -> memref<1x1x1x1024xf32, #tpu.memory_space<hbm>>
      %dma_start3A_932 = tpu.memref_squeeze %dma_start3A_931 : memref<1x1x1x1024xf32, #tpu.memory_space<hbm>> -> memref<1024xf32, #tpu.memory_space<hbm>>
      %dma_start3A_933 = arith.constant 1024 : i32
      %dma_start3A_934 = tpu.memref_slice %arg9[%dma_start3A_933] : memref<8192xf32, #tpu.memory_space<vmem>> -> memref<1024xf32, #tpu.memory_space<vmem>>
      tpu.enqueue_dma source(%dma_start3A_934 : memref<1024xf32, #tpu.memory_space<vmem>>) target(%dma_start3A_932 : memref<1024xf32, #tpu.memory_space<hbm>>) target_semaphore(%arg13 : memref<!tpu.dma_semaphore, #tpu.memory_space<semaphore_mem>>)
      %dma_start3A_935 = arith.constant 2 : i32
      %dma_start3A_936 = arith.constant 2048 : i32
      %dma_start3A_937 = tpu.memref_slice %arg9[%dma_start3A_936] : memref<8192xf32, #tpu.memory_space<vmem>> -> memref<1024xf32, #tpu.memory_space<vmem>>
      %dma_start3A_938 = arith.constant 0 : i32
      %dma_start3A_939 = tpu.memref_slice %arg4[%select_n3A_896, %dma_start3A_935, %select_n3A_912, %dma_start3A_938] : memref<200x8x32x1024xf32, #tpu.memory_space<hbm>> -> memref<1x1x1x1024xf32, #tpu.memory_space<hbm>>
      %dma_start3A_940 = tpu.memref_squeeze %dma_start3A_939 : memref<1x1x1x1024xf32, #tpu.memory_space<hbm>> -> memref<1024xf32, #tpu.memory_space<hbm>>
      %dma_start3A_941 = arith.constant 0 : i32
      %dma_start3A_942 = tpu.memref_slice %arg4[%select_n3A_896, %dma_start3A_935, %select_n3A_912, %dma_start3A_941] : memref<200x8x32x1024xf32, #tpu.memory_space<hbm>> -> memref<1x1x1x1024xf32, #tpu.memory_space<hbm>>
      %dma_start3A_943 = tpu.memref_squeeze %dma_start3A_942 : memref<1x1x1x1024xf32, #tpu.memory_space<hbm>> -> memref<1024xf32, #tpu.memory_space<hbm>>
      %dma_start3A_944 = arith.constant 2048 : i32
      %dma_start3A_945 = tpu.memref_slice %arg9[%dma_start3A_944] : memref<8192xf32, #tpu.memory_space<vmem>> -> memref<1024xf32, #tpu.memory_space<vmem>>
      tpu.enqueue_dma source(%dma_start3A_945 : memref<1024xf32, #tpu.memory_space<vmem>>) target(%dma_start3A_943 : memref<1024xf32, #tpu.memory_space<hbm>>) target_semaphore(%arg13 : memref<!tpu.dma_semaphore, #tpu.memory_space<semaphore_mem>>)
      %dma_start3A_946 = arith.constant 3 : i32
      %dma_start3A_947 = arith.constant 3072 : i32
      %dma_start3A_948 = tpu.memref_slice %arg9[%dma_start3A_947] : memref<8192xf32, #tpu.memory_space<vmem>> -> memref<1024xf32, #tpu.memory_space<vmem>>
      %dma_start3A_949 = arith.constant 0 : i32
      %dma_start3A_950 = tpu.memref_slice %arg4[%select_n3A_896, %dma_start3A_946, %select_n3A_912, %dma_start3A_949] : memref<200x8x32x1024xf32, #tpu.memory_space<hbm>> -> memref<1x1x1x1024xf32, #tpu.memory_space<hbm>>
      %dma_start3A_951 = tpu.memref_squeeze %dma_start3A_950 : memref<1x1x1x1024xf32, #tpu.memory_space<hbm>> -> memref<1024xf32, #tpu.memory_space<hbm>>
      %dma_start3A_952 = arith.constant 0 : i32
      %dma_start3A_953 = tpu.memref_slice %arg4[%select_n3A_896, %dma_start3A_946, %select_n3A_912, %dma_start3A_952] : memref<200x8x32x1024xf32, #tpu.memory_space<hbm>> -> memref<1x1x1x1024xf32, #tpu.memory_space<hbm>>
      %dma_start3A_954 = tpu.memref_squeeze %dma_start3A_953 : memref<1x1x1x1024xf32, #tpu.memory_space<hbm>> -> memref<1024xf32, #tpu.memory_space<hbm>>
      %dma_start3A_955 = arith.constant 3072 : i32
      %dma_start3A_956 = tpu.memref_slice %arg9[%dma_start3A_955] : memref<8192xf32, #tpu.memory_space<vmem>> -> memref<1024xf32, #tpu.memory_space<vmem>>
      tpu.enqueue_dma source(%dma_start3A_956 : memref<1024xf32, #tpu.memory_space<vmem>>) target(%dma_start3A_954 : memref<1024xf32, #tpu.memory_space<hbm>>) target_semaphore(%arg13 : memref<!tpu.dma_semaphore, #tpu.memory_space<semaphore_mem>>)
      %dma_start3A_957 = arith.constant 4 : i32
      %dma_start3A_958 = arith.constant 4096 : i32
      %dma_start3A_959 = tpu.memref_slice %arg9[%dma_start3A_958] : memref<8192xf32, #tpu.memory_space<vmem>> -> memref<1024xf32, #tpu.memory_space<vmem>>
      %dma_start3A_960 = arith.constant 0 : i32
      %dma_start3A_961 = tpu.memref_slice %arg4[%select_n3A_896, %dma_start3A_957, %select_n3A_912, %dma_start3A_960] : memref<200x8x32x1024xf32, #tpu.memory_space<hbm>> -> memref<1x1x1x1024xf32, #tpu.memory_space<hbm>>
      %dma_start3A_962 = tpu.memref_squeeze %dma_start3A_961 : memref<1x1x1x1024xf32, #tpu.memory_space<hbm>> -> memref<1024xf32, #tpu.memory_space<hbm>>
      %dma_start3A_963 = arith.constant 0 : i32
      %dma_start3A_964 = tpu.memref_slice %arg4[%select_n3A_896, %dma_start3A_957, %select_n3A_912, %dma_start3A_963] : memref<200x8x32x1024xf32, #tpu.memory_space<hbm>> -> memref<1x1x1x1024xf32, #tpu.memory_space<hbm>>
      %dma_start3A_965 = tpu.memref_squeeze %dma_start3A_964 : memref<1x1x1x1024xf32, #tpu.memory_space<hbm>> -> memref<1024xf32, #tpu.memory_space<hbm>>
      %dma_start3A_966 = arith.constant 4096 : i32
      %dma_start3A_967 = tpu.memref_slice %arg9[%dma_start3A_966] : memref<8192xf32, #tpu.memory_space<vmem>> -> memref<1024xf32, #tpu.memory_space<vmem>>
      tpu.enqueue_dma source(%dma_start3A_967 : memref<1024xf32, #tpu.memory_space<vmem>>) target(%dma_start3A_965 : memref<1024xf32, #tpu.memory_space<hbm>>) target_semaphore(%arg13 : memref<!tpu.dma_semaphore, #tpu.memory_space<semaphore_mem>>)
      %dma_start3A_968 = arith.constant 5 : i32
      %dma_start3A_969 = arith.constant 5120 : i32
      %dma_start3A_970 = tpu.memref_slice %arg9[%dma_start3A_969] : memref<8192xf32, #tpu.memory_space<vmem>> -> memref<1024xf32, #tpu.memory_space<vmem>>
      %dma_start3A_971 = arith.constant 0 : i32
      %dma_start3A_972 = tpu.memref_slice %arg4[%select_n3A_896, %dma_start3A_968, %select_n3A_912, %dma_start3A_971] : memref<200x8x32x1024xf32, #tpu.memory_space<hbm>> -> memref<1x1x1x1024xf32, #tpu.memory_space<hbm>>
      %dma_start3A_973 = tpu.memref_squeeze %dma_start3A_972 : memref<1x1x1x1024xf32, #tpu.memory_space<hbm>> -> memref<1024xf32, #tpu.memory_space<hbm>>
      %dma_start3A_974 = arith.constant 0 : i32
      %dma_start3A_975 = tpu.memref_slice %arg4[%select_n3A_896, %dma_start3A_968, %select_n3A_912, %dma_start3A_974] : memref<200x8x32x1024xf32, #tpu.memory_space<hbm>> -> memref<1x1x1x1024xf32, #tpu.memory_space<hbm>>
      %dma_start3A_976 = tpu.memref_squeeze %dma_start3A_975 : memref<1x1x1x1024xf32, #tpu.memory_space<hbm>> -> memref<1024xf32, #tpu.memory_space<hbm>>
      %dma_start3A_977 = arith.constant 5120 : i32
      %dma_start3A_978 = tpu.memref_slice %arg9[%dma_start3A_977] : memref<8192xf32, #tpu.memory_space<vmem>> -> memref<1024xf32, #tpu.memory_space<vmem>>
      tpu.enqueue_dma source(%dma_start3A_978 : memref<1024xf32, #tpu.memory_space<vmem>>) target(%dma_start3A_976 : memref<1024xf32, #tpu.memory_space<hbm>>) target_semaphore(%arg13 : memref<!tpu.dma_semaphore, #tpu.memory_space<semaphore_mem>>)
      %dma_start3A_979 = arith.constant 6 : i32
      %dma_start3A_980 = arith.constant 6144 : i32
      %dma_start3A_981 = tpu.memref_slice %arg9[%dma_start3A_980] : memref<8192xf32, #tpu.memory_space<vmem>> -> memref<1024xf32, #tpu.memory_space<vmem>>
      %dma_start3A_982 = arith.constant 0 : i32
      %dma_start3A_983 = tpu.memref_slice %arg4[%select_n3A_896, %dma_start3A_979, %select_n3A_912, %dma_start3A_982] : memref<200x8x32x1024xf32, #tpu.memory_space<hbm>> -> memref<1x1x1x1024xf32, #tpu.memory_space<hbm>>
      %dma_start3A_984 = tpu.memref_squeeze %dma_start3A_983 : memref<1x1x1x1024xf32, #tpu.memory_space<hbm>> -> memref<1024xf32, #tpu.memory_space<hbm>>
      %dma_start3A_985 = arith.constant 0 : i32
      %dma_start3A_986 = tpu.memref_slice %arg4[%select_n3A_896, %dma_start3A_979, %select_n3A_912, %dma_start3A_985] : memref<200x8x32x1024xf32, #tpu.memory_space<hbm>> -> memref<1x1x1x1024xf32, #tpu.memory_space<hbm>>
      %dma_start3A_987 = tpu.memref_squeeze %dma_start3A_986 : memref<1x1x1x1024xf32, #tpu.memory_space<hbm>> -> memref<1024xf32, #tpu.memory_space<hbm>>
      %dma_start3A_988 = arith.constant 6144 : i32
      %dma_start3A_989 = tpu.memref_slice %arg9[%dma_start3A_988] : memref<8192xf32, #tpu.memory_space<vmem>> -> memref<1024xf32, #tpu.memory_space<vmem>>
      tpu.enqueue_dma source(%dma_start3A_989 : memref<1024xf32, #tpu.memory_space<vmem>>) target(%dma_start3A_987 : memref<1024xf32, #tpu.memory_space<hbm>>) target_semaphore(%arg13 : memref<!tpu.dma_semaphore, #tpu.memory_space<semaphore_mem>>)
      %dma_start3A_990 = arith.constant 7 : i32
      %dma_start3A_991 = arith.constant 7168 : i32
      %dma_start3A_992 = tpu.memref_slice %arg9[%dma_start3A_991] : memref<8192xf32, #tpu.memory_space<vmem>> -> memref<1024xf32, #tpu.memory_space<vmem>>
      %dma_start3A_993 = arith.constant 0 : i32
      %dma_start3A_994 = tpu.memref_slice %arg4[%select_n3A_896, %dma_start3A_990, %select_n3A_912, %dma_start3A_993] : memref<200x8x32x1024xf32, #tpu.memory_space<hbm>> -> memref<1x1x1x1024xf32, #tpu.memory_space<hbm>>
      %dma_start3A_995 = tpu.memref_squeeze %dma_start3A_994 : memref<1x1x1x1024xf32, #tpu.memory_space<hbm>> -> memref<1024xf32, #tpu.memory_space<hbm>>
      %dma_start3A_996 = arith.constant 0 : i32
      %dma_start3A_997 = tpu.memref_slice %arg4[%select_n3A_896, %dma_start3A_990, %select_n3A_912, %dma_start3A_996] : memref<200x8x32x1024xf32, #tpu.memory_space<hbm>> -> memref<1x1x1x1024xf32, #tpu.memory_space<hbm>>
      %dma_start3A_998 = tpu.memref_squeeze %dma_start3A_997 : memref<1x1x1x1024xf32, #tpu.memory_space<hbm>> -> memref<1024xf32, #tpu.memory_space<hbm>>
      %dma_start3A_999 = arith.constant 7168 : i32
      %dma_start3A_1000 = tpu.memref_slice %arg9[%dma_start3A_999] : memref<8192xf32, #tpu.memory_space<vmem>> -> memref<1024xf32, #tpu.memory_space<vmem>>
      tpu.enqueue_dma source(%dma_start3A_1000 : memref<1024xf32, #tpu.memory_space<vmem>>) target(%dma_start3A_998 : memref<1024xf32, #tpu.memory_space<hbm>>) target_semaphore(%arg13 : memref<!tpu.dma_semaphore, #tpu.memory_space<semaphore_mem>>)
      %mul3A_1001 = arith.constant 2 : i32
      %mul3A_1002 = arith.muli %mul3A_1001, %scan3A_716 : i32
      %add3A_1003 = arith.constant 2 : i32
      %add3A_1004 = arith.addi %mul3A_1002, %add3A_1003 : i32
      %dma_wait3A_1005 = arith.constant 0 : i32
      %dma_wait3A_1006 = tpu.memref_slice %arg5[%add3A_1004, %dma_wait3A_1005] : memref<200x128xi32, #tpu.memory_space<vmem>> -> memref<1x128xi32, #tpu.memory_space<vmem>>
      %dma_wait3A_1007 = tpu.memref_squeeze %dma_wait3A_1006 : memref<1x128xi32, #tpu.memory_space<vmem>> -> memref<128xi32, #tpu.memory_space<vmem>>
      %dma_wait3A_1008 = arith.constant 0 : i32
      %dma_wait3A_1009 = arith.constant 0 : i32
      %dma_wait3A_1010 = tpu.memref_slice %arg3[%dma_wait3A_1008, %dma_wait3A_1009] : memref<1000000x64xf32, #tpu.memory_space<hbm>> -> memref<1000000x64xf32, #tpu.memory_space<hbm>>
      tpu.wait_indirect_dma semaphore(%arg10 : memref<!tpu.dma_semaphore, #tpu.memory_space<semaphore_mem>>) src(%dma_wait3A_1010 : memref<1000000x64xf32, #tpu.memory_space<hbm>>) dst(%arg6 : memref<128x64xf32, #tpu.memory_space<vmem>>)
      %add3A_1011 = arith.constant 1 : i32
      %add3A_1012 = arith.addi %add3A_1004, %add3A_1011 : i32
      %dma_start3A_1013 = arith.constant 0 : i32
      %dma_start3A_1014 = tpu.memref_slice %arg5[%add3A_1012, %dma_start3A_1013] : memref<200x128xi32, #tpu.memory_space<vmem>> -> memref<1x128xi32, #tpu.memory_space<vmem>>
      %dma_start3A_1015 = tpu.memref_squeeze %dma_start3A_1014 : memref<1x128xi32, #tpu.memory_space<vmem>> -> memref<128xi32, #tpu.memory_space<vmem>>
      %dma_start3A_1016 = arith.constant 0 : i32
      %dma_start3A_1017 = arith.constant 0 : i32
      %dma_start3A_1018 = tpu.memref_slice %arg3[%dma_start3A_1016, %dma_start3A_1017] : memref<1000000x64xf32, #tpu.memory_space<hbm>> -> memref<1000000x64xf32, #tpu.memory_space<hbm>>
      tpu.enqueue_indirect_dma source(%dma_start3A_1018 : memref<1000000x64xf32, #tpu.memory_space<hbm>>) target(%arg7 : memref<128x64xf32, #tpu.memory_space<vmem>>) offsets(%dma_start3A_1015 : memref<128xi32, #tpu.memory_space<vmem>>) semaphore(%arg11 : memref<!tpu.dma_semaphore, #tpu.memory_space<semaphore_mem>>)
      %scan3A_1019 = arith.constant 0 : i32
      %scan3A_1020 = arith.constant 0 : i32
      %scan3A_1021 = arith.constant 32 : i32
      %scan3A_1022 = arith.addi %scan3A_1020, %scan3A_1021 : i32
      %scan3A_1023 = arith.constant 1 : i32
      scf.for %scan3A_1285 = %scan3A_1020 to %scan3A_1022 step %scan3A_1023  : i32 {
        %jit3A_1286 = arith.constant 8 : i32
        %div3A_1287 = arith.divsi %scan3A_1285, %jit3A_1286 : i32
        %sign3A_1288 = arith.constant 0 : i32
        %sign3A_1289 = arith.cmpi sgt, %scan3A_1285, %sign3A_1288 : i32
        %sign3A_1290 = arith.extui %sign3A_1289 : i1 to i32
        %sign3A_1291 = arith.constant 0 : i32
        %sign3A_1292 = arith.cmpi slt, %scan3A_1285, %sign3A_1291 : i32
        %sign3A_1293 = arith.extui %sign3A_1292 : i1 to i32
        %sign3A_1294 = arith.subi %sign3A_1290, %sign3A_1293 : i32
        %sign3A_1295 = arith.constant 0 : i32
        %sign3A_1296 = arith.cmpi sgt, %jit3A_1286, %sign3A_1295 : i32
        %sign3A_1297 = arith.extui %sign3A_1296 : i1 to i32
        %sign3A_1298 = arith.constant 0 : i32
        %sign3A_1299 = arith.cmpi slt, %jit3A_1286, %sign3A_1298 : i32
        %sign3A_1300 = arith.extui %sign3A_1299 : i1 to i32
        %sign3A_1301 = arith.subi %sign3A_1297, %sign3A_1300 : i32
        %ne3A_1302 = arith.cmpi ne, %sign3A_1294, %sign3A_1301 : i32
        %rem3A_1303 = arith.remsi %scan3A_1285, %jit3A_1286 : i32
        %ne3A_1304 = arith.constant 0 : i32
        %ne3A_1305 = arith.cmpi ne, %rem3A_1303, %ne3A_1304 : i32
        %and3A_1306 = arith.andi %ne3A_1302, %ne3A_1305 : i1
        %sub3A_1307 = arith.constant 1 : i32
        %sub3A_1308 = arith.subi %div3A_1287, %sub3A_1307 : i32
        %select_n3A_1309 = arith.select %and3A_1306, %sub3A_1308, %div3A_1287 : i32
        %mul3A_1310 = arith.constant 16 : i32
        %mul3A_1311 = arith.muli %select_n3A_1309, %mul3A_1310 : i32
        %jit3A_1312 = arith.constant 8 : i32
        %eq3A_1313 = arith.constant 0 : i32
        %eq3A_1314 = arith.cmpi eq, %jit3A_1312, %eq3A_1313 : i32
        %jit3A_1315 = arith.constant 1 : i32
        %select_n3A_1316 = arith.select %eq3A_1314, %jit3A_1315, %jit3A_1312 : i32
        %rem3A_1317 = arith.remsi %scan3A_1285, %select_n3A_1316 : i32
        %ne3A_1318 = arith.constant 0 : i32
        %ne3A_1319 = arith.cmpi ne, %rem3A_1317, %ne3A_1318 : i32
        %lt3A_1320 = arith.constant 0 : i32
        %lt3A_1321 = arith.cmpi slt, %rem3A_1317, %lt3A_1320 : i32
        %lt3A_1322 = arith.constant 0 : i32
        %lt3A_1323 = arith.cmpi slt, %select_n3A_1316, %lt3A_1322 : i32
        %ne3A_1324 = arith.xori %lt3A_1321, %lt3A_1323 : i1
        %and3A_1325 = arith.andi %ne3A_1324, %ne3A_1319 : i1
        %add3A_1326 = arith.addi %rem3A_1317, %select_n3A_1316 : i32
        %select_n3A_1327 = arith.select %and3A_1325, %add3A_1326, %rem3A_1317 : i32
        %mul3A_1328 = arith.constant 16 : i32
        %mul3A_1329 = arith.muli %select_n3A_1327, %mul3A_1328 : i32
        %add3A_1330 = vector.broadcast %mul3A_1329 : i32 to vector<16xi32>
        %add3A_1331 = arith.addi %iota3A, %add3A_1330 : vector<16xi32>
        %mul3A_1332 = arith.constant 128 : i32
        %mul3A_1333 = arith.muli %mul3A_1311, %mul3A_1332 : i32
        %add3A_1334 = arith.addi %mul3A_1333, %mul3A_1329 : i32
        %add3A_1335 = vector.broadcast %mul3A_1311 : i32 to vector<16xi32>
        %add3A_1336 = arith.addi %and3A_7, %add3A_1335 : vector<16xi32>
        %gather3A = tpu.vector_load_idx %arg6[%add3A_1331, %add3A_1336] : memref<128x64xf32, #tpu.memory_space<vmem>>[vector<16xi32>, vector<16xi32>], vector<16xf32>,
        %add3A_1337 = vector.broadcast %add3A_1334 : i32 to vector<16xi32>
        %add3A_1338 = arith.addi %add3A_101, %add3A_1337 : vector<16xi32>
        tpu.vector_store_idx %arg8[%add3A_1338], %gather3A : memref<8192xf32, #tpu.memory_space<vmem>>[vector<16xi32>], vector<16xf32>,
        %add3A_1339 = vector.broadcast %mul3A_1311 : i32 to vector<16xi32>
        %add3A_1340 = arith.addi %and3A_13, %add3A_1339 : vector<16xi32>
        %gather3A_1341 = tpu.vector_load_idx %arg6[%add3A_1331, %add3A_1340] : memref<128x64xf32, #tpu.memory_space<vmem>>[vector<16xi32>, vector<16xi32>], vector<16xf32>,
        %add3A_1342 = vector.broadcast %add3A_1334 : i32 to vector<16xi32>
        %add3A_1343 = arith.addi %add3A_105, %add3A_1342 : vector<16xi32>
        tpu.vector_store_idx %arg8[%add3A_1343], %gather3A_1341 : memref<8192xf32, #tpu.memory_space<vmem>>[vector<16xi32>], vector<16xf32>,
        %add3A_1344 = vector.broadcast %mul3A_1311 : i32 to vector<16xi32>
        %add3A_1345 = arith.addi %and3A_19, %add3A_1344 : vector<16xi32>
        %gather3A_1346 = tpu.vector_load_idx %arg6[%add3A_1331, %add3A_1345] : memref<128x64xf32, #tpu.memory_space<vmem>>[vector<16xi32>, vector<16xi32>], vector<16xf32>,
        %add3A_1347 = vector.broadcast %add3A_1334 : i32 to vector<16xi32>
        %add3A_1348 = arith.addi %add3A_109, %add3A_1347 : vector<16xi32>
        tpu.vector_store_idx %arg8[%add3A_1348], %gather3A_1346 : memref<8192xf32, #tpu.memory_space<vmem>>[vector<16xi32>], vector<16xf32>,
        %add3A_1349 = vector.broadcast %mul3A_1311 : i32 to vector<16xi32>
        %add3A_1350 = arith.addi %and3A_25, %add3A_1349 : vector<16xi32>
        %gather3A_1351 = tpu.vector_load_idx %arg6[%add3A_1331, %add3A_1350] : memref<128x64xf32, #tpu.memory_space<vmem>>[vector<16xi32>, vector<16xi32>], vector<16xf32>,
        %add3A_1352 = vector.broadcast %add3A_1334 : i32 to vector<16xi32>
        %add3A_1353 = arith.addi %add3A_113, %add3A_1352 : vector<16xi32>
        tpu.vector_store_idx %arg8[%add3A_1353], %gather3A_1351 : memref<8192xf32, #tpu.memory_space<vmem>>[vector<16xi32>], vector<16xf32>,
        %add3A_1354 = vector.broadcast %mul3A_1311 : i32 to vector<16xi32>
        %add3A_1355 = arith.addi %and3A_31, %add3A_1354 : vector<16xi32>
        %gather3A_1356 = tpu.vector_load_idx %arg6[%add3A_1331, %add3A_1355] : memref<128x64xf32, #tpu.memory_space<vmem>>[vector<16xi32>, vector<16xi32>], vector<16xf32>,
        %add3A_1357 = vector.broadcast %add3A_1334 : i32 to vector<16xi32>
        %add3A_1358 = arith.addi %add3A_117, %add3A_1357 : vector<16xi32>
        tpu.vector_store_idx %arg8[%add3A_1358], %gather3A_1356 : memref<8192xf32, #tpu.memory_space<vmem>>[vector<16xi32>], vector<16xf32>,
        %add3A_1359 = vector.broadcast %mul3A_1311 : i32 to vector<16xi32>
        %add3A_1360 = arith.addi %and3A_37, %add3A_1359 : vector<16xi32>
        %gather3A_1361 = tpu.vector_load_idx %arg6[%add3A_1331, %add3A_1360] : memref<128x64xf32, #tpu.memory_space<vmem>>[vector<16xi32>, vector<16xi32>], vector<16xf32>,
        %add3A_1362 = vector.broadcast %add3A_1334 : i32 to vector<16xi32>
        %add3A_1363 = arith.addi %add3A_121, %add3A_1362 : vector<16xi32>
        tpu.vector_store_idx %arg8[%add3A_1363], %gather3A_1361 : memref<8192xf32, #tpu.memory_space<vmem>>[vector<16xi32>], vector<16xf32>,
        %add3A_1364 = vector.broadcast %mul3A_1311 : i32 to vector<16xi32>
        %add3A_1365 = arith.addi %and3A_43, %add3A_1364 : vector<16xi32>
        %gather3A_1366 = tpu.vector_load_idx %arg6[%add3A_1331, %add3A_1365] : memref<128x64xf32, #tpu.memory_space<vmem>>[vector<16xi32>, vector<16xi32>], vector<16xf32>,
        %add3A_1367 = vector.broadcast %add3A_1334 : i32 to vector<16xi32>
        %add3A_1368 = arith.addi %add3A_125, %add3A_1367 : vector<16xi32>
        tpu.vector_store_idx %arg8[%add3A_1368], %gather3A_1366 : memref<8192xf32, #tpu.memory_space<vmem>>[vector<16xi32>], vector<16xf32>,
        %add3A_1369 = vector.broadcast %mul3A_1311 : i32 to vector<16xi32>
        %add3A_1370 = arith.addi %and3A_49, %add3A_1369 : vector<16xi32>
        %gather3A_1371 = tpu.vector_load_idx %arg6[%add3A_1331, %add3A_1370] : memref<128x64xf32, #tpu.memory_space<vmem>>[vector<16xi32>, vector<16xi32>], vector<16xf32>,
        %add3A_1372 = vector.broadcast %add3A_1334 : i32 to vector<16xi32>
        %add3A_1373 = arith.addi %add3A_129, %add3A_1372 : vector<16xi32>
        tpu.vector_store_idx %arg8[%add3A_1373], %gather3A_1371 : memref<8192xf32, #tpu.memory_space<vmem>>[vector<16xi32>], vector<16xf32>,
        %add3A_1374 = vector.broadcast %mul3A_1311 : i32 to vector<16xi32>
        %add3A_1375 = arith.addi %and3A_55, %add3A_1374 : vector<16xi32>
        %gather3A_1376 = tpu.vector_load_idx %arg6[%add3A_1331, %add3A_1375] : memref<128x64xf32, #tpu.memory_space<vmem>>[vector<16xi32>, vector<16xi32>], vector<16xf32>,
        %add3A_1377 = vector.broadcast %add3A_1334 : i32 to vector<16xi32>
        %add3A_1378 = arith.addi %add3A_133, %add3A_1377 : vector<16xi32>
        tpu.vector_store_idx %arg8[%add3A_1378], %gather3A_1376 : memref<8192xf32, #tpu.memory_space<vmem>>[vector<16xi32>], vector<16xf32>,
        %add3A_1379 = vector.broadcast %mul3A_1311 : i32 to vector<16xi32>
        %add3A_1380 = arith.addi %and3A_61, %add3A_1379 : vector<16xi32>
        %gather3A_1381 = tpu.vector_load_idx %arg6[%add3A_1331, %add3A_1380] : memref<128x64xf32, #tpu.memory_space<vmem>>[vector<16xi32>, vector<16xi32>], vector<16xf32>,
        %add3A_1382 = vector.broadcast %add3A_1334 : i32 to vector<16xi32>
        %add3A_1383 = arith.addi %add3A_137, %add3A_1382 : vector<16xi32>
        tpu.vector_store_idx %arg8[%add3A_1383], %gather3A_1381 : memref<8192xf32, #tpu.memory_space<vmem>>[vector<16xi32>], vector<16xf32>,
        %add3A_1384 = vector.broadcast %mul3A_1311 : i32 to vector<16xi32>
        %add3A_1385 = arith.addi %and3A_67, %add3A_1384 : vector<16xi32>
        %gather3A_1386 = tpu.vector_load_idx %arg6[%add3A_1331, %add3A_1385] : memref<128x64xf32, #tpu.memory_space<vmem>>[vector<16xi32>, vector<16xi32>], vector<16xf32>,
        %add3A_1387 = vector.broadcast %add3A_1334 : i32 to vector<16xi32>
        %add3A_1388 = arith.addi %add3A_141, %add3A_1387 : vector<16xi32>
        tpu.vector_store_idx %arg8[%add3A_1388], %gather3A_1386 : memref<8192xf32, #tpu.memory_space<vmem>>[vector<16xi32>], vector<16xf32>,
        %add3A_1389 = vector.broadcast %mul3A_1311 : i32 to vector<16xi32>
        %add3A_1390 = arith.addi %and3A_73, %add3A_1389 : vector<16xi32>
        %gather3A_1391 = tpu.vector_load_idx %arg6[%add3A_1331, %add3A_1390] : memref<128x64xf32, #tpu.memory_space<vmem>>[vector<16xi32>, vector<16xi32>], vector<16xf32>,
        %add3A_1392 = vector.broadcast %add3A_1334 : i32 to vector<16xi32>
        %add3A_1393 = arith.addi %add3A_145, %add3A_1392 : vector<16xi32>
        tpu.vector_store_idx %arg8[%add3A_1393], %gather3A_1391 : memref<8192xf32, #tpu.memory_space<vmem>>[vector<16xi32>], vector<16xf32>,
        %add3A_1394 = vector.broadcast %mul3A_1311 : i32 to vector<16xi32>
        %add3A_1395 = arith.addi %and3A_79, %add3A_1394 : vector<16xi32>
        %gather3A_1396 = tpu.vector_load_idx %arg6[%add3A_1331, %add3A_1395] : memref<128x64xf32, #tpu.memory_space<vmem>>[vector<16xi32>, vector<16xi32>], vector<16xf32>,
        %add3A_1397 = vector.broadcast %add3A_1334 : i32 to vector<16xi32>
        %add3A_1398 = arith.addi %add3A_149, %add3A_1397 : vector<16xi32>
        tpu.vector_store_idx %arg8[%add3A_1398], %gather3A_1396 : memref<8192xf32, #tpu.memory_space<vmem>>[vector<16xi32>], vector<16xf32>,
        %add3A_1399 = vector.broadcast %mul3A_1311 : i32 to vector<16xi32>
        %add3A_1400 = arith.addi %and3A_85, %add3A_1399 : vector<16xi32>
        %gather3A_1401 = tpu.vector_load_idx %arg6[%add3A_1331, %add3A_1400] : memref<128x64xf32, #tpu.memory_space<vmem>>[vector<16xi32>, vector<16xi32>], vector<16xf32>,
        %add3A_1402 = vector.broadcast %add3A_1334 : i32 to vector<16xi32>
        %add3A_1403 = arith.addi %add3A_153, %add3A_1402 : vector<16xi32>
        tpu.vector_store_idx %arg8[%add3A_1403], %gather3A_1401 : memref<8192xf32, #tpu.memory_space<vmem>>[vector<16xi32>], vector<16xf32>,
        %add3A_1404 = vector.broadcast %mul3A_1311 : i32 to vector<16xi32>
        %add3A_1405 = arith.addi %and3A_91, %add3A_1404 : vector<16xi32>
        %gather3A_1406 = tpu.vector_load_idx %arg6[%add3A_1331, %add3A_1405] : memref<128x64xf32, #tpu.memory_space<vmem>>[vector<16xi32>, vector<16xi32>], vector<16xf32>,
        %add3A_1407 = vector.broadcast %add3A_1334 : i32 to vector<16xi32>
        %add3A_1408 = arith.addi %add3A_157, %add3A_1407 : vector<16xi32>
        tpu.vector_store_idx %arg8[%add3A_1408], %gather3A_1406 : memref<8192xf32, #tpu.memory_space<vmem>>[vector<16xi32>], vector<16xf32>,
        %add3A_1409 = vector.broadcast %mul3A_1311 : i32 to vector<16xi32>
        %add3A_1410 = arith.addi %and3A_97, %add3A_1409 : vector<16xi32>
        %gather3A_1411 = tpu.vector_load_idx %arg6[%add3A_1331, %add3A_1410] : memref<128x64xf32, #tpu.memory_space<vmem>>[vector<16xi32>, vector<16xi32>], vector<16xf32>,
        %add3A_1412 = vector.broadcast %add3A_1334 : i32 to vector<16xi32>
        %add3A_1413 = arith.addi %add3A_161, %add3A_1412 : vector<16xi32>
        tpu.vector_store_idx %arg8[%add3A_1413], %gather3A_1411 : memref<8192xf32, #tpu.memory_space<vmem>>[vector<16xi32>], vector<16xf32>,
      }
      %scan3A_1024 = arith.constant 32 : i32
      %sub3A_1025 = arith.constant 1 : i32
      %sub3A_1026 = arith.subi %add3A_1004, %sub3A_1025 : i32
      %add3A_1027 = arith.addi %mul3A_2, %sub3A_1026 : i32
      %jit3A_1028 = arith.constant 32 : i32
      %div3A_1029 = arith.divsi %add3A_1027, %jit3A_1028 : i32
      %sign3A_1030 = arith.constant 0 : i32
      %sign3A_1031 = arith.cmpi sgt, %add3A_1027, %sign3A_1030 : i32
      %sign3A_1032 = arith.extui %sign3A_1031 : i1 to i32
      %sign3A_1033 = arith.constant 0 : i32
      %sign3A_1034 = arith.cmpi slt, %add3A_1027, %sign3A_1033 : i32
      %sign3A_1035 = arith.extui %sign3A_1034 : i1 to i32
      %sign3A_1036 = arith.subi %sign3A_1032, %sign3A_1035 : i32
      %sign3A_1037 = arith.constant 0 : i32
      %sign3A_1038 = arith.cmpi sgt, %jit3A_1028, %sign3A_1037 : i32
      %sign3A_1039 = arith.extui %sign3A_1038 : i1 to i32
      %sign3A_1040 = arith.constant 0 : i32
      %sign3A_1041 = arith.cmpi slt, %jit3A_1028, %sign3A_1040 : i32
      %sign3A_1042 = arith.extui %sign3A_1041 : i1 to i32
      %sign3A_1043 = arith.subi %sign3A_1039, %sign3A_1042 : i32
      %ne3A_1044 = arith.cmpi ne, %sign3A_1036, %sign3A_1043 : i32
      %rem3A_1045 = arith.remsi %add3A_1027, %jit3A_1028 : i32
      %ne3A_1046 = arith.constant 0 : i32
      %ne3A_1047 = arith.cmpi ne, %rem3A_1045, %ne3A_1046 : i32
      %and3A_1048 = arith.andi %ne3A_1044, %ne3A_1047 : i1
      %sub3A_1049 = arith.constant 1 : i32
      %sub3A_1050 = arith.subi %div3A_1029, %sub3A_1049 : i32
      %select_n3A_1051 = arith.select %and3A_1048, %sub3A_1050, %div3A_1029 : i32
      %jit3A_1052 = arith.constant 32 : i32
      %eq3A_1053 = arith.constant 0 : i32
      %eq3A_1054 = arith.cmpi eq, %jit3A_1052, %eq3A_1053 : i32
      %jit3A_1055 = arith.constant 1 : i32
      %select_n3A_1056 = arith.select %eq3A_1054, %jit3A_1055, %jit3A_1052 : i32
      %rem3A_1057 = arith.remsi %add3A_1027, %select_n3A_1056 : i32
      %ne3A_1058 = arith.constant 0 : i32
      %ne3A_1059 = arith.cmpi ne, %rem3A_1057, %ne3A_1058 : i32
      %lt3A_1060 = arith.constant 0 : i32
      %lt3A_1061 = arith.cmpi slt, %rem3A_1057, %lt3A_1060 : i32
      %lt3A_1062 = arith.constant 0 : i32
      %lt3A_1063 = arith.cmpi slt, %select_n3A_1056, %lt3A_1062 : i32
      %ne3A_1064 = arith.xori %lt3A_1061, %lt3A_1063 : i1
      %and3A_1065 = arith.andi %ne3A_1064, %ne3A_1059 : i1
      %add3A_1066 = arith.addi %rem3A_1057, %select_n3A_1056 : i32
      %select_n3A_1067 = arith.select %and3A_1065, %add3A_1066, %rem3A_1057 : i32
      %dma_wait3A_1068 = arith.constant 0 : i32
      %dma_wait3A_1069 = arith.constant 0 : i32
      %dma_wait3A_1070 = tpu.memref_slice %arg9[%dma_wait3A_1069] : memref<8192xf32, #tpu.memory_space<vmem>> -> memref<1024xf32, #tpu.memory_space<vmem>>
      %dma_wait3A_1071 = arith.constant 0 : i32
      %dma_wait3A_1072 = tpu.memref_slice %arg4[%select_n3A_1051, %dma_wait3A_1068, %select_n3A_1067, %dma_wait3A_1071] : memref<200x8x32x1024xf32, #tpu.memory_space<hbm>> -> memref<1x1x1x1024xf32, #tpu.memory_space<hbm>>
      %dma_wait3A_1073 = tpu.memref_squeeze %dma_wait3A_1072 : memref<1x1x1x1024xf32, #tpu.memory_space<hbm>> -> memref<1024xf32, #tpu.memory_space<hbm>>
      %dma_wait3A_1074 = arith.constant 0 : i32
      %dma_wait3A_1075 = tpu.memref_slice %arg4[%select_n3A_1051, %dma_wait3A_1068, %select_n3A_1067, %dma_wait3A_1074] : memref<200x8x32x1024xf32, #tpu.memory_space<hbm>> -> memref<1x1x1x1024xf32, #tpu.memory_space<hbm>>
      %dma_wait3A_1076 = tpu.memref_squeeze %dma_wait3A_1075 : memref<1x1x1x1024xf32, #tpu.memory_space<hbm>> -> memref<1024xf32, #tpu.memory_space<hbm>>
      %dma_wait3A_1077 = arith.constant 0 : i32
      %dma_wait3A_1078 = tpu.memref_slice %arg9[%dma_wait3A_1077] : memref<8192xf32, #tpu.memory_space<vmem>> -> memref<1024xf32, #tpu.memory_space<vmem>>
      tpu.wait_dma2 semaphore(%arg13 : memref<!tpu.dma_semaphore, #tpu.memory_space<semaphore_mem>>) src(%dma_wait3A_1078 : memref<1024xf32, #tpu.memory_space<vmem>>) dst(%dma_wait3A_1076 : memref<1024xf32, #tpu.memory_space<hbm>>)
      %dma_wait3A_1079 = arith.constant 1 : i32
      %dma_wait3A_1080 = arith.constant 1024 : i32
      %dma_wait3A_1081 = tpu.memref_slice %arg9[%dma_wait3A_1080] : memref<8192xf32, #tpu.memory_space<vmem>> -> memref<1024xf32, #tpu.memory_space<vmem>>
      %dma_wait3A_1082 = arith.constant 0 : i32
      %dma_wait3A_1083 = tpu.memref_slice %arg4[%select_n3A_1051, %dma_wait3A_1079, %select_n3A_1067, %dma_wait3A_1082] : memref<200x8x32x1024xf32, #tpu.memory_space<hbm>> -> memref<1x1x1x1024xf32, #tpu.memory_space<hbm>>
      %dma_wait3A_1084 = tpu.memref_squeeze %dma_wait3A_1083 : memref<1x1x1x1024xf32, #tpu.memory_space<hbm>> -> memref<1024xf32, #tpu.memory_space<hbm>>
      %dma_wait3A_1085 = arith.constant 0 : i32
      %dma_wait3A_1086 = tpu.memref_slice %arg4[%select_n3A_1051, %dma_wait3A_1079, %select_n3A_1067, %dma_wait3A_1085] : memref<200x8x32x1024xf32, #tpu.memory_space<hbm>> -> memref<1x1x1x1024xf32, #tpu.memory_space<hbm>>
      %dma_wait3A_1087 = tpu.memref_squeeze %dma_wait3A_1086 : memref<1x1x1x1024xf32, #tpu.memory_space<hbm>> -> memref<1024xf32, #tpu.memory_space<hbm>>
      %dma_wait3A_1088 = arith.constant 1024 : i32
      %dma_wait3A_1089 = tpu.memref_slice %arg9[%dma_wait3A_1088] : memref<8192xf32, #tpu.memory_space<vmem>> -> memref<1024xf32, #tpu.memory_space<vmem>>
      tpu.wait_dma2 semaphore(%arg13 : memref<!tpu.dma_semaphore, #tpu.memory_space<semaphore_mem>>) src(%dma_wait3A_1089 : memref<1024xf32, #tpu.memory_space<vmem>>) dst(%dma_wait3A_1087 : memref<1024xf32, #tpu.memory_space<hbm>>)
      %dma_wait3A_1090 = arith.constant 2 : i32
      %dma_wait3A_1091 = arith.constant 2048 : i32
      %dma_wait3A_1092 = tpu.memref_slice %arg9[%dma_wait3A_1091] : memref<8192xf32, #tpu.memory_space<vmem>> -> memref<1024xf32, #tpu.memory_space<vmem>>
      %dma_wait3A_1093 = arith.constant 0 : i32
      %dma_wait3A_1094 = tpu.memref_slice %arg4[%select_n3A_1051, %dma_wait3A_1090, %select_n3A_1067, %dma_wait3A_1093] : memref<200x8x32x1024xf32, #tpu.memory_space<hbm>> -> memref<1x1x1x1024xf32, #tpu.memory_space<hbm>>
      %dma_wait3A_1095 = tpu.memref_squeeze %dma_wait3A_1094 : memref<1x1x1x1024xf32, #tpu.memory_space<hbm>> -> memref<1024xf32, #tpu.memory_space<hbm>>
      %dma_wait3A_1096 = arith.constant 0 : i32
      %dma_wait3A_1097 = tpu.memref_slice %arg4[%select_n3A_1051, %dma_wait3A_1090, %select_n3A_1067, %dma_wait3A_1096] : memref<200x8x32x1024xf32, #tpu.memory_space<hbm>> -> memref<1x1x1x1024xf32, #tpu.memory_space<hbm>>
      %dma_wait3A_1098 = tpu.memref_squeeze %dma_wait3A_1097 : memref<1x1x1x1024xf32, #tpu.memory_space<hbm>> -> memref<1024xf32, #tpu.memory_space<hbm>>
      %dma_wait3A_1099 = arith.constant 2048 : i32
      %dma_wait3A_1100 = tpu.memref_slice %arg9[%dma_wait3A_1099] : memref<8192xf32, #tpu.memory_space<vmem>> -> memref<1024xf32, #tpu.memory_space<vmem>>
      tpu.wait_dma2 semaphore(%arg13 : memref<!tpu.dma_semaphore, #tpu.memory_space<semaphore_mem>>) src(%dma_wait3A_1100 : memref<1024xf32, #tpu.memory_space<vmem>>) dst(%dma_wait3A_1098 : memref<1024xf32, #tpu.memory_space<hbm>>)
      %dma_wait3A_1101 = arith.constant 3 : i32
      %dma_wait3A_1102 = arith.constant 3072 : i32
      %dma_wait3A_1103 = tpu.memref_slice %arg9[%dma_wait3A_1102] : memref<8192xf32, #tpu.memory_space<vmem>> -> memref<1024xf32, #tpu.memory_space<vmem>>
      %dma_wait3A_1104 = arith.constant 0 : i32
      %dma_wait3A_1105 = tpu.memref_slice %arg4[%select_n3A_1051, %dma_wait3A_1101, %select_n3A_1067, %dma_wait3A_1104] : memref<200x8x32x1024xf32, #tpu.memory_space<hbm>> -> memref<1x1x1x1024xf32, #tpu.memory_space<hbm>>
      %dma_wait3A_1106 = tpu.memref_squeeze %dma_wait3A_1105 : memref<1x1x1x1024xf32, #tpu.memory_space<hbm>> -> memref<1024xf32, #tpu.memory_space<hbm>>
      %dma_wait3A_1107 = arith.constant 0 : i32
      %dma_wait3A_1108 = tpu.memref_slice %arg4[%select_n3A_1051, %dma_wait3A_1101, %select_n3A_1067, %dma_wait3A_1107] : memref<200x8x32x1024xf32, #tpu.memory_space<hbm>> -> memref<1x1x1x1024xf32, #tpu.memory_space<hbm>>
      %dma_wait3A_1109 = tpu.memref_squeeze %dma_wait3A_1108 : memref<1x1x1x1024xf32, #tpu.memory_space<hbm>> -> memref<1024xf32, #tpu.memory_space<hbm>>
      %dma_wait3A_1110 = arith.constant 3072 : i32
      %dma_wait3A_1111 = tpu.memref_slice %arg9[%dma_wait3A_1110] : memref<8192xf32, #tpu.memory_space<vmem>> -> memref<1024xf32, #tpu.memory_space<vmem>>
      tpu.wait_dma2 semaphore(%arg13 : memref<!tpu.dma_semaphore, #tpu.memory_space<semaphore_mem>>) src(%dma_wait3A_1111 : memref<1024xf32, #tpu.memory_space<vmem>>) dst(%dma_wait3A_1109 : memref<1024xf32, #tpu.memory_space<hbm>>)
      %dma_wait3A_1112 = arith.constant 4 : i32
      %dma_wait3A_1113 = arith.constant 4096 : i32
      %dma_wait3A_1114 = tpu.memref_slice %arg9[%dma_wait3A_1113] : memref<8192xf32, #tpu.memory_space<vmem>> -> memref<1024xf32, #tpu.memory_space<vmem>>
      %dma_wait3A_1115 = arith.constant 0 : i32
      %dma_wait3A_1116 = tpu.memref_slice %arg4[%select_n3A_1051, %dma_wait3A_1112, %select_n3A_1067, %dma_wait3A_1115] : memref<200x8x32x1024xf32, #tpu.memory_space<hbm>> -> memref<1x1x1x1024xf32, #tpu.memory_space<hbm>>
      %dma_wait3A_1117 = tpu.memref_squeeze %dma_wait3A_1116 : memref<1x1x1x1024xf32, #tpu.memory_space<hbm>> -> memref<1024xf32, #tpu.memory_space<hbm>>
      %dma_wait3A_1118 = arith.constant 0 : i32
      %dma_wait3A_1119 = tpu.memref_slice %arg4[%select_n3A_1051, %dma_wait3A_1112, %select_n3A_1067, %dma_wait3A_1118] : memref<200x8x32x1024xf32, #tpu.memory_space<hbm>> -> memref<1x1x1x1024xf32, #tpu.memory_space<hbm>>
      %dma_wait3A_1120 = tpu.memref_squeeze %dma_wait3A_1119 : memref<1x1x1x1024xf32, #tpu.memory_space<hbm>> -> memref<1024xf32, #tpu.memory_space<hbm>>
      %dma_wait3A_1121 = arith.constant 4096 : i32
      %dma_wait3A_1122 = tpu.memref_slice %arg9[%dma_wait3A_1121] : memref<8192xf32, #tpu.memory_space<vmem>> -> memref<1024xf32, #tpu.memory_space<vmem>>
      tpu.wait_dma2 semaphore(%arg13 : memref<!tpu.dma_semaphore, #tpu.memory_space<semaphore_mem>>) src(%dma_wait3A_1122 : memref<1024xf32, #tpu.memory_space<vmem>>) dst(%dma_wait3A_1120 : memref<1024xf32, #tpu.memory_space<hbm>>)
      %dma_wait3A_1123 = arith.constant 5 : i32
      %dma_wait3A_1124 = arith.constant 5120 : i32
      %dma_wait3A_1125 = tpu.memref_slice %arg9[%dma_wait3A_1124] : memref<8192xf32, #tpu.memory_space<vmem>> -> memref<1024xf32, #tpu.memory_space<vmem>>
      %dma_wait3A_1126 = arith.constant 0 : i32
      %dma_wait3A_1127 = tpu.memref_slice %arg4[%select_n3A_1051, %dma_wait3A_1123, %select_n3A_1067, %dma_wait3A_1126] : memref<200x8x32x1024xf32, #tpu.memory_space<hbm>> -> memref<1x1x1x1024xf32, #tpu.memory_space<hbm>>
      %dma_wait3A_1128 = tpu.memref_squeeze %dma_wait3A_1127 : memref<1x1x1x1024xf32, #tpu.memory_space<hbm>> -> memref<1024xf32, #tpu.memory_space<hbm>>
      %dma_wait3A_1129 = arith.constant 0 : i32
      %dma_wait3A_1130 = tpu.memref_slice %arg4[%select_n3A_1051, %dma_wait3A_1123, %select_n3A_1067, %dma_wait3A_1129] : memref<200x8x32x1024xf32, #tpu.memory_space<hbm>> -> memref<1x1x1x1024xf32, #tpu.memory_space<hbm>>
      %dma_wait3A_1131 = tpu.memref_squeeze %dma_wait3A_1130 : memref<1x1x1x1024xf32, #tpu.memory_space<hbm>> -> memref<1024xf32, #tpu.memory_space<hbm>>
      %dma_wait3A_1132 = arith.constant 5120 : i32
      %dma_wait3A_1133 = tpu.memref_slice %arg9[%dma_wait3A_1132] : memref<8192xf32, #tpu.memory_space<vmem>> -> memref<1024xf32, #tpu.memory_space<vmem>>
      tpu.wait_dma2 semaphore(%arg13 : memref<!tpu.dma_semaphore, #tpu.memory_space<semaphore_mem>>) src(%dma_wait3A_1133 : memref<1024xf32, #tpu.memory_space<vmem>>) dst(%dma_wait3A_1131 : memref<1024xf32, #tpu.memory_space<hbm>>)
      %dma_wait3A_1134 = arith.constant 6 : i32
      %dma_wait3A_1135 = arith.constant 6144 : i32
      %dma_wait3A_1136 = tpu.memref_slice %arg9[%dma_wait3A_1135] : memref<8192xf32, #tpu.memory_space<vmem>> -> memref<1024xf32, #tpu.memory_space<vmem>>
      %dma_wait3A_1137 = arith.constant 0 : i32
      %dma_wait3A_1138 = tpu.memref_slice %arg4[%select_n3A_1051, %dma_wait3A_1134, %select_n3A_1067, %dma_wait3A_1137] : memref<200x8x32x1024xf32, #tpu.memory_space<hbm>> -> memref<1x1x1x1024xf32, #tpu.memory_space<hbm>>
      %dma_wait3A_1139 = tpu.memref_squeeze %dma_wait3A_1138 : memref<1x1x1x1024xf32, #tpu.memory_space<hbm>> -> memref<1024xf32, #tpu.memory_space<hbm>>
      %dma_wait3A_1140 = arith.constant 0 : i32
      %dma_wait3A_1141 = tpu.memref_slice %arg4[%select_n3A_1051, %dma_wait3A_1134, %select_n3A_1067, %dma_wait3A_1140] : memref<200x8x32x1024xf32, #tpu.memory_space<hbm>> -> memref<1x1x1x1024xf32, #tpu.memory_space<hbm>>
      %dma_wait3A_1142 = tpu.memref_squeeze %dma_wait3A_1141 : memref<1x1x1x1024xf32, #tpu.memory_space<hbm>> -> memref<1024xf32, #tpu.memory_space<hbm>>
      %dma_wait3A_1143 = arith.constant 6144 : i32
      %dma_wait3A_1144 = tpu.memref_slice %arg9[%dma_wait3A_1143] : memref<8192xf32, #tpu.memory_space<vmem>> -> memref<1024xf32, #tpu.memory_space<vmem>>
      tpu.wait_dma2 semaphore(%arg13 : memref<!tpu.dma_semaphore, #tpu.memory_space<semaphore_mem>>) src(%dma_wait3A_1144 : memref<1024xf32, #tpu.memory_space<vmem>>) dst(%dma_wait3A_1142 : memref<1024xf32, #tpu.memory_space<hbm>>)
      %dma_wait3A_1145 = arith.constant 7 : i32
      %dma_wait3A_1146 = arith.constant 7168 : i32
      %dma_wait3A_1147 = tpu.memref_slice %arg9[%dma_wait3A_1146] : memref<8192xf32, #tpu.memory_space<vmem>> -> memref<1024xf32, #tpu.memory_space<vmem>>
      %dma_wait3A_1148 = arith.constant 0 : i32
      %dma_wait3A_1149 = tpu.memref_slice %arg4[%select_n3A_1051, %dma_wait3A_1145, %select_n3A_1067, %dma_wait3A_1148] : memref<200x8x32x1024xf32, #tpu.memory_space<hbm>> -> memref<1x1x1x1024xf32, #tpu.memory_space<hbm>>
      %dma_wait3A_1150 = tpu.memref_squeeze %dma_wait3A_1149 : memref<1x1x1x1024xf32, #tpu.memory_space<hbm>> -> memref<1024xf32, #tpu.memory_space<hbm>>
      %dma_wait3A_1151 = arith.constant 0 : i32
      %dma_wait3A_1152 = tpu.memref_slice %arg4[%select_n3A_1051, %dma_wait3A_1145, %select_n3A_1067, %dma_wait3A_1151] : memref<200x8x32x1024xf32, #tpu.memory_space<hbm>> -> memref<1x1x1x1024xf32, #tpu.memory_space<hbm>>
      %dma_wait3A_1153 = tpu.memref_squeeze %dma_wait3A_1152 : memref<1x1x1x1024xf32, #tpu.memory_space<hbm>> -> memref<1024xf32, #tpu.memory_space<hbm>>
      %dma_wait3A_1154 = arith.constant 7168 : i32
      %dma_wait3A_1155 = tpu.memref_slice %arg9[%dma_wait3A_1154] : memref<8192xf32, #tpu.memory_space<vmem>> -> memref<1024xf32, #tpu.memory_space<vmem>>
      tpu.wait_dma2 semaphore(%arg13 : memref<!tpu.dma_semaphore, #tpu.memory_space<semaphore_mem>>) src(%dma_wait3A_1155 : memref<1024xf32, #tpu.memory_space<vmem>>) dst(%dma_wait3A_1153 : memref<1024xf32, #tpu.memory_space<hbm>>)
      %add3A_1156 = arith.addi %mul3A_2, %add3A_1004 : i32
      %jit3A_1157 = arith.constant 32 : i32
      %div3A_1158 = arith.divsi %add3A_1156, %jit3A_1157 : i32
      %sign3A_1159 = arith.constant 0 : i32
      %sign3A_1160 = arith.cmpi sgt, %add3A_1156, %sign3A_1159 : i32
      %sign3A_1161 = arith.extui %sign3A_1160 : i1 to i32
      %sign3A_1162 = arith.constant 0 : i32
      %sign3A_1163 = arith.cmpi slt, %add3A_1156, %sign3A_1162 : i32
      %sign3A_1164 = arith.extui %sign3A_1163 : i1 to i32
      %sign3A_1165 = arith.subi %sign3A_1161, %sign3A_1164 : i32
      %sign3A_1166 = arith.constant 0 : i32
      %sign3A_1167 = arith.cmpi sgt, %jit3A_1157, %sign3A_1166 : i32
      %sign3A_1168 = arith.extui %sign3A_1167 : i1 to i32
      %sign3A_1169 = arith.constant 0 : i32
      %sign3A_1170 = arith.cmpi slt, %jit3A_1157, %sign3A_1169 : i32
      %sign3A_1171 = arith.extui %sign3A_1170 : i1 to i32
      %sign3A_1172 = arith.subi %sign3A_1168, %sign3A_1171 : i32
      %ne3A_1173 = arith.cmpi ne, %sign3A_1165, %sign3A_1172 : i32
      %rem3A_1174 = arith.remsi %add3A_1156, %jit3A_1157 : i32
      %ne3A_1175 = arith.constant 0 : i32
      %ne3A_1176 = arith.cmpi ne, %rem3A_1174, %ne3A_1175 : i32
      %and3A_1177 = arith.andi %ne3A_1173, %ne3A_1176 : i1
      %sub3A_1178 = arith.constant 1 : i32
      %sub3A_1179 = arith.subi %div3A_1158, %sub3A_1178 : i32
      %select_n3A_1180 = arith.select %and3A_1177, %sub3A_1179, %div3A_1158 : i32
      %jit3A_1181 = arith.constant 32 : i32
      %eq3A_1182 = arith.constant 0 : i32
      %eq3A_1183 = arith.cmpi eq, %jit3A_1181, %eq3A_1182 : i32
      %jit3A_1184 = arith.constant 1 : i32
      %select_n3A_1185 = arith.select %eq3A_1183, %jit3A_1184, %jit3A_1181 : i32
      %rem3A_1186 = arith.remsi %add3A_1156, %select_n3A_1185 : i32
      %ne3A_1187 = arith.constant 0 : i32
      %ne3A_1188 = arith.cmpi ne, %rem3A_1186, %ne3A_1187 : i32
      %lt3A_1189 = arith.constant 0 : i32
      %lt3A_1190 = arith.cmpi slt, %rem3A_1186, %lt3A_1189 : i32
      %lt3A_1191 = arith.constant 0 : i32
      %lt3A_1192 = arith.cmpi slt, %select_n3A_1185, %lt3A_1191 : i32
      %ne3A_1193 = arith.xori %lt3A_1190, %lt3A_1192 : i1
      %and3A_1194 = arith.andi %ne3A_1193, %ne3A_1188 : i1
      %add3A_1195 = arith.addi %rem3A_1186, %select_n3A_1185 : i32
      %select_n3A_1196 = arith.select %and3A_1194, %add3A_1195, %rem3A_1186 : i32
      %dma_start3A_1197 = arith.constant 0 : i32
      %dma_start3A_1198 = arith.constant 0 : i32
      %dma_start3A_1199 = tpu.memref_slice %arg8[%dma_start3A_1198] : memref<8192xf32, #tpu.memory_space<vmem>> -> memref<1024xf32, #tpu.memory_space<vmem>>
      %dma_start3A_1200 = arith.constant 0 : i32
      %dma_start3A_1201 = tpu.memref_slice %arg4[%select_n3A_1180, %dma_start3A_1197, %select_n3A_1196, %dma_start3A_1200] : memref<200x8x32x1024xf32, #tpu.memory_space<hbm>> -> memref<1x1x1x1024xf32, #tpu.memory_space<hbm>>
      %dma_start3A_1202 = tpu.memref_squeeze %dma_start3A_1201 : memref<1x1x1x1024xf32, #tpu.memory_space<hbm>> -> memref<1024xf32, #tpu.memory_space<hbm>>
      %dma_start3A_1203 = arith.constant 0 : i32
      %dma_start3A_1204 = tpu.memref_slice %arg4[%select_n3A_1180, %dma_start3A_1197, %select_n3A_1196, %dma_start3A_1203] : memref<200x8x32x1024xf32, #tpu.memory_space<hbm>> -> memref<1x1x1x1024xf32, #tpu.memory_space<hbm>>
      %dma_start3A_1205 = tpu.memref_squeeze %dma_start3A_1204 : memref<1x1x1x1024xf32, #tpu.memory_space<hbm>> -> memref<1024xf32, #tpu.memory_space<hbm>>
      %dma_start3A_1206 = arith.constant 0 : i32
      %dma_start3A_1207 = tpu.memref_slice %arg8[%dma_start3A_1206] : memref<8192xf32, #tpu.memory_space<vmem>> -> memref<1024xf32, #tpu.memory_space<vmem>>
      tpu.enqueue_dma source(%dma_start3A_1207 : memref<1024xf32, #tpu.memory_space<vmem>>) target(%dma_start3A_1205 : memref<1024xf32, #tpu.memory_space<hbm>>) target_semaphore(%arg12 : memref<!tpu.dma_semaphore, #tpu.memory_space<semaphore_mem>>)
      %dma_start3A_1208 = arith.constant 1 : i32
      %dma_start3A_1209 = arith.constant 1024 : i32
      %dma_start3A_1210 = tpu.memref_slice %arg8[%dma_start3A_1209] : memref<8192xf32, #tpu.memory_space<vmem>> -> memref<1024xf32, #tpu.memory_space<vmem>>
      %dma_start3A_1211 = arith.constant 0 : i32
      %dma_start3A_1212 = tpu.memref_slice %arg4[%select_n3A_1180, %dma_start3A_1208, %select_n3A_1196, %dma_start3A_1211] : memref<200x8x32x1024xf32, #tpu.memory_space<hbm>> -> memref<1x1x1x1024xf32, #tpu.memory_space<hbm>>
      %dma_start3A_1213 = tpu.memref_squeeze %dma_start3A_1212 : memref<1x1x1x1024xf32, #tpu.memory_space<hbm>> -> memref<1024xf32, #tpu.memory_space<hbm>>
      %dma_start3A_1214 = arith.constant 0 : i32
      %dma_start3A_1215 = tpu.memref_slice %arg4[%select_n3A_1180, %dma_start3A_1208, %select_n3A_1196, %dma_start3A_1214] : memref<200x8x32x1024xf32, #tpu.memory_space<hbm>> -> memref<1x1x1x1024xf32, #tpu.memory_space<hbm>>
      %dma_start3A_1216 = tpu.memref_squeeze %dma_start3A_1215 : memref<1x1x1x1024xf32, #tpu.memory_space<hbm>> -> memref<1024xf32, #tpu.memory_space<hbm>>
      %dma_start3A_1217 = arith.constant 1024 : i32
      %dma_start3A_1218 = tpu.memref_slice %arg8[%dma_start3A_1217] : memref<8192xf32, #tpu.memory_space<vmem>> -> memref<1024xf32, #tpu.memory_space<vmem>>
      tpu.enqueue_dma source(%dma_start3A_1218 : memref<1024xf32, #tpu.memory_space<vmem>>) target(%dma_start3A_1216 : memref<1024xf32, #tpu.memory_space<hbm>>) target_semaphore(%arg12 : memref<!tpu.dma_semaphore, #tpu.memory_space<semaphore_mem>>)
      %dma_start3A_1219 = arith.constant 2 : i32
      %dma_start3A_1220 = arith.constant 2048 : i32
      %dma_start3A_1221 = tpu.memref_slice %arg8[%dma_start3A_1220] : memref<8192xf32, #tpu.memory_space<vmem>> -> memref<1024xf32, #tpu.memory_space<vmem>>
      %dma_start3A_1222 = arith.constant 0 : i32
      %dma_start3A_1223 = tpu.memref_slice %arg4[%select_n3A_1180, %dma_start3A_1219, %select_n3A_1196, %dma_start3A_1222] : memref<200x8x32x1024xf32, #tpu.memory_space<hbm>> -> memref<1x1x1x1024xf32, #tpu.memory_space<hbm>>
      %dma_start3A_1224 = tpu.memref_squeeze %dma_start3A_1223 : memref<1x1x1x1024xf32, #tpu.memory_space<hbm>> -> memref<1024xf32, #tpu.memory_space<hbm>>
      %dma_start3A_1225 = arith.constant 0 : i32
      %dma_start3A_1226 = tpu.memref_slice %arg4[%select_n3A_1180, %dma_start3A_1219, %select_n3A_1196, %dma_start3A_1225] : memref<200x8x32x1024xf32, #tpu.memory_space<hbm>> -> memref<1x1x1x1024xf32, #tpu.memory_space<hbm>>
      %dma_start3A_1227 = tpu.memref_squeeze %dma_start3A_1226 : memref<1x1x1x1024xf32, #tpu.memory_space<hbm>> -> memref<1024xf32, #tpu.memory_space<hbm>>
      %dma_start3A_1228 = arith.constant 2048 : i32
      %dma_start3A_1229 = tpu.memref_slice %arg8[%dma_start3A_1228] : memref<8192xf32, #tpu.memory_space<vmem>> -> memref<1024xf32, #tpu.memory_space<vmem>>
      tpu.enqueue_dma source(%dma_start3A_1229 : memref<1024xf32, #tpu.memory_space<vmem>>) target(%dma_start3A_1227 : memref<1024xf32, #tpu.memory_space<hbm>>) target_semaphore(%arg12 : memref<!tpu.dma_semaphore, #tpu.memory_space<semaphore_mem>>)
      %dma_start3A_1230 = arith.constant 3 : i32
      %dma_start3A_1231 = arith.constant 3072 : i32
      %dma_start3A_1232 = tpu.memref_slice %arg8[%dma_start3A_1231] : memref<8192xf32, #tpu.memory_space<vmem>> -> memref<1024xf32, #tpu.memory_space<vmem>>
      %dma_start3A_1233 = arith.constant 0 : i32
      %dma_start3A_1234 = tpu.memref_slice %arg4[%select_n3A_1180, %dma_start3A_1230, %select_n3A_1196, %dma_start3A_1233] : memref<200x8x32x1024xf32, #tpu.memory_space<hbm>> -> memref<1x1x1x1024xf32, #tpu.memory_space<hbm>>
      %dma_start3A_1235 = tpu.memref_squeeze %dma_start3A_1234 : memref<1x1x1x1024xf32, #tpu.memory_space<hbm>> -> memref<1024xf32, #tpu.memory_space<hbm>>
      %dma_start3A_1236 = arith.constant 0 : i32
      %dma_start3A_1237 = tpu.memref_slice %arg4[%select_n3A_1180, %dma_start3A_1230, %select_n3A_1196, %dma_start3A_1236] : memref<200x8x32x1024xf32, #tpu.memory_space<hbm>> -> memref<1x1x1x1024xf32, #tpu.memory_space<hbm>>
      %dma_start3A_1238 = tpu.memref_squeeze %dma_start3A_1237 : memref<1x1x1x1024xf32, #tpu.memory_space<hbm>> -> memref<1024xf32, #tpu.memory_space<hbm>>
      %dma_start3A_1239 = arith.constant 3072 : i32
      %dma_start3A_1240 = tpu.memref_slice %arg8[%dma_start3A_1239] : memref<8192xf32, #tpu.memory_space<vmem>> -> memref<1024xf32, #tpu.memory_space<vmem>>
      tpu.enqueue_dma source(%dma_start3A_1240 : memref<1024xf32, #tpu.memory_space<vmem>>) target(%dma_start3A_1238 : memref<1024xf32, #tpu.memory_space<hbm>>) target_semaphore(%arg12 : memref<!tpu.dma_semaphore, #tpu.memory_space<semaphore_mem>>)
      %dma_start3A_1241 = arith.constant 4 : i32
      %dma_start3A_1242 = arith.constant 4096 : i32
      %dma_start3A_1243 = tpu.memref_slice %arg8[%dma_start3A_1242] : memref<8192xf32, #tpu.memory_space<vmem>> -> memref<1024xf32, #tpu.memory_space<vmem>>
      %dma_start3A_1244 = arith.constant 0 : i32
      %dma_start3A_1245 = tpu.memref_slice %arg4[%select_n3A_1180, %dma_start3A_1241, %select_n3A_1196, %dma_start3A_1244] : memref<200x8x32x1024xf32, #tpu.memory_space<hbm>> -> memref<1x1x1x1024xf32, #tpu.memory_space<hbm>>
      %dma_start3A_1246 = tpu.memref_squeeze %dma_start3A_1245 : memref<1x1x1x1024xf32, #tpu.memory_space<hbm>> -> memref<1024xf32, #tpu.memory_space<hbm>>
      %dma_start3A_1247 = arith.constant 0 : i32
      %dma_start3A_1248 = tpu.memref_slice %arg4[%select_n3A_1180, %dma_start3A_1241, %select_n3A_1196, %dma_start3A_1247] : memref<200x8x32x1024xf32, #tpu.memory_space<hbm>> -> memref<1x1x1x1024xf32, #tpu.memory_space<hbm>>
      %dma_start3A_1249 = tpu.memref_squeeze %dma_start3A_1248 : memref<1x1x1x1024xf32, #tpu.memory_space<hbm>> -> memref<1024xf32, #tpu.memory_space<hbm>>
      %dma_start3A_1250 = arith.constant 4096 : i32
      %dma_start3A_1251 = tpu.memref_slice %arg8[%dma_start3A_1250] : memref<8192xf32, #tpu.memory_space<vmem>> -> memref<1024xf32, #tpu.memory_space<vmem>>
      tpu.enqueue_dma source(%dma_start3A_1251 : memref<1024xf32, #tpu.memory_space<vmem>>) target(%dma_start3A_1249 : memref<1024xf32, #tpu.memory_space<hbm>>) target_semaphore(%arg12 : memref<!tpu.dma_semaphore, #tpu.memory_space<semaphore_mem>>)
      %dma_start3A_1252 = arith.constant 5 : i32
      %dma_start3A_1253 = arith.constant 5120 : i32
      %dma_start3A_1254 = tpu.memref_slice %arg8[%dma_start3A_1253] : memref<8192xf32, #tpu.memory_space<vmem>> -> memref<1024xf32, #tpu.memory_space<vmem>>
      %dma_start3A_1255 = arith.constant 0 : i32
      %dma_start3A_1256 = tpu.memref_slice %arg4[%select_n3A_1180, %dma_start3A_1252, %select_n3A_1196, %dma_start3A_1255] : memref<200x8x32x1024xf32, #tpu.memory_space<hbm>> -> memref<1x1x1x1024xf32, #tpu.memory_space<hbm>>
      %dma_start3A_1257 = tpu.memref_squeeze %dma_start3A_1256 : memref<1x1x1x1024xf32, #tpu.memory_space<hbm>> -> memref<1024xf32, #tpu.memory_space<hbm>>
      %dma_start3A_1258 = arith.constant 0 : i32
      %dma_start3A_1259 = tpu.memref_slice %arg4[%select_n3A_1180, %dma_start3A_1252, %select_n3A_1196, %dma_start3A_1258] : memref<200x8x32x1024xf32, #tpu.memory_space<hbm>> -> memref<1x1x1x1024xf32, #tpu.memory_space<hbm>>
      %dma_start3A_1260 = tpu.memref_squeeze %dma_start3A_1259 : memref<1x1x1x1024xf32, #tpu.memory_space<hbm>> -> memref<1024xf32, #tpu.memory_space<hbm>>
      %dma_start3A_1261 = arith.constant 5120 : i32
      %dma_start3A_1262 = tpu.memref_slice %arg8[%dma_start3A_1261] : memref<8192xf32, #tpu.memory_space<vmem>> -> memref<1024xf32, #tpu.memory_space<vmem>>
      tpu.enqueue_dma source(%dma_start3A_1262 : memref<1024xf32, #tpu.memory_space<vmem>>) target(%dma_start3A_1260 : memref<1024xf32, #tpu.memory_space<hbm>>) target_semaphore(%arg12 : memref<!tpu.dma_semaphore, #tpu.memory_space<semaphore_mem>>)
      %dma_start3A_1263 = arith.constant 6 : i32
      %dma_start3A_1264 = arith.constant 6144 : i32
      %dma_start3A_1265 = tpu.memref_slice %arg8[%dma_start3A_1264] : memref<8192xf32, #tpu.memory_space<vmem>> -> memref<1024xf32, #tpu.memory_space<vmem>>
      %dma_start3A_1266 = arith.constant 0 : i32
      %dma_start3A_1267 = tpu.memref_slice %arg4[%select_n3A_1180, %dma_start3A_1263, %select_n3A_1196, %dma_start3A_1266] : memref<200x8x32x1024xf32, #tpu.memory_space<hbm>> -> memref<1x1x1x1024xf32, #tpu.memory_space<hbm>>
      %dma_start3A_1268 = tpu.memref_squeeze %dma_start3A_1267 : memref<1x1x1x1024xf32, #tpu.memory_space<hbm>> -> memref<1024xf32, #tpu.memory_space<hbm>>
      %dma_start3A_1269 = arith.constant 0 : i32
      %dma_start3A_1270 = tpu.memref_slice %arg4[%select_n3A_1180, %dma_start3A_1263, %select_n3A_1196, %dma_start3A_1269] : memref<200x8x32x1024xf32, #tpu.memory_space<hbm>> -> memref<1x1x1x1024xf32, #tpu.memory_space<hbm>>
      %dma_start3A_1271 = tpu.memref_squeeze %dma_start3A_1270 : memref<1x1x1x1024xf32, #tpu.memory_space<hbm>> -> memref<1024xf32, #tpu.memory_space<hbm>>
      %dma_start3A_1272 = arith.constant 6144 : i32
      %dma_start3A_1273 = tpu.memref_slice %arg8[%dma_start3A_1272] : memref<8192xf32, #tpu.memory_space<vmem>> -> memref<1024xf32, #tpu.memory_space<vmem>>
      tpu.enqueue_dma source(%dma_start3A_1273 : memref<1024xf32, #tpu.memory_space<vmem>>) target(%dma_start3A_1271 : memref<1024xf32, #tpu.memory_space<hbm>>) target_semaphore(%arg12 : memref<!tpu.dma_semaphore, #tpu.memory_space<semaphore_mem>>)
      %dma_start3A_1274 = arith.constant 7 : i32
      %dma_start3A_1275 = arith.constant 7168 : i32
      %dma_start3A_1276 = tpu.memref_slice %arg8[%dma_start3A_1275] : memref<8192xf32, #tpu.memory_space<vmem>> -> memref<1024xf32, #tpu.memory_space<vmem>>
      %dma_start3A_1277 = arith.constant 0 : i32
      %dma_start3A_1278 = tpu.memref_slice %arg4[%select_n3A_1180, %dma_start3A_1274, %select_n3A_1196, %dma_start3A_1277] : memref<200x8x32x1024xf32, #tpu.memory_space<hbm>> -> memref<1x1x1x1024xf32, #tpu.memory_space<hbm>>
      %dma_start3A_1279 = tpu.memref_squeeze %dma_start3A_1278 : memref<1x1x1x1024xf32, #tpu.memory_space<hbm>> -> memref<1024xf32, #tpu.memory_space<hbm>>
      %dma_start3A_1280 = arith.constant 0 : i32
      %dma_start3A_1281 = tpu.memref_slice %arg4[%select_n3A_1180, %dma_start3A_1274, %select_n3A_1196, %dma_start3A_1280] : memref<200x8x32x1024xf32, #tpu.memory_space<hbm>> -> memref<1x1x1x1024xf32, #tpu.memory_space<hbm>>
      %dma_start3A_1282 = tpu.memref_squeeze %dma_start3A_1281 : memref<1x1x1x1024xf32, #tpu.memory_space<hbm>> -> memref<1024xf32, #tpu.memory_space<hbm>>
      %dma_start3A_1283 = arith.constant 7168 : i32
      %dma_start3A_1284 = tpu.memref_slice %arg8[%dma_start3A_1283] : memref<8192xf32, #tpu.memory_space<vmem>> -> memref<1024xf32, #tpu.memory_space<vmem>>
      tpu.enqueue_dma source(%dma_start3A_1284 : memref<1024xf32, #tpu.memory_space<vmem>>) target(%dma_start3A_1282 : memref<1024xf32, #tpu.memory_space<hbm>>) target_semaphore(%arg12 : memref<!tpu.dma_semaphore, #tpu.memory_space<semaphore_mem>>)
    }
    %scan3A_312 = arith.constant 99 : i32
    %dma_wait3A_313 = arith.constant 199 : i32
    %dma_wait3A_314 = arith.constant 0 : i32
    %dma_wait3A_315 = tpu.memref_slice %arg5[%dma_wait3A_313, %dma_wait3A_314] : memref<200x128xi32, #tpu.memory_space<vmem>> -> memref<1x128xi32, #tpu.memory_space<vmem>>
    %dma_wait3A_316 = tpu.memref_squeeze %dma_wait3A_315 : memref<1x128xi32, #tpu.memory_space<vmem>> -> memref<128xi32, #tpu.memory_space<vmem>>
    %dma_wait3A_317 = arith.constant 0 : i32
    %dma_wait3A_318 = arith.constant 0 : i32
    %dma_wait3A_319 = tpu.memref_slice %arg3[%dma_wait3A_317, %dma_wait3A_318] : memref<1000000x64xf32, #tpu.memory_space<hbm>> -> memref<1000000x64xf32, #tpu.memory_space<hbm>>
    tpu.wait_indirect_dma semaphore(%arg11 : memref<!tpu.dma_semaphore, #tpu.memory_space<semaphore_mem>>) src(%dma_wait3A_319 : memref<1000000x64xf32, #tpu.memory_space<hbm>>) dst(%arg7 : memref<128x64xf32, #tpu.memory_space<vmem>>)
    %scan3A_320 = arith.constant 0 : i32
    %scan3A_321 = arith.constant 0 : i32
    %scan3A_322 = arith.constant 32 : i32
    %scan3A_323 = arith.addi %scan3A_321, %scan3A_322 : i32
    %scan3A_324 = arith.constant 1 : i32
    scf.for %scan3A_716 = %scan3A_321 to %scan3A_323 step %scan3A_324  : i32 {
      %jit3A_717 = arith.constant 8 : i32
      %div3A_718 = arith.divsi %scan3A_716, %jit3A_717 : i32
      %sign3A_719 = arith.constant 0 : i32
      %sign3A_720 = arith.cmpi sgt, %scan3A_716, %sign3A_719 : i32
      %sign3A_721 = arith.extui %sign3A_720 : i1 to i32
      %sign3A_722 = arith.constant 0 : i32
      %sign3A_723 = arith.cmpi slt, %scan3A_716, %sign3A_722 : i32
      %sign3A_724 = arith.extui %sign3A_723 : i1 to i32
      %sign3A_725 = arith.subi %sign3A_721, %sign3A_724 : i32
      %sign3A_726 = arith.constant 0 : i32
      %sign3A_727 = arith.cmpi sgt, %jit3A_717, %sign3A_726 : i32
      %sign3A_728 = arith.extui %sign3A_727 : i1 to i32
      %sign3A_729 = arith.constant 0 : i32
      %sign3A_730 = arith.cmpi slt, %jit3A_717, %sign3A_729 : i32
      %sign3A_731 = arith.extui %sign3A_730 : i1 to i32
      %sign3A_732 = arith.subi %sign3A_728, %sign3A_731 : i32
      %ne3A_733 = arith.cmpi ne, %sign3A_725, %sign3A_732 : i32
      %rem3A_734 = arith.remsi %scan3A_716, %jit3A_717 : i32
      %ne3A_735 = arith.constant 0 : i32
      %ne3A_736 = arith.cmpi ne, %rem3A_734, %ne3A_735 : i32
      %and3A_737 = arith.andi %ne3A_733, %ne3A_736 : i1
      %sub3A_738 = arith.constant 1 : i32
      %sub3A_739 = arith.subi %div3A_718, %sub3A_738 : i32
      %select_n3A_740 = arith.select %and3A_737, %sub3A_739, %div3A_718 : i32
      %mul3A_741 = arith.constant 16 : i32
      %mul3A_742 = arith.muli %select_n3A_740, %mul3A_741 : i32
      %jit3A_743 = arith.constant 8 : i32
      %eq3A_744 = arith.constant 0 : i32
      %eq3A_745 = arith.cmpi eq, %jit3A_743, %eq3A_744 : i32
      %jit3A_746 = arith.constant 1 : i32
      %select_n3A_747 = arith.select %eq3A_745, %jit3A_746, %jit3A_743 : i32
      %rem3A_748 = arith.remsi %scan3A_716, %select_n3A_747 : i32
      %ne3A_749 = arith.constant 0 : i32
      %ne3A_750 = arith.cmpi ne, %rem3A_748, %ne3A_749 : i32
      %lt3A_751 = arith.constant 0 : i32
      %lt3A_752 = arith.cmpi slt, %rem3A_748, %lt3A_751 : i32
      %lt3A_753 = arith.constant 0 : i32
      %lt3A_754 = arith.cmpi slt, %select_n3A_747, %lt3A_753 : i32
      %ne3A_755 = arith.xori %lt3A_752, %lt3A_754 : i1
      %and3A_756 = arith.andi %ne3A_755, %ne3A_750 : i1
      %add3A_757 = arith.addi %rem3A_748, %select_n3A_747 : i32
      %select_n3A_758 = arith.select %and3A_756, %add3A_757, %rem3A_748 : i32
      %mul3A_759 = arith.constant 16 : i32
      %mul3A_760 = arith.muli %select_n3A_758, %mul3A_759 : i32
      %add3A_761 = vector.broadcast %mul3A_760 : i32 to vector<16xi32>
      %add3A_762 = arith.addi %iota3A, %add3A_761 : vector<16xi32>
      %mul3A_763 = arith.constant 128 : i32
      %mul3A_764 = arith.muli %mul3A_742, %mul3A_763 : i32
      %add3A_765 = arith.addi %mul3A_764, %mul3A_760 : i32
      %add3A_766 = vector.broadcast %mul3A_742 : i32 to vector<16xi32>
      %add3A_767 = arith.addi %and3A_7, %add3A_766 : vector<16xi32>
      %gather3A = tpu.vector_load_idx %arg7[%add3A_762, %add3A_767] : memref<128x64xf32, #tpu.memory_space<vmem>>[vector<16xi32>, vector<16xi32>], vector<16xf32>,
      %add3A_768 = vector.broadcast %add3A_765 : i32 to vector<16xi32>
      %add3A_769 = arith.addi %add3A_101, %add3A_768 : vector<16xi32>
      tpu.vector_store_idx %arg9[%add3A_769], %gather3A : memref<8192xf32, #tpu.memory_space<vmem>>[vector<16xi32>], vector<16xf32>,
      %add3A_770 = vector.broadcast %mul3A_742 : i32 to vector<16xi32>
      %add3A_771 = arith.addi %and3A_13, %add3A_770 : vector<16xi32>
      %gather3A_772 = tpu.vector_load_idx %arg7[%add3A_762, %add3A_771] : memref<128x64xf32, #tpu.memory_space<vmem>>[vector<16xi32>, vector<16xi32>], vector<16xf32>,
      %add3A_773 = vector.broadcast %add3A_765 : i32 to vector<16xi32>
      %add3A_774 = arith.addi %add3A_105, %add3A_773 : vector<16xi32>
      tpu.vector_store_idx %arg9[%add3A_774], %gather3A_772 : memref<8192xf32, #tpu.memory_space<vmem>>[vector<16xi32>], vector<16xf32>,
      %add3A_775 = vector.broadcast %mul3A_742 : i32 to vector<16xi32>
      %add3A_776 = arith.addi %and3A_19, %add3A_775 : vector<16xi32>
      %gather3A_777 = tpu.vector_load_idx %arg7[%add3A_762, %add3A_776] : memref<128x64xf32, #tpu.memory_space<vmem>>[vector<16xi32>, vector<16xi32>], vector<16xf32>,
      %add3A_778 = vector.broadcast %add3A_765 : i32 to vector<16xi32>
      %add3A_779 = arith.addi %add3A_109, %add3A_778 : vector<16xi32>
      tpu.vector_store_idx %arg9[%add3A_779], %gather3A_777 : memref<8192xf32, #tpu.memory_space<vmem>>[vector<16xi32>], vector<16xf32>,
      %add3A_780 = vector.broadcast %mul3A_742 : i32 to vector<16xi32>
      %add3A_781 = arith.addi %and3A_25, %add3A_780 : vector<16xi32>
      %gather3A_782 = tpu.vector_load_idx %arg7[%add3A_762, %add3A_781] : memref<128x64xf32, #tpu.memory_space<vmem>>[vector<16xi32>, vector<16xi32>], vector<16xf32>,
      %add3A_783 = vector.broadcast %add3A_765 : i32 to vector<16xi32>
      %add3A_784 = arith.addi %add3A_113, %add3A_783 : vector<16xi32>
      tpu.vector_store_idx %arg9[%add3A_784], %gather3A_782 : memref<8192xf32, #tpu.memory_space<vmem>>[vector<16xi32>], vector<16xf32>,
      %add3A_785 = vector.broadcast %mul3A_742 : i32 to vector<16xi32>
      %add3A_786 = arith.addi %and3A_31, %add3A_785 : vector<16xi32>
      %gather3A_787 = tpu.vector_load_idx %arg7[%add3A_762, %add3A_786] : memref<128x64xf32, #tpu.memory_space<vmem>>[vector<16xi32>, vector<16xi32>], vector<16xf32>,
      %add3A_788 = vector.broadcast %add3A_765 : i32 to vector<16xi32>
      %add3A_789 = arith.addi %add3A_117, %add3A_788 : vector<16xi32>
      tpu.vector_store_idx %arg9[%add3A_789], %gather3A_787 : memref<8192xf32, #tpu.memory_space<vmem>>[vector<16xi32>], vector<16xf32>,
      %add3A_790 = vector.broadcast %mul3A_742 : i32 to vector<16xi32>
      %add3A_791 = arith.addi %and3A_37, %add3A_790 : vector<16xi32>
      %gather3A_792 = tpu.vector_load_idx %arg7[%add3A_762, %add3A_791] : memref<128x64xf32, #tpu.memory_space<vmem>>[vector<16xi32>, vector<16xi32>], vector<16xf32>,
      %add3A_793 = vector.broadcast %add3A_765 : i32 to vector<16xi32>
      %add3A_794 = arith.addi %add3A_121, %add3A_793 : vector<16xi32>
      tpu.vector_store_idx %arg9[%add3A_794], %gather3A_792 : memref<8192xf32, #tpu.memory_space<vmem>>[vector<16xi32>], vector<16xf32>,
      %add3A_795 = vector.broadcast %mul3A_742 : i32 to vector<16xi32>
      %add3A_796 = arith.addi %and3A_43, %add3A_795 : vector<16xi32>
      %gather3A_797 = tpu.vector_load_idx %arg7[%add3A_762, %add3A_796] : memref<128x64xf32, #tpu.memory_space<vmem>>[vector<16xi32>, vector<16xi32>], vector<16xf32>,
      %add3A_798 = vector.broadcast %add3A_765 : i32 to vector<16xi32>
      %add3A_799 = arith.addi %add3A_125, %add3A_798 : vector<16xi32>
      tpu.vector_store_idx %arg9[%add3A_799], %gather3A_797 : memref<8192xf32, #tpu.memory_space<vmem>>[vector<16xi32>], vector<16xf32>,
      %add3A_800 = vector.broadcast %mul3A_742 : i32 to vector<16xi32>
      %add3A_801 = arith.addi %and3A_49, %add3A_800 : vector<16xi32>
      %gather3A_802 = tpu.vector_load_idx %arg7[%add3A_762, %add3A_801] : memref<128x64xf32, #tpu.memory_space<vmem>>[vector<16xi32>, vector<16xi32>], vector<16xf32>,
      %add3A_803 = vector.broadcast %add3A_765 : i32 to vector<16xi32>
      %add3A_804 = arith.addi %add3A_129, %add3A_803 : vector<16xi32>
      tpu.vector_store_idx %arg9[%add3A_804], %gather3A_802 : memref<8192xf32, #tpu.memory_space<vmem>>[vector<16xi32>], vector<16xf32>,
      %add3A_805 = vector.broadcast %mul3A_742 : i32 to vector<16xi32>
      %add3A_806 = arith.addi %and3A_55, %add3A_805 : vector<16xi32>
      %gather3A_807 = tpu.vector_load_idx %arg7[%add3A_762, %add3A_806] : memref<128x64xf32, #tpu.memory_space<vmem>>[vector<16xi32>, vector<16xi32>], vector<16xf32>,
      %add3A_808 = vector.broadcast %add3A_765 : i32 to vector<16xi32>
      %add3A_809 = arith.addi %add3A_133, %add3A_808 : vector<16xi32>
      tpu.vector_store_idx %arg9[%add3A_809], %gather3A_807 : memref<8192xf32, #tpu.memory_space<vmem>>[vector<16xi32>], vector<16xf32>,
      %add3A_810 = vector.broadcast %mul3A_742 : i32 to vector<16xi32>
      %add3A_811 = arith.addi %and3A_61, %add3A_810 : vector<16xi32>
      %gather3A_812 = tpu.vector_load_idx %arg7[%add3A_762, %add3A_811] : memref<128x64xf32, #tpu.memory_space<vmem>>[vector<16xi32>, vector<16xi32>], vector<16xf32>,
      %add3A_813 = vector.broadcast %add3A_765 : i32 to vector<16xi32>
      %add3A_814 = arith.addi %add3A_137, %add3A_813 : vector<16xi32>
      tpu.vector_store_idx %arg9[%add3A_814], %gather3A_812 : memref<8192xf32, #tpu.memory_space<vmem>>[vector<16xi32>], vector<16xf32>,
      %add3A_815 = vector.broadcast %mul3A_742 : i32 to vector<16xi32>
      %add3A_816 = arith.addi %and3A_67, %add3A_815 : vector<16xi32>
      %gather3A_817 = tpu.vector_load_idx %arg7[%add3A_762, %add3A_816] : memref<128x64xf32, #tpu.memory_space<vmem>>[vector<16xi32>, vector<16xi32>], vector<16xf32>,
      %add3A_818 = vector.broadcast %add3A_765 : i32 to vector<16xi32>
      %add3A_819 = arith.addi %add3A_141, %add3A_818 : vector<16xi32>
      tpu.vector_store_idx %arg9[%add3A_819], %gather3A_817 : memref<8192xf32, #tpu.memory_space<vmem>>[vector<16xi32>], vector<16xf32>,
      %add3A_820 = vector.broadcast %mul3A_742 : i32 to vector<16xi32>
      %add3A_821 = arith.addi %and3A_73, %add3A_820 : vector<16xi32>
      %gather3A_822 = tpu.vector_load_idx %arg7[%add3A_762, %add3A_821] : memref<128x64xf32, #tpu.memory_space<vmem>>[vector<16xi32>, vector<16xi32>], vector<16xf32>,
      %add3A_823 = vector.broadcast %add3A_765 : i32 to vector<16xi32>
      %add3A_824 = arith.addi %add3A_145, %add3A_823 : vector<16xi32>
      tpu.vector_store_idx %arg9[%add3A_824], %gather3A_822 : memref<8192xf32, #tpu.memory_space<vmem>>[vector<16xi32>], vector<16xf32>,
      %add3A_825 = vector.broadcast %mul3A_742 : i32 to vector<16xi32>
      %add3A_826 = arith.addi %and3A_79, %add3A_825 : vector<16xi32>
      %gather3A_827 = tpu.vector_load_idx %arg7[%add3A_762, %add3A_826] : memref<128x64xf32, #tpu.memory_space<vmem>>[vector<16xi32>, vector<16xi32>], vector<16xf32>,
      %add3A_828 = vector.broadcast %add3A_765 : i32 to vector<16xi32>
      %add3A_829 = arith.addi %add3A_149, %add3A_828 : vector<16xi32>
      tpu.vector_store_idx %arg9[%add3A_829], %gather3A_827 : memref<8192xf32, #tpu.memory_space<vmem>>[vector<16xi32>], vector<16xf32>,
      %add3A_830 = vector.broadcast %mul3A_742 : i32 to vector<16xi32>
      %add3A_831 = arith.addi %and3A_85, %add3A_830 : vector<16xi32>
      %gather3A_832 = tpu.vector_load_idx %arg7[%add3A_762, %add3A_831] : memref<128x64xf32, #tpu.memory_space<vmem>>[vector<16xi32>, vector<16xi32>], vector<16xf32>,
      %add3A_833 = vector.broadcast %add3A_765 : i32 to vector<16xi32>
      %add3A_834 = arith.addi %add3A_153, %add3A_833 : vector<16xi32>
      tpu.vector_store_idx %arg9[%add3A_834], %gather3A_832 : memref<8192xf32, #tpu.memory_space<vmem>>[vector<16xi32>], vector<16xf32>,
      %add3A_835 = vector.broadcast %mul3A_742 : i32 to vector<16xi32>
      %add3A_836 = arith.addi %and3A_91, %add3A_835 : vector<16xi32>
      %gather3A_837 = tpu.vector_load_idx %arg7[%add3A_762, %add3A_836] : memref<128x64xf32, #tpu.memory_space<vmem>>[vector<16xi32>, vector<16xi32>], vector<16xf32>,
      %add3A_838 = vector.broadcast %add3A_765 : i32 to vector<16xi32>
      %add3A_839 = arith.addi %add3A_157, %add3A_838 : vector<16xi32>
      tpu.vector_store_idx %arg9[%add3A_839], %gather3A_837 : memref<8192xf32, #tpu.memory_space<vmem>>[vector<16xi32>], vector<16xf32>,
      %add3A_840 = vector.broadcast %mul3A_742 : i32 to vector<16xi32>
      %add3A_841 = arith.addi %and3A_97, %add3A_840 : vector<16xi32>
      %gather3A_842 = tpu.vector_load_idx %arg7[%add3A_762, %add3A_841] : memref<128x64xf32, #tpu.memory_space<vmem>>[vector<16xi32>, vector<16xi32>], vector<16xf32>,
      %add3A_843 = vector.broadcast %add3A_765 : i32 to vector<16xi32>
      %add3A_844 = arith.addi %add3A_161, %add3A_843 : vector<16xi32>
      tpu.vector_store_idx %arg9[%add3A_844], %gather3A_842 : memref<8192xf32, #tpu.memory_space<vmem>>[vector<16xi32>], vector<16xf32>,
    }
    %scan3A_325 = arith.constant 32 : i32
    %add3A_326 = arith.constant 198 : i32
    %add3A_327 = arith.addi %mul3A_2, %add3A_326 : i32
    %jit3A_328 = arith.constant 32 : i32
    %div3A_329 = arith.divsi %add3A_327, %jit3A_328 : i32
    %sign3A_330 = arith.constant 0 : i32
    %sign3A_331 = arith.cmpi sgt, %add3A_327, %sign3A_330 : i32
    %sign3A_332 = arith.extui %sign3A_331 : i1 to i32
    %sign3A_333 = arith.constant 0 : i32
    %sign3A_334 = arith.cmpi slt, %add3A_327, %sign3A_333 : i32
    %sign3A_335 = arith.extui %sign3A_334 : i1 to i32
    %sign3A_336 = arith.subi %sign3A_332, %sign3A_335 : i32
    %sign3A_337 = arith.constant 0 : i32
    %sign3A_338 = arith.cmpi sgt, %jit3A_328, %sign3A_337 : i32
    %sign3A_339 = arith.extui %sign3A_338 : i1 to i32
    %sign3A_340 = arith.constant 0 : i32
    %sign3A_341 = arith.cmpi slt, %jit3A_328, %sign3A_340 : i32
    %sign3A_342 = arith.extui %sign3A_341 : i1 to i32
    %sign3A_343 = arith.subi %sign3A_339, %sign3A_342 : i32
    %ne3A_344 = arith.cmpi ne, %sign3A_336, %sign3A_343 : i32
    %rem3A_345 = arith.remsi %add3A_327, %jit3A_328 : i32
    %ne3A_346 = arith.constant 0 : i32
    %ne3A_347 = arith.cmpi ne, %rem3A_345, %ne3A_346 : i32
    %and3A_348 = arith.andi %ne3A_344, %ne3A_347 : i1
    %sub3A_349 = arith.constant 1 : i32
    %sub3A_350 = arith.subi %div3A_329, %sub3A_349 : i32
    %select_n3A_351 = arith.select %and3A_348, %sub3A_350, %div3A_329 : i32
    %jit3A_352 = arith.constant 32 : i32
    %eq3A_353 = arith.constant 0 : i32
    %eq3A_354 = arith.cmpi eq, %jit3A_352, %eq3A_353 : i32
    %jit3A_355 = arith.constant 1 : i32
    %select_n3A_356 = arith.select %eq3A_354, %jit3A_355, %jit3A_352 : i32
    %rem3A_357 = arith.remsi %add3A_327, %select_n3A_356 : i32
    %ne3A_358 = arith.constant 0 : i32
    %ne3A_359 = arith.cmpi ne, %rem3A_357, %ne3A_358 : i32
    %lt3A_360 = arith.constant 0 : i32
    %lt3A_361 = arith.cmpi slt, %rem3A_357, %lt3A_360 : i32
    %lt3A_362 = arith.constant 0 : i32
    %lt3A_363 = arith.cmpi slt, %select_n3A_356, %lt3A_362 : i32
    %ne3A_364 = arith.xori %lt3A_361, %lt3A_363 : i1
    %and3A_365 = arith.andi %ne3A_364, %ne3A_359 : i1
    %add3A_366 = arith.addi %rem3A_357, %select_n3A_356 : i32
    %select_n3A_367 = arith.select %and3A_365, %add3A_366, %rem3A_357 : i32
    %dma_wait3A_368 = arith.constant 0 : i32
    %dma_wait3A_369 = arith.constant 0 : i32
    %dma_wait3A_370 = tpu.memref_slice %arg8[%dma_wait3A_369] : memref<8192xf32, #tpu.memory_space<vmem>> -> memref<1024xf32, #tpu.memory_space<vmem>>
    %dma_wait3A_371 = arith.constant 0 : i32
    %dma_wait3A_372 = tpu.memref_slice %arg4[%select_n3A_351, %dma_wait3A_368, %select_n3A_367, %dma_wait3A_371] : memref<200x8x32x1024xf32, #tpu.memory_space<hbm>> -> memref<1x1x1x1024xf32, #tpu.memory_space<hbm>>
    %dma_wait3A_373 = tpu.memref_squeeze %dma_wait3A_372 : memref<1x1x1x1024xf32, #tpu.memory_space<hbm>> -> memref<1024xf32, #tpu.memory_space<hbm>>
    %dma_wait3A_374 = arith.constant 0 : i32
    %dma_wait3A_375 = tpu.memref_slice %arg4[%select_n3A_351, %dma_wait3A_368, %select_n3A_367, %dma_wait3A_374] : memref<200x8x32x1024xf32, #tpu.memory_space<hbm>> -> memref<1x1x1x1024xf32, #tpu.memory_space<hbm>>
    %dma_wait3A_376 = tpu.memref_squeeze %dma_wait3A_375 : memref<1x1x1x1024xf32, #tpu.memory_space<hbm>> -> memref<1024xf32, #tpu.memory_space<hbm>>
    %dma_wait3A_377 = arith.constant 0 : i32
    %dma_wait3A_378 = tpu.memref_slice %arg8[%dma_wait3A_377] : memref<8192xf32, #tpu.memory_space<vmem>> -> memref<1024xf32, #tpu.memory_space<vmem>>
    tpu.wait_dma2 semaphore(%arg12 : memref<!tpu.dma_semaphore, #tpu.memory_space<semaphore_mem>>) src(%dma_wait3A_378 : memref<1024xf32, #tpu.memory_space<vmem>>) dst(%dma_wait3A_376 : memref<1024xf32, #tpu.memory_space<hbm>>)
    %dma_wait3A_379 = arith.constant 1 : i32
    %dma_wait3A_380 = arith.constant 1024 : i32
    %dma_wait3A_381 = tpu.memref_slice %arg8[%dma_wait3A_380] : memref<8192xf32, #tpu.memory_space<vmem>> -> memref<1024xf32, #tpu.memory_space<vmem>>
    %dma_wait3A_382 = arith.constant 0 : i32
    %dma_wait3A_383 = tpu.memref_slice %arg4[%select_n3A_351, %dma_wait3A_379, %select_n3A_367, %dma_wait3A_382] : memref<200x8x32x1024xf32, #tpu.memory_space<hbm>> -> memref<1x1x1x1024xf32, #tpu.memory_space<hbm>>
    %dma_wait3A_384 = tpu.memref_squeeze %dma_wait3A_383 : memref<1x1x1x1024xf32, #tpu.memory_space<hbm>> -> memref<1024xf32, #tpu.memory_space<hbm>>
    %dma_wait3A_385 = arith.constant 0 : i32
    %dma_wait3A_386 = tpu.memref_slice %arg4[%select_n3A_351, %dma_wait3A_379, %select_n3A_367, %dma_wait3A_385] : memref<200x8x32x1024xf32, #tpu.memory_space<hbm>> -> memref<1x1x1x1024xf32, #tpu.memory_space<hbm>>
    %dma_wait3A_387 = tpu.memref_squeeze %dma_wait3A_386 : memref<1x1x1x1024xf32, #tpu.memory_space<hbm>> -> memref<1024xf32, #tpu.memory_space<hbm>>
    %dma_wait3A_388 = arith.constant 1024 : i32
    %dma_wait3A_389 = tpu.memref_slice %arg8[%dma_wait3A_388] : memref<8192xf32, #tpu.memory_space<vmem>> -> memref<1024xf32, #tpu.memory_space<vmem>>
    tpu.wait_dma2 semaphore(%arg12 : memref<!tpu.dma_semaphore, #tpu.memory_space<semaphore_mem>>) src(%dma_wait3A_389 : memref<1024xf32, #tpu.memory_space<vmem>>) dst(%dma_wait3A_387 : memref<1024xf32, #tpu.memory_space<hbm>>)
    %dma_wait3A_390 = arith.constant 2 : i32
    %dma_wait3A_391 = arith.constant 2048 : i32
    %dma_wait3A_392 = tpu.memref_slice %arg8[%dma_wait3A_391] : memref<8192xf32, #tpu.memory_space<vmem>> -> memref<1024xf32, #tpu.memory_space<vmem>>
    %dma_wait3A_393 = arith.constant 0 : i32
    %dma_wait3A_394 = tpu.memref_slice %arg4[%select_n3A_351, %dma_wait3A_390, %select_n3A_367, %dma_wait3A_393] : memref<200x8x32x1024xf32, #tpu.memory_space<hbm>> -> memref<1x1x1x1024xf32, #tpu.memory_space<hbm>>
    %dma_wait3A_395 = tpu.memref_squeeze %dma_wait3A_394 : memref<1x1x1x1024xf32, #tpu.memory_space<hbm>> -> memref<1024xf32, #tpu.memory_space<hbm>>
    %dma_wait3A_396 = arith.constant 0 : i32
    %dma_wait3A_397 = tpu.memref_slice %arg4[%select_n3A_351, %dma_wait3A_390, %select_n3A_367, %dma_wait3A_396] : memref<200x8x32x1024xf32, #tpu.memory_space<hbm>> -> memref<1x1x1x1024xf32, #tpu.memory_space<hbm>>
    %dma_wait3A_398 = tpu.memref_squeeze %dma_wait3A_397 : memref<1x1x1x1024xf32, #tpu.memory_space<hbm>> -> memref<1024xf32, #tpu.memory_space<hbm>>
    %dma_wait3A_399 = arith.constant 2048 : i32
    %dma_wait3A_400 = tpu.memref_slice %arg8[%dma_wait3A_399] : memref<8192xf32, #tpu.memory_space<vmem>> -> memref<1024xf32, #tpu.memory_space<vmem>>
    tpu.wait_dma2 semaphore(%arg12 : memref<!tpu.dma_semaphore, #tpu.memory_space<semaphore_mem>>) src(%dma_wait3A_400 : memref<1024xf32, #tpu.memory_space<vmem>>) dst(%dma_wait3A_398 : memref<1024xf32, #tpu.memory_space<hbm>>)
    %dma_wait3A_401 = arith.constant 3 : i32
    %dma_wait3A_402 = arith.constant 3072 : i32
    %dma_wait3A_403 = tpu.memref_slice %arg8[%dma_wait3A_402] : memref<8192xf32, #tpu.memory_space<vmem>> -> memref<1024xf32, #tpu.memory_space<vmem>>
    %dma_wait3A_404 = arith.constant 0 : i32
    %dma_wait3A_405 = tpu.memref_slice %arg4[%select_n3A_351, %dma_wait3A_401, %select_n3A_367, %dma_wait3A_404] : memref<200x8x32x1024xf32, #tpu.memory_space<hbm>> -> memref<1x1x1x1024xf32, #tpu.memory_space<hbm>>
    %dma_wait3A_406 = tpu.memref_squeeze %dma_wait3A_405 : memref<1x1x1x1024xf32, #tpu.memory_space<hbm>> -> memref<1024xf32, #tpu.memory_space<hbm>>
    %dma_wait3A_407 = arith.constant 0 : i32
    %dma_wait3A_408 = tpu.memref_slice %arg4[%select_n3A_351, %dma_wait3A_401, %select_n3A_367, %dma_wait3A_407] : memref<200x8x32x1024xf32, #tpu.memory_space<hbm>> -> memref<1x1x1x1024xf32, #tpu.memory_space<hbm>>
    %dma_wait3A_409 = tpu.memref_squeeze %dma_wait3A_408 : memref<1x1x1x1024xf32, #tpu.memory_space<hbm>> -> memref<1024xf32, #tpu.memory_space<hbm>>
    %dma_wait3A_410 = arith.constant 3072 : i32
    %dma_wait3A_411 = tpu.memref_slice %arg8[%dma_wait3A_410] : memref<8192xf32, #tpu.memory_space<vmem>> -> memref<1024xf32, #tpu.memory_space<vmem>>
    tpu.wait_dma2 semaphore(%arg12 : memref<!tpu.dma_semaphore, #tpu.memory_space<semaphore_mem>>) src(%dma_wait3A_411 : memref<1024xf32, #tpu.memory_space<vmem>>) dst(%dma_wait3A_409 : memref<1024xf32, #tpu.memory_space<hbm>>)
    %dma_wait3A_412 = arith.constant 4 : i32
    %dma_wait3A_413 = arith.constant 4096 : i32
    %dma_wait3A_414 = tpu.memref_slice %arg8[%dma_wait3A_413] : memref<8192xf32, #tpu.memory_space<vmem>> -> memref<1024xf32, #tpu.memory_space<vmem>>
    %dma_wait3A_415 = arith.constant 0 : i32
    %dma_wait3A_416 = tpu.memref_slice %arg4[%select_n3A_351, %dma_wait3A_412, %select_n3A_367, %dma_wait3A_415] : memref<200x8x32x1024xf32, #tpu.memory_space<hbm>> -> memref<1x1x1x1024xf32, #tpu.memory_space<hbm>>
    %dma_wait3A_417 = tpu.memref_squeeze %dma_wait3A_416 : memref<1x1x1x1024xf32, #tpu.memory_space<hbm>> -> memref<1024xf32, #tpu.memory_space<hbm>>
    %dma_wait3A_418 = arith.constant 0 : i32
    %dma_wait3A_419 = tpu.memref_slice %arg4[%select_n3A_351, %dma_wait3A_412, %select_n3A_367, %dma_wait3A_418] : memref<200x8x32x1024xf32, #tpu.memory_space<hbm>> -> memref<1x1x1x1024xf32, #tpu.memory_space<hbm>>
    %dma_wait3A_420 = tpu.memref_squeeze %dma_wait3A_419 : memref<1x1x1x1024xf32, #tpu.memory_space<hbm>> -> memref<1024xf32, #tpu.memory_space<hbm>>
    %dma_wait3A_421 = arith.constant 4096 : i32
    %dma_wait3A_422 = tpu.memref_slice %arg8[%dma_wait3A_421] : memref<8192xf32, #tpu.memory_space<vmem>> -> memref<1024xf32, #tpu.memory_space<vmem>>
    tpu.wait_dma2 semaphore(%arg12 : memref<!tpu.dma_semaphore, #tpu.memory_space<semaphore_mem>>) src(%dma_wait3A_422 : memref<1024xf32, #tpu.memory_space<vmem>>) dst(%dma_wait3A_420 : memref<1024xf32, #tpu.memory_space<hbm>>)
    %dma_wait3A_423 = arith.constant 5 : i32
    %dma_wait3A_424 = arith.constant 5120 : i32
    %dma_wait3A_425 = tpu.memref_slice %arg8[%dma_wait3A_424] : memref<8192xf32, #tpu.memory_space<vmem>> -> memref<1024xf32, #tpu.memory_space<vmem>>
    %dma_wait3A_426 = arith.constant 0 : i32
    %dma_wait3A_427 = tpu.memref_slice %arg4[%select_n3A_351, %dma_wait3A_423, %select_n3A_367, %dma_wait3A_426] : memref<200x8x32x1024xf32, #tpu.memory_space<hbm>> -> memref<1x1x1x1024xf32, #tpu.memory_space<hbm>>
    %dma_wait3A_428 = tpu.memref_squeeze %dma_wait3A_427 : memref<1x1x1x1024xf32, #tpu.memory_space<hbm>> -> memref<1024xf32, #tpu.memory_space<hbm>>
    %dma_wait3A_429 = arith.constant 0 : i32
    %dma_wait3A_430 = tpu.memref_slice %arg4[%select_n3A_351, %dma_wait3A_423, %select_n3A_367, %dma_wait3A_429] : memref<200x8x32x1024xf32, #tpu.memory_space<hbm>> -> memref<1x1x1x1024xf32, #tpu.memory_space<hbm>>
    %dma_wait3A_431 = tpu.memref_squeeze %dma_wait3A_430 : memref<1x1x1x1024xf32, #tpu.memory_space<hbm>> -> memref<1024xf32, #tpu.memory_space<hbm>>
    %dma_wait3A_432 = arith.constant 5120 : i32
    %dma_wait3A_433 = tpu.memref_slice %arg8[%dma_wait3A_432] : memref<8192xf32, #tpu.memory_space<vmem>> -> memref<1024xf32, #tpu.memory_space<vmem>>
    tpu.wait_dma2 semaphore(%arg12 : memref<!tpu.dma_semaphore, #tpu.memory_space<semaphore_mem>>) src(%dma_wait3A_433 : memref<1024xf32, #tpu.memory_space<vmem>>) dst(%dma_wait3A_431 : memref<1024xf32, #tpu.memory_space<hbm>>)
    %dma_wait3A_434 = arith.constant 6 : i32
    %dma_wait3A_435 = arith.constant 6144 : i32
    %dma_wait3A_436 = tpu.memref_slice %arg8[%dma_wait3A_435] : memref<8192xf32, #tpu.memory_space<vmem>> -> memref<1024xf32, #tpu.memory_space<vmem>>
    %dma_wait3A_437 = arith.constant 0 : i32
    %dma_wait3A_438 = tpu.memref_slice %arg4[%select_n3A_351, %dma_wait3A_434, %select_n3A_367, %dma_wait3A_437] : memref<200x8x32x1024xf32, #tpu.memory_space<hbm>> -> memref<1x1x1x1024xf32, #tpu.memory_space<hbm>>
    %dma_wait3A_439 = tpu.memref_squeeze %dma_wait3A_438 : memref<1x1x1x1024xf32, #tpu.memory_space<hbm>> -> memref<1024xf32, #tpu.memory_space<hbm>>
    %dma_wait3A_440 = arith.constant 0 : i32
    %dma_wait3A_441 = tpu.memref_slice %arg4[%select_n3A_351, %dma_wait3A_434, %select_n3A_367, %dma_wait3A_440] : memref<200x8x32x1024xf32, #tpu.memory_space<hbm>> -> memref<1x1x1x1024xf32, #tpu.memory_space<hbm>>
    %dma_wait3A_442 = tpu.memref_squeeze %dma_wait3A_441 : memref<1x1x1x1024xf32, #tpu.memory_space<hbm>> -> memref<1024xf32, #tpu.memory_space<hbm>>
    %dma_wait3A_443 = arith.constant 6144 : i32
    %dma_wait3A_444 = tpu.memref_slice %arg8[%dma_wait3A_443] : memref<8192xf32, #tpu.memory_space<vmem>> -> memref<1024xf32, #tpu.memory_space<vmem>>
    tpu.wait_dma2 semaphore(%arg12 : memref<!tpu.dma_semaphore, #tpu.memory_space<semaphore_mem>>) src(%dma_wait3A_444 : memref<1024xf32, #tpu.memory_space<vmem>>) dst(%dma_wait3A_442 : memref<1024xf32, #tpu.memory_space<hbm>>)
    %dma_wait3A_445 = arith.constant 7 : i32
    %dma_wait3A_446 = arith.constant 7168 : i32
    %dma_wait3A_447 = tpu.memref_slice %arg8[%dma_wait3A_446] : memref<8192xf32, #tpu.memory_space<vmem>> -> memref<1024xf32, #tpu.memory_space<vmem>>
    %dma_wait3A_448 = arith.constant 0 : i32
    %dma_wait3A_449 = tpu.memref_slice %arg4[%select_n3A_351, %dma_wait3A_445, %select_n3A_367, %dma_wait3A_448] : memref<200x8x32x1024xf32, #tpu.memory_space<hbm>> -> memref<1x1x1x1024xf32, #tpu.memory_space<hbm>>
    %dma_wait3A_450 = tpu.memref_squeeze %dma_wait3A_449 : memref<1x1x1x1024xf32, #tpu.memory_space<hbm>> -> memref<1024xf32, #tpu.memory_space<hbm>>
    %dma_wait3A_451 = arith.constant 0 : i32
    %dma_wait3A_452 = tpu.memref_slice %arg4[%select_n3A_351, %dma_wait3A_445, %select_n3A_367, %dma_wait3A_451] : memref<200x8x32x1024xf32, #tpu.memory_space<hbm>> -> memref<1x1x1x1024xf32, #tpu.memory_space<hbm>>
    %dma_wait3A_453 = tpu.memref_squeeze %dma_wait3A_452 : memref<1x1x1x1024xf32, #tpu.memory_space<hbm>> -> memref<1024xf32, #tpu.memory_space<hbm>>
    %dma_wait3A_454 = arith.constant 7168 : i32
    %dma_wait3A_455 = tpu.memref_slice %arg8[%dma_wait3A_454] : memref<8192xf32, #tpu.memory_space<vmem>> -> memref<1024xf32, #tpu.memory_space<vmem>>
    tpu.wait_dma2 semaphore(%arg12 : memref<!tpu.dma_semaphore, #tpu.memory_space<semaphore_mem>>) src(%dma_wait3A_455 : memref<1024xf32, #tpu.memory_space<vmem>>) dst(%dma_wait3A_453 : memref<1024xf32, #tpu.memory_space<hbm>>)
    %add3A_456 = arith.constant 199 : i32
    %add3A_457 = arith.addi %mul3A_2, %add3A_456 : i32
    %jit3A_458 = arith.constant 32 : i32
    %div3A_459 = arith.divsi %add3A_457, %jit3A_458 : i32
    %sign3A_460 = arith.constant 0 : i32
    %sign3A_461 = arith.cmpi sgt, %add3A_457, %sign3A_460 : i32
    %sign3A_462 = arith.extui %sign3A_461 : i1 to i32
    %sign3A_463 = arith.constant 0 : i32
    %sign3A_464 = arith.cmpi slt, %add3A_457, %sign3A_463 : i32
    %sign3A_465 = arith.extui %sign3A_464 : i1 to i32
    %sign3A_466 = arith.subi %sign3A_462, %sign3A_465 : i32
    %sign3A_467 = arith.constant 0 : i32
    %sign3A_468 = arith.cmpi sgt, %jit3A_458, %sign3A_467 : i32
    %sign3A_469 = arith.extui %sign3A_468 : i1 to i32
    %sign3A_470 = arith.constant 0 : i32
    %sign3A_471 = arith.cmpi slt, %jit3A_458, %sign3A_470 : i32
    %sign3A_472 = arith.extui %sign3A_471 : i1 to i32
    %sign3A_473 = arith.subi %sign3A_469, %sign3A_472 : i32
    %ne3A_474 = arith.cmpi ne, %sign3A_466, %sign3A_473 : i32
    %rem3A_475 = arith.remsi %add3A_457, %jit3A_458 : i32
    %ne3A_476 = arith.constant 0 : i32
    %ne3A_477 = arith.cmpi ne, %rem3A_475, %ne3A_476 : i32
    %and3A_478 = arith.andi %ne3A_474, %ne3A_477 : i1
    %sub3A_479 = arith.constant 1 : i32
    %sub3A_480 = arith.subi %div3A_459, %sub3A_479 : i32
    %select_n3A_481 = arith.select %and3A_478, %sub3A_480, %div3A_459 : i32
    %jit3A_482 = arith.constant 32 : i32
    %eq3A_483 = arith.constant 0 : i32
    %eq3A_484 = arith.cmpi eq, %jit3A_482, %eq3A_483 : i32
    %jit3A_485 = arith.constant 1 : i32
    %select_n3A_486 = arith.select %eq3A_484, %jit3A_485, %jit3A_482 : i32
    %rem3A_487 = arith.remsi %add3A_457, %select_n3A_486 : i32
    %ne3A_488 = arith.constant 0 : i32
    %ne3A_489 = arith.cmpi ne, %rem3A_487, %ne3A_488 : i32
    %lt3A_490 = arith.constant 0 : i32
    %lt3A_491 = arith.cmpi slt, %rem3A_487, %lt3A_490 : i32
    %lt3A_492 = arith.constant 0 : i32
    %lt3A_493 = arith.cmpi slt, %select_n3A_486, %lt3A_492 : i32
    %ne3A_494 = arith.xori %lt3A_491, %lt3A_493 : i1
    %and3A_495 = arith.andi %ne3A_494, %ne3A_489 : i1
    %add3A_496 = arith.addi %rem3A_487, %select_n3A_486 : i32
    %select_n3A_497 = arith.select %and3A_495, %add3A_496, %rem3A_487 : i32
    %dma_start3A_498 = arith.constant 0 : i32
    %dma_start3A_499 = arith.constant 0 : i32
    %dma_start3A_500 = tpu.memref_slice %arg9[%dma_start3A_499] : memref<8192xf32, #tpu.memory_space<vmem>> -> memref<1024xf32, #tpu.memory_space<vmem>>
    %dma_start3A_501 = arith.constant 0 : i32
    %dma_start3A_502 = tpu.memref_slice %arg4[%select_n3A_481, %dma_start3A_498, %select_n3A_497, %dma_start3A_501] : memref<200x8x32x1024xf32, #tpu.memory_space<hbm>> -> memref<1x1x1x1024xf32, #tpu.memory_space<hbm>>
    %dma_start3A_503 = tpu.memref_squeeze %dma_start3A_502 : memref<1x1x1x1024xf32, #tpu.memory_space<hbm>> -> memref<1024xf32, #tpu.memory_space<hbm>>
    %dma_start3A_504 = arith.constant 0 : i32
    %dma_start3A_505 = tpu.memref_slice %arg4[%select_n3A_481, %dma_start3A_498, %select_n3A_497, %dma_start3A_504] : memref<200x8x32x1024xf32, #tpu.memory_space<hbm>> -> memref<1x1x1x1024xf32, #tpu.memory_space<hbm>>
    %dma_start3A_506 = tpu.memref_squeeze %dma_start3A_505 : memref<1x1x1x1024xf32, #tpu.memory_space<hbm>> -> memref<1024xf32, #tpu.memory_space<hbm>>
    %dma_start3A_507 = arith.constant 0 : i32
    %dma_start3A_508 = tpu.memref_slice %arg9[%dma_start3A_507] : memref<8192xf32, #tpu.memory_space<vmem>> -> memref<1024xf32, #tpu.memory_space<vmem>>
    tpu.enqueue_dma source(%dma_start3A_508 : memref<1024xf32, #tpu.memory_space<vmem>>) target(%dma_start3A_506 : memref<1024xf32, #tpu.memory_space<hbm>>) target_semaphore(%arg13 : memref<!tpu.dma_semaphore, #tpu.memory_space<semaphore_mem>>)
    %dma_start3A_509 = arith.constant 1 : i32
    %dma_start3A_510 = arith.constant 1024 : i32
    %dma_start3A_511 = tpu.memref_slice %arg9[%dma_start3A_510] : memref<8192xf32, #tpu.memory_space<vmem>> -> memref<1024xf32, #tpu.memory_space<vmem>>
    %dma_start3A_512 = arith.constant 0 : i32
    %dma_start3A_513 = tpu.memref_slice %arg4[%select_n3A_481, %dma_start3A_509, %select_n3A_497, %dma_start3A_512] : memref<200x8x32x1024xf32, #tpu.memory_space<hbm>> -> memref<1x1x1x1024xf32, #tpu.memory_space<hbm>>
    %dma_start3A_514 = tpu.memref_squeeze %dma_start3A_513 : memref<1x1x1x1024xf32, #tpu.memory_space<hbm>> -> memref<1024xf32, #tpu.memory_space<hbm>>
    %dma_start3A_515 = arith.constant 0 : i32
    %dma_start3A_516 = tpu.memref_slice %arg4[%select_n3A_481, %dma_start3A_509, %select_n3A_497, %dma_start3A_515] : memref<200x8x32x1024xf32, #tpu.memory_space<hbm>> -> memref<1x1x1x1024xf32, #tpu.memory_space<hbm>>
    %dma_start3A_517 = tpu.memref_squeeze %dma_start3A_516 : memref<1x1x1x1024xf32, #tpu.memory_space<hbm>> -> memref<1024xf32, #tpu.memory_space<hbm>>
    %dma_start3A_518 = arith.constant 1024 : i32
    %dma_start3A_519 = tpu.memref_slice %arg9[%dma_start3A_518] : memref<8192xf32, #tpu.memory_space<vmem>> -> memref<1024xf32, #tpu.memory_space<vmem>>
    tpu.enqueue_dma source(%dma_start3A_519 : memref<1024xf32, #tpu.memory_space<vmem>>) target(%dma_start3A_517 : memref<1024xf32, #tpu.memory_space<hbm>>) target_semaphore(%arg13 : memref<!tpu.dma_semaphore, #tpu.memory_space<semaphore_mem>>)
    %dma_start3A_520 = arith.constant 2 : i32
    %dma_start3A_521 = arith.constant 2048 : i32
    %dma_start3A_522 = tpu.memref_slice %arg9[%dma_start3A_521] : memref<8192xf32, #tpu.memory_space<vmem>> -> memref<1024xf32, #tpu.memory_space<vmem>>
    %dma_start3A_523 = arith.constant 0 : i32
    %dma_start3A_524 = tpu.memref_slice %arg4[%select_n3A_481, %dma_start3A_520, %select_n3A_497, %dma_start3A_523] : memref<200x8x32x1024xf32, #tpu.memory_space<hbm>> -> memref<1x1x1x1024xf32, #tpu.memory_space<hbm>>
    %dma_start3A_525 = tpu.memref_squeeze %dma_start3A_524 : memref<1x1x1x1024xf32, #tpu.memory_space<hbm>> -> memref<1024xf32, #tpu.memory_space<hbm>>
    %dma_start3A_526 = arith.constant 0 : i32
    %dma_start3A_527 = tpu.memref_slice %arg4[%select_n3A_481, %dma_start3A_520, %select_n3A_497, %dma_start3A_526] : memref<200x8x32x1024xf32, #tpu.memory_space<hbm>> -> memref<1x1x1x1024xf32, #tpu.memory_space<hbm>>
    %dma_start3A_528 = tpu.memref_squeeze %dma_start3A_527 : memref<1x1x1x1024xf32, #tpu.memory_space<hbm>> -> memref<1024xf32, #tpu.memory_space<hbm>>
    %dma_start3A_529 = arith.constant 2048 : i32
    %dma_start3A_530 = tpu.memref_slice %arg9[%dma_start3A_529] : memref<8192xf32, #tpu.memory_space<vmem>> -> memref<1024xf32, #tpu.memory_space<vmem>>
    tpu.enqueue_dma source(%dma_start3A_530 : memref<1024xf32, #tpu.memory_space<vmem>>) target(%dma_start3A_528 : memref<1024xf32, #tpu.memory_space<hbm>>) target_semaphore(%arg13 : memref<!tpu.dma_semaphore, #tpu.memory_space<semaphore_mem>>)
    %dma_start3A_531 = arith.constant 3 : i32
    %dma_start3A_532 = arith.constant 3072 : i32
    %dma_start3A_533 = tpu.memref_slice %arg9[%dma_start3A_532] : memref<8192xf32, #tpu.memory_space<vmem>> -> memref<1024xf32, #tpu.memory_space<vmem>>
    %dma_start3A_534 = arith.constant 0 : i32
    %dma_start3A_535 = tpu.memref_slice %arg4[%select_n3A_481, %dma_start3A_531, %select_n3A_497, %dma_start3A_534] : memref<200x8x32x1024xf32, #tpu.memory_space<hbm>> -> memref<1x1x1x1024xf32, #tpu.memory_space<hbm>>
    %dma_start3A_536 = tpu.memref_squeeze %dma_start3A_535 : memref<1x1x1x1024xf32, #tpu.memory_space<hbm>> -> memref<1024xf32, #tpu.memory_space<hbm>>
    %dma_start3A_537 = arith.constant 0 : i32
    %dma_start3A_538 = tpu.memref_slice %arg4[%select_n3A_481, %dma_start3A_531, %select_n3A_497, %dma_start3A_537] : memref<200x8x32x1024xf32, #tpu.memory_space<hbm>> -> memref<1x1x1x1024xf32, #tpu.memory_space<hbm>>
    %dma_start3A_539 = tpu.memref_squeeze %dma_start3A_538 : memref<1x1x1x1024xf32, #tpu.memory_space<hbm>> -> memref<1024xf32, #tpu.memory_space<hbm>>
    %dma_start3A_540 = arith.constant 3072 : i32
    %dma_start3A_541 = tpu.memref_slice %arg9[%dma_start3A_540] : memref<8192xf32, #tpu.memory_space<vmem>> -> memref<1024xf32, #tpu.memory_space<vmem>>
    tpu.enqueue_dma source(%dma_start3A_541 : memref<1024xf32, #tpu.memory_space<vmem>>) target(%dma_start3A_539 : memref<1024xf32, #tpu.memory_space<hbm>>) target_semaphore(%arg13 : memref<!tpu.dma_semaphore, #tpu.memory_space<semaphore_mem>>)
    %dma_start3A_542 = arith.constant 4 : i32
    %dma_start3A_543 = arith.constant 4096 : i32
    %dma_start3A_544 = tpu.memref_slice %arg9[%dma_start3A_543] : memref<8192xf32, #tpu.memory_space<vmem>> -> memref<1024xf32, #tpu.memory_space<vmem>>
    %dma_start3A_545 = arith.constant 0 : i32
    %dma_start3A_546 = tpu.memref_slice %arg4[%select_n3A_481, %dma_start3A_542, %select_n3A_497, %dma_start3A_545] : memref<200x8x32x1024xf32, #tpu.memory_space<hbm>> -> memref<1x1x1x1024xf32, #tpu.memory_space<hbm>>
    %dma_start3A_547 = tpu.memref_squeeze %dma_start3A_546 : memref<1x1x1x1024xf32, #tpu.memory_space<hbm>> -> memref<1024xf32, #tpu.memory_space<hbm>>
    %dma_start3A_548 = arith.constant 0 : i32
    %dma_start3A_549 = tpu.memref_slice %arg4[%select_n3A_481, %dma_start3A_542, %select_n3A_497, %dma_start3A_548] : memref<200x8x32x1024xf32, #tpu.memory_space<hbm>> -> memref<1x1x1x1024xf32, #tpu.memory_space<hbm>>
    %dma_start3A_550 = tpu.memref_squeeze %dma_start3A_549 : memref<1x1x1x1024xf32, #tpu.memory_space<hbm>> -> memref<1024xf32, #tpu.memory_space<hbm>>
    %dma_start3A_551 = arith.constant 4096 : i32
    %dma_start3A_552 = tpu.memref_slice %arg9[%dma_start3A_551] : memref<8192xf32, #tpu.memory_space<vmem>> -> memref<1024xf32, #tpu.memory_space<vmem>>
    tpu.enqueue_dma source(%dma_start3A_552 : memref<1024xf32, #tpu.memory_space<vmem>>) target(%dma_start3A_550 : memref<1024xf32, #tpu.memory_space<hbm>>) target_semaphore(%arg13 : memref<!tpu.dma_semaphore, #tpu.memory_space<semaphore_mem>>)
    %dma_start3A_553 = arith.constant 5 : i32
    %dma_start3A_554 = arith.constant 5120 : i32
    %dma_start3A_555 = tpu.memref_slice %arg9[%dma_start3A_554] : memref<8192xf32, #tpu.memory_space<vmem>> -> memref<1024xf32, #tpu.memory_space<vmem>>
    %dma_start3A_556 = arith.constant 0 : i32
    %dma_start3A_557 = tpu.memref_slice %arg4[%select_n3A_481, %dma_start3A_553, %select_n3A_497, %dma_start3A_556] : memref<200x8x32x1024xf32, #tpu.memory_space<hbm>> -> memref<1x1x1x1024xf32, #tpu.memory_space<hbm>>
    %dma_start3A_558 = tpu.memref_squeeze %dma_start3A_557 : memref<1x1x1x1024xf32, #tpu.memory_space<hbm>> -> memref<1024xf32, #tpu.memory_space<hbm>>
    %dma_start3A_559 = arith.constant 0 : i32
    %dma_start3A_560 = tpu.memref_slice %arg4[%select_n3A_481, %dma_start3A_553, %select_n3A_497, %dma_start3A_559] : memref<200x8x32x1024xf32, #tpu.memory_space<hbm>> -> memref<1x1x1x1024xf32, #tpu.memory_space<hbm>>
    %dma_start3A_561 = tpu.memref_squeeze %dma_start3A_560 : memref<1x1x1x1024xf32, #tpu.memory_space<hbm>> -> memref<1024xf32, #tpu.memory_space<hbm>>
    %dma_start3A_562 = arith.constant 5120 : i32
    %dma_start3A_563 = tpu.memref_slice %arg9[%dma_start3A_562] : memref<8192xf32, #tpu.memory_space<vmem>> -> memref<1024xf32, #tpu.memory_space<vmem>>
    tpu.enqueue_dma source(%dma_start3A_563 : memref<1024xf32, #tpu.memory_space<vmem>>) target(%dma_start3A_561 : memref<1024xf32, #tpu.memory_space<hbm>>) target_semaphore(%arg13 : memref<!tpu.dma_semaphore, #tpu.memory_space<semaphore_mem>>)
    %dma_start3A_564 = arith.constant 6 : i32
    %dma_start3A_565 = arith.constant 6144 : i32
    %dma_start3A_566 = tpu.memref_slice %arg9[%dma_start3A_565] : memref<8192xf32, #tpu.memory_space<vmem>> -> memref<1024xf32, #tpu.memory_space<vmem>>
    %dma_start3A_567 = arith.constant 0 : i32
    %dma_start3A_568 = tpu.memref_slice %arg4[%select_n3A_481, %dma_start3A_564, %select_n3A_497, %dma_start3A_567] : memref<200x8x32x1024xf32, #tpu.memory_space<hbm>> -> memref<1x1x1x1024xf32, #tpu.memory_space<hbm>>
    %dma_start3A_569 = tpu.memref_squeeze %dma_start3A_568 : memref<1x1x1x1024xf32, #tpu.memory_space<hbm>> -> memref<1024xf32, #tpu.memory_space<hbm>>
    %dma_start3A_570 = arith.constant 0 : i32
    %dma_start3A_571 = tpu.memref_slice %arg4[%select_n3A_481, %dma_start3A_564, %select_n3A_497, %dma_start3A_570] : memref<200x8x32x1024xf32, #tpu.memory_space<hbm>> -> memref<1x1x1x1024xf32, #tpu.memory_space<hbm>>
    %dma_start3A_572 = tpu.memref_squeeze %dma_start3A_571 : memref<1x1x1x1024xf32, #tpu.memory_space<hbm>> -> memref<1024xf32, #tpu.memory_space<hbm>>
    %dma_start3A_573 = arith.constant 6144 : i32
    %dma_start3A_574 = tpu.memref_slice %arg9[%dma_start3A_573] : memref<8192xf32, #tpu.memory_space<vmem>> -> memref<1024xf32, #tpu.memory_space<vmem>>
    tpu.enqueue_dma source(%dma_start3A_574 : memref<1024xf32, #tpu.memory_space<vmem>>) target(%dma_start3A_572 : memref<1024xf32, #tpu.memory_space<hbm>>) target_semaphore(%arg13 : memref<!tpu.dma_semaphore, #tpu.memory_space<semaphore_mem>>)
    %dma_start3A_575 = arith.constant 7 : i32
    %dma_start3A_576 = arith.constant 7168 : i32
    %dma_start3A_577 = tpu.memref_slice %arg9[%dma_start3A_576] : memref<8192xf32, #tpu.memory_space<vmem>> -> memref<1024xf32, #tpu.memory_space<vmem>>
    %dma_start3A_578 = arith.constant 0 : i32
    %dma_start3A_579 = tpu.memref_slice %arg4[%select_n3A_481, %dma_start3A_575, %select_n3A_497, %dma_start3A_578] : memref<200x8x32x1024xf32, #tpu.memory_space<hbm>> -> memref<1x1x1x1024xf32, #tpu.memory_space<hbm>>
    %dma_start3A_580 = tpu.memref_squeeze %dma_start3A_579 : memref<1x1x1x1024xf32, #tpu.memory_space<hbm>> -> memref<1024xf32, #tpu.memory_space<hbm>>
    %dma_start3A_581 = arith.constant 0 : i32
    %dma_start3A_582 = tpu.memref_slice %arg4[%select_n3A_481, %dma_start3A_575, %select_n3A_497, %dma_start3A_581] : memref<200x8x32x1024xf32, #tpu.memory_space<hbm>> -> memref<1x1x1x1024xf32, #tpu.memory_space<hbm>>
    %dma_start3A_583 = tpu.memref_squeeze %dma_start3A_582 : memref<1x1x1x1024xf32, #tpu.memory_space<hbm>> -> memref<1024xf32, #tpu.memory_space<hbm>>
    %dma_start3A_584 = arith.constant 7168 : i32
    %dma_start3A_585 = tpu.memref_slice %arg9[%dma_start3A_584] : memref<8192xf32, #tpu.memory_space<vmem>> -> memref<1024xf32, #tpu.memory_space<vmem>>
    tpu.enqueue_dma source(%dma_start3A_585 : memref<1024xf32, #tpu.memory_space<vmem>>) target(%dma_start3A_583 : memref<1024xf32, #tpu.memory_space<hbm>>) target_semaphore(%arg13 : memref<!tpu.dma_semaphore, #tpu.memory_space<semaphore_mem>>)
    %add3A_586 = arith.constant 199 : i32
    %add3A_587 = arith.addi %mul3A_2, %add3A_586 : i32
    %jit3A_588 = arith.constant 32 : i32
    %div3A_589 = arith.divsi %add3A_587, %jit3A_588 : i32
    %sign3A_590 = arith.constant 0 : i32
    %sign3A_591 = arith.cmpi sgt, %add3A_587, %sign3A_590 : i32
    %sign3A_592 = arith.extui %sign3A_591 : i1 to i32
    %sign3A_593 = arith.constant 0 : i32
    %sign3A_594 = arith.cmpi slt, %add3A_587, %sign3A_593 : i32
    %sign3A_595 = arith.extui %sign3A_594 : i1 to i32
    %sign3A_596 = arith.subi %sign3A_592, %sign3A_595 : i32
    %sign3A_597 = arith.constant 0 : i32
    %sign3A_598 = arith.cmpi sgt, %jit3A_588, %sign3A_597 : i32
    %sign3A_599 = arith.extui %sign3A_598 : i1 to i32
    %sign3A_600 = arith.constant 0 : i32
    %sign3A_601 = arith.cmpi slt, %jit3A_588, %sign3A_600 : i32
    %sign3A_602 = arith.extui %sign3A_601 : i1 to i32
    %sign3A_603 = arith.subi %sign3A_599, %sign3A_602 : i32
    %ne3A_604 = arith.cmpi ne, %sign3A_596, %sign3A_603 : i32
    %rem3A_605 = arith.remsi %add3A_587, %jit3A_588 : i32
    %ne3A_606 = arith.constant 0 : i32
    %ne3A_607 = arith.cmpi ne, %rem3A_605, %ne3A_606 : i32
    %and3A_608 = arith.andi %ne3A_604, %ne3A_607 : i1
    %sub3A_609 = arith.constant 1 : i32
    %sub3A_610 = arith.subi %div3A_589, %sub3A_609 : i32
    %select_n3A_611 = arith.select %and3A_608, %sub3A_610, %div3A_589 : i32
    %jit3A_612 = arith.constant 32 : i32
    %eq3A_613 = arith.constant 0 : i32
    %eq3A_614 = arith.cmpi eq, %jit3A_612, %eq3A_613 : i32
    %jit3A_615 = arith.constant 1 : i32
    %select_n3A_616 = arith.select %eq3A_614, %jit3A_615, %jit3A_612 : i32
    %rem3A_617 = arith.remsi %add3A_587, %select_n3A_616 : i32
    %ne3A_618 = arith.constant 0 : i32
    %ne3A_619 = arith.cmpi ne, %rem3A_617, %ne3A_618 : i32
    %lt3A_620 = arith.constant 0 : i32
    %lt3A_621 = arith.cmpi slt, %rem3A_617, %lt3A_620 : i32
    %lt3A_622 = arith.constant 0 : i32
    %lt3A_623 = arith.cmpi slt, %select_n3A_616, %lt3A_622 : i32
    %ne3A_624 = arith.xori %lt3A_621, %lt3A_623 : i1
    %and3A_625 = arith.andi %ne3A_624, %ne3A_619 : i1
    %add3A_626 = arith.addi %rem3A_617, %select_n3A_616 : i32
    %select_n3A_627 = arith.select %and3A_625, %add3A_626, %rem3A_617 : i32
    %dma_wait3A_628 = arith.constant 0 : i32
    %dma_wait3A_629 = arith.constant 0 : i32
    %dma_wait3A_630 = tpu.memref_slice %arg9[%dma_wait3A_629] : memref<8192xf32, #tpu.memory_space<vmem>> -> memref<1024xf32, #tpu.memory_space<vmem>>
    %dma_wait3A_631 = arith.constant 0 : i32
    %dma_wait3A_632 = tpu.memref_slice %arg4[%select_n3A_611, %dma_wait3A_628, %select_n3A_627, %dma_wait3A_631] : memref<200x8x32x1024xf32, #tpu.memory_space<hbm>> -> memref<1x1x1x1024xf32, #tpu.memory_space<hbm>>
    %dma_wait3A_633 = tpu.memref_squeeze %dma_wait3A_632 : memref<1x1x1x1024xf32, #tpu.memory_space<hbm>> -> memref<1024xf32, #tpu.memory_space<hbm>>
    %dma_wait3A_634 = arith.constant 0 : i32
    %dma_wait3A_635 = tpu.memref_slice %arg4[%select_n3A_611, %dma_wait3A_628, %select_n3A_627, %dma_wait3A_634] : memref<200x8x32x1024xf32, #tpu.memory_space<hbm>> -> memref<1x1x1x1024xf32, #tpu.memory_space<hbm>>
    %dma_wait3A_636 = tpu.memref_squeeze %dma_wait3A_635 : memref<1x1x1x1024xf32, #tpu.memory_space<hbm>> -> memref<1024xf32, #tpu.memory_space<hbm>>
    %dma_wait3A_637 = arith.constant 0 : i32
    %dma_wait3A_638 = tpu.memref_slice %arg9[%dma_wait3A_637] : memref<8192xf32, #tpu.memory_space<vmem>> -> memref<1024xf32, #tpu.memory_space<vmem>>
    tpu.wait_dma2 semaphore(%arg13 : memref<!tpu.dma_semaphore, #tpu.memory_space<semaphore_mem>>) src(%dma_wait3A_638 : memref<1024xf32, #tpu.memory_space<vmem>>) dst(%dma_wait3A_636 : memref<1024xf32, #tpu.memory_space<hbm>>)
    %dma_wait3A_639 = arith.constant 1 : i32
    %dma_wait3A_640 = arith.constant 1024 : i32
    %dma_wait3A_641 = tpu.memref_slice %arg9[%dma_wait3A_640] : memref<8192xf32, #tpu.memory_space<vmem>> -> memref<1024xf32, #tpu.memory_space<vmem>>
    %dma_wait3A_642 = arith.constant 0 : i32
    %dma_wait3A_643 = tpu.memref_slice %arg4[%select_n3A_611, %dma_wait3A_639, %select_n3A_627, %dma_wait3A_642] : memref<200x8x32x1024xf32, #tpu.memory_space<hbm>> -> memref<1x1x1x1024xf32, #tpu.memory_space<hbm>>
    %dma_wait3A_644 = tpu.memref_squeeze %dma_wait3A_643 : memref<1x1x1x1024xf32, #tpu.memory_space<hbm>> -> memref<1024xf32, #tpu.memory_space<hbm>>
    %dma_wait3A_645 = arith.constant 0 : i32
    %dma_wait3A_646 = tpu.memref_slice %arg4[%select_n3A_611, %dma_wait3A_639, %select_n3A_627, %dma_wait3A_645] : memref<200x8x32x1024xf32, #tpu.memory_space<hbm>> -> memref<1x1x1x1024xf32, #tpu.memory_space<hbm>>
    %dma_wait3A_647 = tpu.memref_squeeze %dma_wait3A_646 : memref<1x1x1x1024xf32, #tpu.memory_space<hbm>> -> memref<1024xf32, #tpu.memory_space<hbm>>
    %dma_wait3A_648 = arith.constant 1024 : i32
    %dma_wait3A_649 = tpu.memref_slice %arg9[%dma_wait3A_648] : memref<8192xf32, #tpu.memory_space<vmem>> -> memref<1024xf32, #tpu.memory_space<vmem>>
    tpu.wait_dma2 semaphore(%arg13 : memref<!tpu.dma_semaphore, #tpu.memory_space<semaphore_mem>>) src(%dma_wait3A_649 : memref<1024xf32, #tpu.memory_space<vmem>>) dst(%dma_wait3A_647 : memref<1024xf32, #tpu.memory_space<hbm>>)
    %dma_wait3A_650 = arith.constant 2 : i32
    %dma_wait3A_651 = arith.constant 2048 : i32
    %dma_wait3A_652 = tpu.memref_slice %arg9[%dma_wait3A_651] : memref<8192xf32, #tpu.memory_space<vmem>> -> memref<1024xf32, #tpu.memory_space<vmem>>
    %dma_wait3A_653 = arith.constant 0 : i32
    %dma_wait3A_654 = tpu.memref_slice %arg4[%select_n3A_611, %dma_wait3A_650, %select_n3A_627, %dma_wait3A_653] : memref<200x8x32x1024xf32, #tpu.memory_space<hbm>> -> memref<1x1x1x1024xf32, #tpu.memory_space<hbm>>
    %dma_wait3A_655 = tpu.memref_squeeze %dma_wait3A_654 : memref<1x1x1x1024xf32, #tpu.memory_space<hbm>> -> memref<1024xf32, #tpu.memory_space<hbm>>
    %dma_wait3A_656 = arith.constant 0 : i32
    %dma_wait3A_657 = tpu.memref_slice %arg4[%select_n3A_611, %dma_wait3A_650, %select_n3A_627, %dma_wait3A_656] : memref<200x8x32x1024xf32, #tpu.memory_space<hbm>> -> memref<1x1x1x1024xf32, #tpu.memory_space<hbm>>
    %dma_wait3A_658 = tpu.memref_squeeze %dma_wait3A_657 : memref<1x1x1x1024xf32, #tpu.memory_space<hbm>> -> memref<1024xf32, #tpu.memory_space<hbm>>
    %dma_wait3A_659 = arith.constant 2048 : i32
    %dma_wait3A_660 = tpu.memref_slice %arg9[%dma_wait3A_659] : memref<8192xf32, #tpu.memory_space<vmem>> -> memref<1024xf32, #tpu.memory_space<vmem>>
    tpu.wait_dma2 semaphore(%arg13 : memref<!tpu.dma_semaphore, #tpu.memory_space<semaphore_mem>>) src(%dma_wait3A_660 : memref<1024xf32, #tpu.memory_space<vmem>>) dst(%dma_wait3A_658 : memref<1024xf32, #tpu.memory_space<hbm>>)
    %dma_wait3A_661 = arith.constant 3 : i32
    %dma_wait3A_662 = arith.constant 3072 : i32
    %dma_wait3A_663 = tpu.memref_slice %arg9[%dma_wait3A_662] : memref<8192xf32, #tpu.memory_space<vmem>> -> memref<1024xf32, #tpu.memory_space<vmem>>
    %dma_wait3A_664 = arith.constant 0 : i32
    %dma_wait3A_665 = tpu.memref_slice %arg4[%select_n3A_611, %dma_wait3A_661, %select_n3A_627, %dma_wait3A_664] : memref<200x8x32x1024xf32, #tpu.memory_space<hbm>> -> memref<1x1x1x1024xf32, #tpu.memory_space<hbm>>
    %dma_wait3A_666 = tpu.memref_squeeze %dma_wait3A_665 : memref<1x1x1x1024xf32, #tpu.memory_space<hbm>> -> memref<1024xf32, #tpu.memory_space<hbm>>
    %dma_wait3A_667 = arith.constant 0 : i32
    %dma_wait3A_668 = tpu.memref_slice %arg4[%select_n3A_611, %dma_wait3A_661, %select_n3A_627, %dma_wait3A_667] : memref<200x8x32x1024xf32, #tpu.memory_space<hbm>> -> memref<1x1x1x1024xf32, #tpu.memory_space<hbm>>
    %dma_wait3A_669 = tpu.memref_squeeze %dma_wait3A_668 : memref<1x1x1x1024xf32, #tpu.memory_space<hbm>> -> memref<1024xf32, #tpu.memory_space<hbm>>
    %dma_wait3A_670 = arith.constant 3072 : i32
    %dma_wait3A_671 = tpu.memref_slice %arg9[%dma_wait3A_670] : memref<8192xf32, #tpu.memory_space<vmem>> -> memref<1024xf32, #tpu.memory_space<vmem>>
    tpu.wait_dma2 semaphore(%arg13 : memref<!tpu.dma_semaphore, #tpu.memory_space<semaphore_mem>>) src(%dma_wait3A_671 : memref<1024xf32, #tpu.memory_space<vmem>>) dst(%dma_wait3A_669 : memref<1024xf32, #tpu.memory_space<hbm>>)
    %dma_wait3A_672 = arith.constant 4 : i32
    %dma_wait3A_673 = arith.constant 4096 : i32
    %dma_wait3A_674 = tpu.memref_slice %arg9[%dma_wait3A_673] : memref<8192xf32, #tpu.memory_space<vmem>> -> memref<1024xf32, #tpu.memory_space<vmem>>
    %dma_wait3A_675 = arith.constant 0 : i32
    %dma_wait3A_676 = tpu.memref_slice %arg4[%select_n3A_611, %dma_wait3A_672, %select_n3A_627, %dma_wait3A_675] : memref<200x8x32x1024xf32, #tpu.memory_space<hbm>> -> memref<1x1x1x1024xf32, #tpu.memory_space<hbm>>
    %dma_wait3A_677 = tpu.memref_squeeze %dma_wait3A_676 : memref<1x1x1x1024xf32, #tpu.memory_space<hbm>> -> memref<1024xf32, #tpu.memory_space<hbm>>
    %dma_wait3A_678 = arith.constant 0 : i32
    %dma_wait3A_679 = tpu.memref_slice %arg4[%select_n3A_611, %dma_wait3A_672, %select_n3A_627, %dma_wait3A_678] : memref<200x8x32x1024xf32, #tpu.memory_space<hbm>> -> memref<1x1x1x1024xf32, #tpu.memory_space<hbm>>
    %dma_wait3A_680 = tpu.memref_squeeze %dma_wait3A_679 : memref<1x1x1x1024xf32, #tpu.memory_space<hbm>> -> memref<1024xf32, #tpu.memory_space<hbm>>
    %dma_wait3A_681 = arith.constant 4096 : i32
    %dma_wait3A_682 = tpu.memref_slice %arg9[%dma_wait3A_681] : memref<8192xf32, #tpu.memory_space<vmem>> -> memref<1024xf32, #tpu.memory_space<vmem>>
    tpu.wait_dma2 semaphore(%arg13 : memref<!tpu.dma_semaphore, #tpu.memory_space<semaphore_mem>>) src(%dma_wait3A_682 : memref<1024xf32, #tpu.memory_space<vmem>>) dst(%dma_wait3A_680 : memref<1024xf32, #tpu.memory_space<hbm>>)
    %dma_wait3A_683 = arith.constant 5 : i32
    %dma_wait3A_684 = arith.constant 5120 : i32
    %dma_wait3A_685 = tpu.memref_slice %arg9[%dma_wait3A_684] : memref<8192xf32, #tpu.memory_space<vmem>> -> memref<1024xf32, #tpu.memory_space<vmem>>
    %dma_wait3A_686 = arith.constant 0 : i32
    %dma_wait3A_687 = tpu.memref_slice %arg4[%select_n3A_611, %dma_wait3A_683, %select_n3A_627, %dma_wait3A_686] : memref<200x8x32x1024xf32, #tpu.memory_space<hbm>> -> memref<1x1x1x1024xf32, #tpu.memory_space<hbm>>
    %dma_wait3A_688 = tpu.memref_squeeze %dma_wait3A_687 : memref<1x1x1x1024xf32, #tpu.memory_space<hbm>> -> memref<1024xf32, #tpu.memory_space<hbm>>
    %dma_wait3A_689 = arith.constant 0 : i32
    %dma_wait3A_690 = tpu.memref_slice %arg4[%select_n3A_611, %dma_wait3A_683, %select_n3A_627, %dma_wait3A_689] : memref<200x8x32x1024xf32, #tpu.memory_space<hbm>> -> memref<1x1x1x1024xf32, #tpu.memory_space<hbm>>
    %dma_wait3A_691 = tpu.memref_squeeze %dma_wait3A_690 : memref<1x1x1x1024xf32, #tpu.memory_space<hbm>> -> memref<1024xf32, #tpu.memory_space<hbm>>
    %dma_wait3A_692 = arith.constant 5120 : i32
    %dma_wait3A_693 = tpu.memref_slice %arg9[%dma_wait3A_692] : memref<8192xf32, #tpu.memory_space<vmem>> -> memref<1024xf32, #tpu.memory_space<vmem>>
    tpu.wait_dma2 semaphore(%arg13 : memref<!tpu.dma_semaphore, #tpu.memory_space<semaphore_mem>>) src(%dma_wait3A_693 : memref<1024xf32, #tpu.memory_space<vmem>>) dst(%dma_wait3A_691 : memref<1024xf32, #tpu.memory_space<hbm>>)
    %dma_wait3A_694 = arith.constant 6 : i32
    %dma_wait3A_695 = arith.constant 6144 : i32
    %dma_wait3A_696 = tpu.memref_slice %arg9[%dma_wait3A_695] : memref<8192xf32, #tpu.memory_space<vmem>> -> memref<1024xf32, #tpu.memory_space<vmem>>
    %dma_wait3A_697 = arith.constant 0 : i32
    %dma_wait3A_698 = tpu.memref_slice %arg4[%select_n3A_611, %dma_wait3A_694, %select_n3A_627, %dma_wait3A_697] : memref<200x8x32x1024xf32, #tpu.memory_space<hbm>> -> memref<1x1x1x1024xf32, #tpu.memory_space<hbm>>
    %dma_wait3A_699 = tpu.memref_squeeze %dma_wait3A_698 : memref<1x1x1x1024xf32, #tpu.memory_space<hbm>> -> memref<1024xf32, #tpu.memory_space<hbm>>
    %dma_wait3A_700 = arith.constant 0 : i32
    %dma_wait3A_701 = tpu.memref_slice %arg4[%select_n3A_611, %dma_wait3A_694, %select_n3A_627, %dma_wait3A_700] : memref<200x8x32x1024xf32, #tpu.memory_space<hbm>> -> memref<1x1x1x1024xf32, #tpu.memory_space<hbm>>
    %dma_wait3A_702 = tpu.memref_squeeze %dma_wait3A_701 : memref<1x1x1x1024xf32, #tpu.memory_space<hbm>> -> memref<1024xf32, #tpu.memory_space<hbm>>
    %dma_wait3A_703 = arith.constant 6144 : i32
    %dma_wait3A_704 = tpu.memref_slice %arg9[%dma_wait3A_703] : memref<8192xf32, #tpu.memory_space<vmem>> -> memref<1024xf32, #tpu.memory_space<vmem>>
    tpu.wait_dma2 semaphore(%arg13 : memref<!tpu.dma_semaphore, #tpu.memory_space<semaphore_mem>>) src(%dma_wait3A_704 : memref<1024xf32, #tpu.memory_space<vmem>>) dst(%dma_wait3A_702 : memref<1024xf32, #tpu.memory_space<hbm>>)
    %dma_wait3A_705 = arith.constant 7 : i32
    %dma_wait3A_706 = arith.constant 7168 : i32
    %dma_wait3A_707 = tpu.memref_slice %arg9[%dma_wait3A_706] : memref<8192xf32, #tpu.memory_space<vmem>> -> memref<1024xf32, #tpu.memory_space<vmem>>
    %dma_wait3A_708 = arith.constant 0 : i32
    %dma_wait3A_709 = tpu.memref_slice %arg4[%select_n3A_611, %dma_wait3A_705, %select_n3A_627, %dma_wait3A_708] : memref<200x8x32x1024xf32, #tpu.memory_space<hbm>> -> memref<1x1x1x1024xf32, #tpu.memory_space<hbm>>
    %dma_wait3A_710 = tpu.memref_squeeze %dma_wait3A_709 : memref<1x1x1x1024xf32, #tpu.memory_space<hbm>> -> memref<1024xf32, #tpu.memory_space<hbm>>
    %dma_wait3A_711 = arith.constant 0 : i32
    %dma_wait3A_712 = tpu.memref_slice %arg4[%select_n3A_611, %dma_wait3A_705, %select_n3A_627, %dma_wait3A_711] : memref<200x8x32x1024xf32, #tpu.memory_space<hbm>> -> memref<1x1x1x1024xf32, #tpu.memory_space<hbm>>
    %dma_wait3A_713 = tpu.memref_squeeze %dma_wait3A_712 : memref<1x1x1x1024xf32, #tpu.memory_space<hbm>> -> memref<1024xf32, #tpu.memory_space<hbm>>
    %dma_wait3A_714 = arith.constant 7168 : i32
    %dma_wait3A_715 = tpu.memref_slice %arg9[%dma_wait3A_714] : memref<8192xf32, #tpu.memory_space<vmem>> -> memref<1024xf32, #tpu.memory_space<vmem>>
    tpu.wait_dma2 semaphore(%arg13 : memref<!tpu.dma_semaphore, #tpu.memory_space<semaphore_mem>>) src(%dma_wait3A_715 : memref<1024xf32, #tpu.memory_space<vmem>>) dst(%dma_wait3A_713 : memref<1024xf32, #tpu.memory_space<hbm>>)
    return
  }
}

</mosaic_0001>

<sc_bundles>
// kernel: kernel.3.cloned.1.call-start
scs
__scs_entry_jumppad:
0x0: {  	(pc) =	sbr.rel $0x88, $3  }
0x1: {  	(tag) =	ssettag $0x0;
	lr =	simm.s32 $0x1  }
0x2: {  	[smem:$0x3F9F] =	sst lr;
	_ =	strace $0xD0000000  }
0x3: {  	_ = 	snop  }
0x4: {  	_ = 	snop  }
0x5: {  	_ = 	snop  }
0x6: {  	_ = 	snop  }
0x7: {  	_ = 	snop  }
__scs_overlays_trampoline_lowered:
0x8: {  	[smem:$0x3FAE] =	sst s0  }
0x9: {  	[smem:$0x3FAF] =	sst s1  }
0xa: {  	[smem:$0x3FB0] =	sst s2  }
0xb: {  	[smem:$0x3FB1] =	sst s3  }
0xc: {  	[smem:$0x3FB2] =	sst s4  }
0xd: {  	[smem:$0x3FB3] =	sst s5  }
0xe: {  	[smem:$0x3FB4] =	sst s6  }
0xf: {  	[smem:$0x3FB5] =	sst s7  }
0x10: {  	[smem:$0x3FB6] =	sst s8  }
0x11: {  	[smem:$0x3FB7] =	sst s9;
	s0 =	simm.s32 @!p0 $0x0  }
0x12: {  	s1 =	sld [smem:$0x3F9D];
	s0 =	simm.s32 @p0 $0x1  }
0x13: {  	[smem:$0x3FB8] =	sst s0;
	s0 =	simm.s32 @!p1 $0x0  }
0x14: {  	s2 =	sld [smem:$0x3F9C];
	s0 =	simm.s32 @p1 $0x1  }
0x15: {  	[smem:$0x3FB9] =	sst s0;
	s0 =	simm.s32 @!p2 $0x0  }
0x16: {  	s3 =	sld [smem:$0x3FDB];
	s0 =	simm.s32 @p2 $0x1  }
0x17: {  	s4 =	simm.s32 $0x1BF5;
	[smem:$0x3FBB] =	sst s0  }
0x18: {  	s0 =	sld [smem:$0x3F9E];
	_ =	swait.ge [sflag:s4], $0x0  }
0x19: {  	s7 =	sld [smem:$0x3F9F]  }
0x1a: {  	s8 =	sadd.s32 $0xFFFFE003, lr  }
0x1b: {  	s9 =	sadd.s32 $0xFFFFFEF7, lr;
	s5 =	simm.s32 $0xFFFFFFFF;
	p2 =	slt.u32 s8, $0xFFFFF086  }
0x1c: {  	p1 =	slt.u32 s9, $0xF7A;
	s5 =	simm.s32 @!p2 $0x0  }
0x1d: {  	s5 =	simm.s32 @p1 $0x1;
	p0 =	seq.s32 s7, s2  }
0x1e: {  	s7 =	smul.u32 @!p0 $0xF7A, s2;
	p2 =	seq.s32 @!p0 s5, $0x0  }
0x1f: {  	s9 =	smul.u32 $0xF7A, s1;
	s8 =	simm.s32 @!p0 $0x1BF5;
	p2 =	por !p2, p0  }
0x20: {  	[sflag:s8] =	ssyncset.s32 @!p0 $0xFFFFF086;
	s6 =	sadd.s32 @!p0 s3, s7;
	s7 =	simm.s32 @!p0 $0x108  }
0x21: {  	s3 =	sadd.s32 s3, s9;
	s6 =	sadd.s32 @!p0 $0x88, s6;
	s7 =	simm.s32 @p2 $0x1082  }
0x22: {  	[simem:s7], [sflag:s8] =	dma.local @!p0 [hbm:s6], $0xF7A  }
0x23: {  	s9 =	sor.u32 $0xD0000000, s2;
	s6 =	simm.s32 $0x108;
	_ =	swait.ge @!p0 [sflag:s8], $0x0  }
0x24: {  	s3 =	sadd.s32 $0x88, s3;
	s6 =	simm.s32 @!p1 $0x1082;
	[sflag:s4] =	ssyncset.s32 $0xFFFFF086  }
0x25: {  	[simem:s6], [sflag:s4] =	dma.local [hbm:s3], $0xF7A  }
0x26: {  	[smem:$0x3F9F] =	sst s1;
	(tag) =	ssettag s2;
	_ =	strace s9  }
0x27: {  	s1 =	sld [smem:$0x3FAF]  }
0x28: {  	s2 =	sld [smem:$0x3FB0]  }
0x29: {  	s4 =	sld [smem:$0x3FB2]  }
0x2a: {  	p0 =	seq.s32 s5, $0x0;
	s5 =	sld [smem:$0x3FB3]  }
0x2b: {  	s6 =	sld [smem:$0x3FB4]  }
0x2c: {  	s7 =	sld [smem:$0x3FB5]  }
0x2d: {  	s3 =	simm.s32 $0x108;
	s8 =	sld [smem:$0x3FB6]  }
0x2e: {  	s3 =	simm.s32 @!p0 $0x1082;
	s9 =	sld [smem:$0x3FB7]  }
0x2f: {  	lr =	sadd.s32 s0, s3;
	s0 =	sld [smem:$0x3FAE]  }
0x30: {  	s3 =	sld [smem:$0x3FB1]  }
0x31: {  	[smem:$0x3FBA] =	sst s10  }
0x32: {  	s10 =	sld [smem:$0x3FB8];
	_ =	sdelay $0x3  }
0x33: {  	p0 =	seq.s32 s10, $0x1;
	s10 =	sld [smem:$0x3FBA];
	_ =	sdelay $0x3  }
0x34: {  	[smem:$0x3FBA] =	sst s10  }
0x35: {  	s10 =	sld [smem:$0x3FB9];
	_ =	sdelay $0x3  }
0x36: {  	p1 =	seq.s32 s10, $0x1;
	s10 =	sld [smem:$0x3FBA];
	_ =	sdelay $0x3  }
0x37: {  	[smem:$0x3FBA] =	sst s10  }
0x38: {  	s10 =	sld [smem:$0x3FBB]  }
0x39: {  	_ = 	snop;
	(pc) =	sbr.ind lr, $3  }
0x3a: {  	_ = 	snop  }
0x3b: {  	_ = 	snop  }
0x3c: {  	p2 =	seq.s32 s10, $0x1;
	s10 =	sld [smem:$0x3FBA]  }
0x3d: {  	_ =	shalt  }
0x3e: {  	_ =	shalt  }
0x3f: {  	_ =	shalt  }
0x40: {  	_ =	shalt  }
0x41: {  	_ =	shalt  }
0x42: {  	_ =	shalt  }
0x43: {  	_ =	shalt  }
0x44: {  	_ =	shalt  }
0x45: {  	_ =	shalt  }
0x46: {  	_ =	shalt  }
0x47: {  	_ =	shalt  }
0x48: {  	_ =	shalt  }
0x49: {  	_ =	shalt  }
0x4a: {  	_ =	shalt  }
0x4b: {  	_ =	shalt  }
0x4c: {  	_ =	shalt  }
0x4d: {  	_ =	shalt  }
0x4e: {  	_ =	shalt  }
0x4f: {  	_ =	shalt  }
0x50: {  	_ =	shalt  }
0x51: {  	_ =	shalt  }
0x52: {  	_ =	shalt  }
0x53: {  	_ =	shalt  }
0x54: {  	_ =	shalt  }
0x55: {  	_ =	shalt  }
0x56: {  	_ =	shalt  }
0x57: {  	_ =	shalt  }
0x58: {  	_ =	shalt  }
0x59: {  	_ =	shalt  }
0x5a: {  	_ =	shalt  }
0x5b: {  	_ =	shalt  }
0x5c: {  	_ =	shalt  }
0x5d: {  	_ =	shalt  }
0x5e: {  	_ =	shalt  }
0x5f: {  	_ =	shalt  }
0x60: {  	_ =	shalt  }
0x61: {  	_ =	shalt  }
0x62: {  	_ =	shalt  }
0x63: {  	_ =	shalt  }
0x64: {  	_ =	shalt  }
0x65: {  	_ =	shalt  }
0x66: {  	_ =	shalt  }
0x67: {  	_ =	shalt  }
0x68: {  	_ =	shalt  }
0x69: {  	_ =	shalt  }
0x6a: {  	_ =	shalt  }
0x6b: {  	_ =	shalt  }
0x6c: {  	_ =	shalt  }
0x6d: {  	_ =	shalt  }
0x6e: {  	_ =	shalt  }
0x6f: {  	_ =	shalt  }
0x70: {  	_ =	shalt  }
0x71: {  	_ =	shalt  }
0x72: {  	_ =	shalt  }
0x73: {  	_ =	shalt  }
0x74: {  	_ =	shalt  }
0x75: {  	_ =	shalt  }
0x76: {  	_ =	shalt  }
0x77: {  	_ =	shalt  }
0x78: {  	_ =	shalt  }
0x79: {  	_ =	shalt  }
0x7a: {  	_ =	shalt  }
0x7b: {  	_ =	shalt  }
0x7c: {  	_ =	shalt  }
0x7d: {  	_ =	shalt  }
0x7e: {  	_ =	shalt  }
0x7f: {  	_ =	shalt  }
0x80: {  	_ =	shalt  }
0x81: {  	_ =	shalt  }
0x82: {  	_ =	shalt  }
0x83: {  	_ =	shalt  }
0x84: {  	_ =	shalt  }
0x85: {  	_ =	shalt  }
0x86: {  	_ =	shalt  }
0x87: {  	_ =	shalt  }
.Lfunc_end0:
.L_simem_size_0:
called_computation_lowered:
.L_overlay_start_0:
0x88: {  	s2 =	sld [smem:$0x3FD9]  }
0x89: {  	s3 =	sld [smem:$0x3FFE];
	_ =	sdelay $0x1  }
0x8a: {  	s1 =	srdreg.scid  }
0x8b: {  	s0 =	sand.u32 $0x1, s1  }
0x8c: {  	s17 =	sshll.u32 s0, $0xA;
	s2 =	sadd.s32 s3, s2  }
0x8d: {  	s2 =	sadd.s32 s2, s17  }
0x8e: {  	[smem:$0x3FC6] =	sst s2  }
0x8f: {  	_ = 	snop  }
0x90: {  	s2 =	sld [smem:$0x3FD0];
	(tm) =	ssettm $0x1  }
0x91: {  	s18 =	sld [smem:$0x3FFB];
	_ =	sdelay $0x3  }
0x92: {  	_ =	strace s18  }
0x93: {  	s3 =	sld [smem:$0x3FFC];
	_ =	sdelay $0x3  }
0x94: {  	_ =	strace s3  }
0x95: {  	s3 =	sld [smem:$0x3FFD];
	_ =	sdelay $0x3  }
0x96: {  	_ =	strace s3  }
0x97: {  	_ =	strace $0x8FFFFFFF  }
0x98: {  	s19 =	sld [smem:$0x3FDB];
	_ =	sdelay $0x1  }
0x99: {  	s4 =	simm.s32 $_scs_section_size  }
0x9a: {  	s5 =	simm.s32 $_size__tile_overlayer_lowered;
	s6 =	simm.s32 $_tile_overlayer_lowered  }
0x9b: {  	s22 =	simm.s32 $0x1BFF;
	s21 =	sshll.u32 s6, $0x1;
	s3 =	sadd.s32 s4, s19  }
0x9c: {  	s7 =	simm.s32 $0x0;
	s20 =	sshll.u32 s5, $0x1;
	s5 =	sadd.s32 s21, s3  }
0x9d: {  	[timem:s7], [sflag:s22] =	dma.local [hbm:s5], s20  }
0x9e: {  	_ =	swait.ge [sflag:s22], s20  }
0x9f: {  	s4 =	ssub.s32 $0x0, s20;
	[sflag:s22] =	ssyncset.done $0x0  }
0xa0: {  	[sflag:s22] =	ssyncadd.s32 s4;
	_ =	sdelay $0x1  }
0xa1: {  	s23 =	simm.s32 $0x1B8B  }
0xa2: {  	_ =	swait.ge [sflag:s23], $0x1  }
0xa3: {  	[sflag:s23] =	ssyncset.done $0x0  }
0xa4: {  	s25 =	simm.s32 $0x1B8E;
	s24 =	sld [smem:$0x3FFE];
	[sflag:s23] =	ssyncadd.s32 $0xFFFFFFFF  }
0xa5: {  	s26 =	simm.s32 $execute0_lowered;
	[smem:$0x3FD2] =	sst s25  }
0xa6: {  	s5 =	sshll.u32 s26, $0x1;
	_ =	strace $0x80000046;
	[dreg:$0x1] =	wrdreg $0xFFFFFFFF  }
0xa7: {  	s28 =	simm.s32 $_size_execute0_lowered;
	s3 =	sadd.s32 s3, s5;
	[dreg:$0x0] =	wrdreg $0x0  }
0xa8: {  	s5 =	sshll.u32 s28, $0x1;
	[dreg:$0x2] =	wrdreg s3  }
0xa9: {  	[dreg:$0x3] =	wrdreg s5  }
0xaa: {  	[dreg:$0x4] =	wrdreg $0xC0  }
0xab: {  	_ =	task [dreg:s7], $0x5FFFF  }
0xac: {  	[dreg:$0x1] =	wrdreg $0xFFFFFFFF  }
0xad: {  	[dreg:$0x0] =	wrdreg $0x60  }
0xae: {  	[dreg:$0x2] =	wrdreg s24  }
0xaf: {  	[dreg:$0x3] =	wrdreg s2  }
0xb0: {  	[dreg:$0x4] =	wrdreg $0x9  }
0xb1: {  	_ =	task.clear_ibuf [dreg:s7], $0x5FFFF;
	_ =	strace $0x90000046  }
0xb2: {  	s29 =	simm.s32 $0x9;
	_ =	strace $0x80000048  }
0xb3: {  	_ =	swait.ge [sflag:s29], $0x1  }
0xb4: {  	[sflag:s29] =	ssyncadd.s32 $0xFFFFFFFF  }
0xb5: {  	_ =	strace $0x90000048  }
0xb6: {  	_ =	sfence  }
0xb7: {  	s30 =	sld [smem:$0x0];
	_ =	sdelay $0x2  }
0xb8: {  	s31 =	sshll.u32 s1, $0xD;
	s1 =	sshrl.u32 s1, $0x2  }
0xb9: {  	s3 =	sand.u32 $0x4000, s31;
	s1 =	sadd.s32 s1, s30  }
0xba: {  	s0 =	sor.u32 s3, s0;
	s1 =	sshll.u32 s1, $0x11  }
0xbb: {  	s0 =	sor.u32 s1, s0  }
0xbc: {  	s0 =	sadd.s32 $0x8F2B, s0  }
0xbd: {  	[sflag:s0] =	ssyncadd.remote.s32 $0x1  }
0xbe: {  	_ =	sfence.sel $0xFFFF  }
0xbf: {  	[dreg:$0x0] =	wrdreg $0xFFFFFFFF;
	(pc) =	sbr.abs _section_cstart, $3  }
0xc0: {  	[dreg:$0x1] =	wrdreg $0xFFFFFFFF  }
0xc1: {  	_ =	task.clear_ibuf [dreg:s7], $0x2FFFF;
	_ =	strace $0x9FFFFFFF  }
0xc2: {  	(tm) =	ssettm $0x7FFFFFFF  }
0xc3: {  	_ =	shalt  }
tec
execute0_lowered:
.L_overlay_start_1:
0x0: {  	(tag) =	ssettag $0x1  }
0x1: {  	v1 =	vimm.s32 $0xFEDCBA9;
	v0 =	vlaneseq.u32;
	v2 =	vimm.s32 $0x87654321  }
0x2: {  	vm14 =	vcmask $0x300;
	v3 =	vimm.s32 $0xF;
	vm13 =	vcmask $0x704  }
0x3: {  	vm12 =	vcmask $0xB08;
	vm11 =	vcmask $0xF0C;
	vm10 =	vcmask $0x1310  }
0x4: {  	vm9 =	vcmask $0x1714;
	vm8 =	vcmask $0x1B18;
	vm7 =	vcmask $0x1F1C  }
0x5: {  	vm6 =	vcmask $0x2320;
	v5 =	vimm.s32 $0x8F;
	vm5 =	vcmask $0x2724  }
0x6: {  	vm3 =	vcmask $0x2B28;
	vm2 =	vcmask $0x2F2C;
	vm1 =	vcmask $0x3330  }
0x7: {  	vm0 =	vcmask $0x3734;
	v6 =	vimm.s32 $0x10FEDCBA;
	v7 =	vimm.s32 $0x98765432  }
0x8: {  	v8 =	vimm.s32 $0x10F;
	vm4 =	vcmask $0x3B38;
	v9 =	vimm.s32 $0x18F  }
0x9: {  	v10 =	vimm.s32 $0xA9876543;
	v13 =	vimm.s32 $0x28F;
	v14 =	vimm.s32 $0xCBA98765  }
0xa: {  	v15 =	vimm.s32 $0xDCBA9876;
	v27 =	vimm.s32 $0x76543210;
	v50 =	vimm.s32 $0x30F  }
0xb: {  	v51 =	vimm.s32 $0x38F;
	v34 =	vimm.s32 $0x48F;
	v59 =	vimm.s32 $0x60F  }
0xc: {  	v1 =	vunpack.c.l.s4.s8 v1;
	v2 =	vunpack.c.l.s4.s8 v2;
	v3 =	vsel vm14, $0x80, v3  }
0xd: {  	v5 =	vsel vm14, $0x100, v5;
	v6 =	vunpack.c.l.s4.s8 v6;
	v7 =	vunpack.c.l.s4.s8 v7  }
0xe: {  	v9 =	vsel vm14, $0x200, v9;
	v10 =	vunpack.c.l.s4.s8 v10;
	v13 =	vsel vm14, $0x300, v13  }
0xf: {  	v14 =	vunpack.c.l.s4.s8 v14;
	v15 =	vunpack.c.l.s4.s8 v15;
	v27 =	vunpack.c.l.s4.s8 v27  }
0x10: {  	v52 =	vsel vm14, $0x400, v51;
	v60 =	vsel vm14, $0x680, v59;
	v5 =	vsel vm13, $0x181, v5  }
0x11: {  	v9 =	vsel vm13, $0x281, v9;
	v13 =	vsel vm13, $0x381, v13;
	v17 =	vunpack.c.0.s8.s32 v1  }
0x12: {  	v1 =	vsel vm13, $0x101, v3;
	v18 =	vunpack.c.0.s8.s32 v2;
	v5 =	vsel vm12, $0x202, v5  }
0x13: {  	v19 =	vunpack.c.0.s8.s32 v6;
	v6 =	vsel vm14, $0x180, v8;
	v20 =	vunpack.c.0.s8.s32 v7  }
0x14: {  	v22 =	vunpack.c.0.s8.s32 v10;
	v10 =	vimm.s32 $0xBA987654;
	v26 =	vunpack.c.0.s8.s32 v14  }
0x15: {  	v29 =	vunpack.c.0.s8.s32 v15;
	v15 =	vimm.s32 $0xEDCBA987;
	v2 =	vsel vm12, $0x182, v1  }
0x16: {  	v1 =	vmul.u32 $0x40, v0;
	v5 =	vsel vm11, $0x283, v5;
	v6 =	vsel vm13, $0x201, v6  }
0x17: {  	v10 =	vunpack.c.l.s4.s8 v10;
	v15 =	vunpack.c.l.s4.s8 v15;
	v2 =	vsel vm11, $0x203, v2  }
0x18: {  	v3 =	vcombine.low v18, v17;
	v5 =	vsel vm10, $0x304, v5;
	v6 =	vsel vm12, $0x282, v6  }
0x19: {  	v7 =	vcombine.low v20, v19;
	v53 =	vcombine.low v17, v18;
	v17 =	vimm.s32 $0x40F  }
0x1a: {  	v55 =	vcombine.low v19, v20;
	v4 =	vsel vm10, $0x284, v2;
	v2 =	vmul.u32 $0x81, v0  }
0x1b: {  	v5 =	vsel vm9, $0x385, v5;
	v6 =	vsel vm11, $0x303, v6;
	v24 =	vunpack.c.0.s8.s32 v10  }
0x1c: {  	v31 =	vunpack.c.0.s8.s32 v15;
	v17 =	vsel vm14, $0x480, v17;
	v4 =	vsel vm9, $0x305, v4  }
0x1d: {  	v3 =	vand.u32 $0xF, v3;
	v5 =	vsel vm8, $0x406, v5;
	v6 =	vsel vm10, $0x384, v6  }
0x1e: {  	v17 =	vsel vm13, $0x501, v17;
	v19 =	vand.u32 $0xF, v53;
	v4 =	vsel vm8, $0x386, v4  }
0x1f: {  	v5 =	vsel vm7, $0x487, v5;
	v17 =	vsel vm12, $0x582, v17;
	v4 =	vsel vm7, $0x407, v4  }
0x20: {  	v5 =	vsel vm6, $0x508, v5;
	v17 =	vsel vm11, $0x603, v17;
	v4 =	vsel vm6, $0x488, v4  }
0x21: {  	v5 =	vsel vm5, $0x589, v5;
	v17 =	vsel vm10, $0x684, v17;
	v4 =	vsel vm5, $0x509, v4  }
0x22: {  	v5 =	vsel vm3, $0x60A, v5;
	v17 =	vsel vm9, $0x705, v17;
	v4 =	vsel vm3, $0x58A, v4  }
0x23: {  	v5 =	vsel vm2, $0x68B, v5;
	v17 =	vsel vm8, $0x786, v17;
	v4 =	vsel vm2, $0x60B, v4  }
0x24: {  	v8 =	vsel vm1, $0x70C, v5;
	v5 =	vand.u32 $0xF, v7;
	v17 =	vsel vm7, $0x7, v17  }
0x25: {  	v4 =	vsel vm1, $0x68C, v4;
	v7 =	vsel vm0, $0x78D, v8;
	v8 =	vsel vm9, $0x405, v6  }
0x26: {  	v17 =	vsel vm6, $0x88, v17;
	v4 =	vsel vm0, $0x70D, v4;
	v8 =	vsel vm8, $0x486, v8  }
0x27: {  	v6 =	vsel vm4, $0xE, v7;
	v7 =	vimm.s32 $0x210FEDCB;
	v8 =	vsel vm7, $0x507, v8  }
0x28: {  	v17 =	vsel vm5, $0x109, v17;
	v7 =	vunpack.c.l.s4.s8 v7;
	v8 =	vsel vm6, $0x588, v8  }
0x29: {  	v4 =	vsel vm4, $0x78E, v4;
	v17 =	vsel vm3, $0x18A, v17;
	v8 =	vsel vm5, $0x609, v8  }
0x2a: {  	v54 =	vsel vm2, $0x20B, v17;
	v21 =	vunpack.c.0.s8.s32 v7;
	v7 =	vsel vm3, $0x68A, v8  }
0x2b: {  	v8 =	vsel vm12, $0x302, v9;
	v9 =	vimm.s32 $0x3210FEDC;
	v7 =	vsel vm2, $0x70B, v7  }
0x2c: {  	v8 =	vsel vm11, $0x383, v8;
	v9 =	vunpack.c.l.s4.s8 v9;
	v11 =	vcombine.low v22, v21  }
0x2d: {  	v56 =	vcombine.low v21, v22;
	v22 =	vimm.s32 $0x50F;
	v21 =	vand.u32 $0xF, v55  }
0x2e: {  	v8 =	vsel vm10, $0x404, v8;
	v12 =	vsel vm1, $0x78C, v7;
	v22 =	vsel vm14, $0x580, v22  }
0x2f: {  	v8 =	vsel vm9, $0x485, v8;
	v23 =	vunpack.c.0.s8.s32 v9;
	v9 =	vsel vm0, $0xD, v12  }
0x30: {  	v12 =	vimm.s32 $0x20F;
	v22 =	vsel vm13, $0x601, v22;
	v7 =	vsel vm8, $0x506, v8  }
0x31: {  	v12 =	vsel vm14, $0x280, v12;
	v22 =	vsel vm12, $0x682, v22;
	v8 =	vsel vm7, $0x587, v7  }
0x32: {  	v7 =	vand.u32 $0xF, v11;
	v10 =	vcombine.low v24, v23;
	v57 =	vcombine.low v23, v24  }
0x33: {  	v23 =	vimm.s32 $0x58F;
	v22 =	vsel vm11, $0x703, v22;
	v8 =	vsel vm6, $0x608, v8  }
0x34: {  	v23 =	vsel vm14, $0x600, v23;
	v22 =	vsel vm10, $0x784, v22;
	v11 =	vsel vm5, $0x689, v8  }
0x35: {  	v8 =	vsel vm4, $0x8E, v9;
	v9 =	vand.u32 $0xF, v10;
	v23 =	vsel vm13, $0x681, v23  }
0x36: {  	v22 =	vsel vm9, $0x5, v22;
	v11 =	vsel vm3, $0x70A, v11;
	v23 =	vsel vm12, $0x702, v23  }
0x37: {  	v22 =	vsel vm8, $0x86, v22;
	v10 =	vsel vm2, $0x78B, v11;
	v11 =	vsel vm13, $0x301, v12  }
0x38: {  	v12 =	vimm.s32 $0x43210FED;
	v23 =	vsel vm11, $0x783, v23;
	v22 =	vsel vm7, $0x107, v22  }
0x39: {  	v10 =	vsel vm1, $0xC, v10;
	v11 =	vsel vm12, $0x382, v11;
	v12 =	vunpack.c.l.s4.s8 v12  }
0x3a: {  	v23 =	vsel vm10, $0x4, v23;
	v22 =	vsel vm6, $0x188, v22;
	v11 =	vsel vm11, $0x403, v11  }
0x3b: {  	v10 =	vsel vm0, $0x8D, v10;
	v23 =	vsel vm9, $0x85, v23;
	v22 =	vsel vm5, $0x209, v22  }
0x3c: {  	v11 =	vsel vm10, $0x484, v11;
	v25 =	vunpack.c.0.s8.s32 v12;
	v12 =	vsel vm12, $0x402, v13  }
0x3d: {  	v10 =	vsel vm4, $0x10E, v10;
	v23 =	vsel vm8, $0x106, v23;
	v22 =	vsel vm3, $0x28A, v22  }
0x3e: {  	v11 =	vsel vm9, $0x505, v11;
	v12 =	vsel vm11, $0x483, v12;
	v23 =	vsel vm7, $0x187, v23  }
0x3f: {  	v22 =	vsel vm2, $0x30B, v22;
	v11 =	vsel vm8, $0x586, v11;
	v12 =	vsel vm10, $0x504, v12  }
0x40: {  	v13 =	vcombine.low v26, v25;
	v23 =	vsel vm6, $0x208, v23;
	v11 =	vsel vm7, $0x607, v11  }
0x41: {  	v58 =	vcombine.low v25, v26;
	v12 =	vsel vm9, $0x585, v12;
	v11 =	vsel vm6, $0x688, v11  }
0x42: {  	v25 =	vand.u32 $0xF, v57;
	v12 =	vsel vm8, $0x606, v12;
	v11 =	vsel vm5, $0x709, v11  }
0x43: {  	v23 =	vsel vm5, $0x289, v23;
	v12 =	vsel vm7, $0x687, v12;
	v14 =	vsel vm3, $0x78A, v11  }
0x44: {  	v11 =	vand.u32 $0xF, v13;
	v13 =	vsel vm2, $0xB, v14;
	v14 =	vimm.s32 $0x543210FE  }
0x45: {  	v12 =	vsel vm6, $0x708, v12;
	v13 =	vsel vm1, $0x8C, v13;
	v14 =	vunpack.c.l.s4.s8 v14  }
0x46: {  	v23 =	vsel vm3, $0x30A, v23;
	v12 =	vsel vm5, $0x789, v12;
	v13 =	vsel vm0, $0x10D, v13  }
0x47: {  	v16 =	vsel vm3, $0xA, v12;
	v12 =	vsel vm4, $0x18E, v13;
	v28 =	vunpack.c.0.s8.s32 v14  }
0x48: {  	v13 =	vsel vm2, $0x8B, v16;
	v14 =	vimm.s32 $0x6543210F;
	v16 =	vimm.s32 $0xFEDCBA98  }
0x49: {  	v13 =	vsel vm1, $0x10C, v13;
	v14 =	vunpack.c.l.s4.s8 v14;
	v16 =	vunpack.c.l.s4.s8 v16  }
0x4a: {  	v32 =	vcombine.low v29, v28;
	v33 =	vsel vm0, $0x18D, v13;
	v29 =	vcombine.low v28, v29  }
0x4b: {  	v28 =	vimm.s32 $0x68F;
	v30 =	vunpack.c.0.s8.s32 v14;
	v15 =	vunpack.c.0.s8.s32 v16  }
0x4c: {  	v14 =	vsel vm4, $0x20E, v33;
	v16 =	vunpack.c.0.s8.s32 v27;
	v28 =	vsel vm14, $0x700, v28  }
0x4d: {  	v13 =	vand.u32 $0xF, v32;
	v32 =	vsel vm14, $0x380, v50;
	v28 =	vsel vm13, $0x781, v28  }
0x4e: {  	v29 =	vand.u32 $0xF, v29;
	v27 =	vcombine.low v31, v30;
	v15 =	vand.u32 $0xF, v15  }
0x4f: {  	v31 =	vcombine.low v30, v31;
	v30 =	vimm.s32 $0x70F;
	v15 =	vcombine.low v15, v16  }
0x50: {  	v16 =	vand.u32 $0xF, v27;
	v27 =	vsel vm13, $0x401, v32;
	v32 =	vsel vm13, $0x481, v52  }
0x51: {  	v28 =	vsel vm12, $0x2, v28;
	v18 =	vsel vm12, $0x482, v27;
	v27 =	vsel vm12, $0x502, v32  }
0x52: {  	v30 =	vsel vm14, $0x780, v30;
	v18 =	vsel vm11, $0x503, v18;
	v27 =	vsel vm11, $0x583, v27  }
0x53: {  	v28 =	vsel vm11, $0x83, v28;
	v18 =	vsel vm10, $0x584, v18;
	v27 =	vsel vm10, $0x604, v27  }
0x54: {  	v30 =	vsel vm13, $0x1, v30;
	v18 =	vsel vm9, $0x605, v18;
	v27 =	vsel vm9, $0x685, v27  }
0x55: {  	s1 =	srdreg.scid;
	v28 =	vsel vm10, $0x104, v28;
	v18 =	vsel vm8, $0x686, v18;
	v27 =	vsel vm8, $0x706, v27  }
0x56: {  	s3 =	stileid.u32;
	s2 =	rddreg [dreg:$0x1];
	v31 =	vand.u32 $0xF, v31;
	v18 =	vsel vm7, $0x707, v18;
	v27 =	vsel vm7, $0x787, v27  }
0x57: {  	s1 =	sand.u32 $0x1, s1;
	s4 =	sshll.u32 s3, $0x1;
	s3 =	simm.s32 $0x0;
	v32 =	vsel vm13, $0x701, v60;
	v18 =	vsel vm6, $0x788, v18;
	v27 =	vsel vm6, $0x8, v27  }
0x58: {  	s10 =	sadd.s32 $0x2000, s2;
	s5 =	sor.u32 s1, s4;
	[smem:$0x7FF] =	sst s3;
	v30 =	vsel vm12, $0x82, v30;
	v18 =	vsel vm5, $0x9, v18;
	v27 =	vsel vm5, $0x89, v27  }
0x59: {  	s0 =	rddreg [dreg:$0x0];
	s4 =	smul.u32 $0xC80, s5;
	_ =	strace $0x80000047;
	v28 =	vsel vm9, $0x185, v28;
	v18 =	vsel vm3, $0x8A, v18;
	v27 =	vsel vm3, $0x10A, v27  }
0x5a: {  	s1 =	ssub.s32 $0x2, s1;
	s6 =	smul.u32 $0x190000, s5;
	s8 =	sshll.u32 s5, $0xD;
	v32 =	vsel vm12, $0x782, v32;
	v18 =	vsel vm2, $0x10B, v18;
	v27 =	vsel vm2, $0x18B, v27  }
0x5b: {  	s12 =	sshrl.u32 s1, $0x1;
	s5 =	smul.u32 $0xC8, s5;
	s7 =	sadd.s32 s4, s0;
	v30 =	vsel vm11, $0x103, v30;
	v18 =	vsel vm1, $0x18C, v18;
	v27 =	vsel vm1, $0x20C, v27  }
0x5c: {  	s4 =	sadd.s32 $0xF42A00, s0;
	s6 =	sor.u32 s8, s6;
	s0 =	ssub.s32 s1, s12;
	v28 =	vsel vm8, $0x206, v28;
	v18 =	vsel vm0, $0x20D, v18;
	v27 =	vsel vm0, $0x28D, v27  }
0x5d: {  	s12 =	sadd.s32 $0x3000, s2;
	s20 =	sadd.s32 $0xC7, s5;
	s13 =	sand.u32 $0x3FC6000, s6;
	v17 =	vsel vm4, $0x28E, v18;
	v18 =	vsel vm4, $0x30E, v27;
	v27 =	vsel vm1, $0x28C, v54  }
0x5e: {  	s14 =	sadd.s32 $0x600, s7;
	s7 =	sadd.s32 $0x1000, s2;
	s21 =	sshll.u32 s20, $0xA;
	v32 =	vsel vm11, $0x3, v32;
	v30 =	vsel vm10, $0x184, v30;
	v27 =	vsel vm0, $0x30D, v27  }
0x5f: {  	s0 =	smax.u32 s0, $0x1;
	[dreg:$0x3] =	wrdreg s14;
	s1 =	sshrl.u32 s13, $0x3;
	v28 =	vsel vm7, $0x287, v28;
	v20 =	vsel vm4, $0x38E, v27;
	v27 =	vsel vm14, $0x500, v34  }
0x60: {  	s6 =	sshll.u32 s20, $0x7;
	[dreg:$0x14] =	wrdreg s0;
	s15 =	sadd.s32 s2, s1;
	v32 =	vsel vm10, $0x84, v32;
	v30 =	vsel vm9, $0x205, v30;
	v27 =	vsel vm13, $0x581, v27  }
0x61: {  	s13 =	sadd.s32 $0x4000, s2;
	s16 =	sadd.s32 s1, s7;
	[dreg:$0x4] =	wrdreg s15;
	v28 =	vsel vm6, $0x308, v28;
	v32 =	vsel vm9, $0x105, v32;
	v27 =	vsel vm12, $0x602, v27  }
0x62: {  	s8 =	sand.u32 $0xFF8000, s21;
	s17 =	sadd.s32 s1, s10;
	[dreg:$0x5] =	wrdreg s16;
	v30 =	vsel vm8, $0x286, v30;
	v28 =	vsel vm5, $0x389, v28;
	v24 =	vsel vm11, $0x683, v27  }
0x63: {  	s6 =	sand.u32 $0xF80, s6;
	s18 =	sadd.s32 s1, s12;
	[dreg:$0x6] =	wrdreg s17;
	v32 =	vsel vm8, $0x186, v32;
	v30 =	vsel vm7, $0x307, v30;
	v24 =	vsel vm10, $0x704, v24  }
0x64: {  	s19 =	sadd.s32 s1, s13;
	s6 =	sor.u32 s6, s8;
	[dreg:$0x7] =	wrdreg s18;
	v28 =	vsel vm3, $0x40A, v28;
	v32 =	vsel vm7, $0x207, v32;
	v24 =	vsel vm9, $0x785, v24  }
0x65: {  	s11 =	simm.s32 $0xA400;
	[dreg:$0x8] =	wrdreg s19;
	s23 =	sadd.s32 s2, s6;
	v30 =	vsel vm6, $0x388, v30;
	v32 =	vsel vm6, $0x288, v32;
	v24 =	vsel vm8, $0x6, v24  }
0x66: {  	s0 =	simm.s32 $0x80;
	s24 =	sadd.s32 s6, s7;
	[dreg:$0xc] =	wrdreg s23;
	v61 =	vsel vm2, $0x48B, v28;
	v32 =	vsel vm5, $0x309, v32;
	v24 =	vsel vm7, $0x87, v24  }
0x67: {  	s14 =	simm.s32 $0x0;
	s25 =	sadd.s32 s6, s10;
	[dreg:$0xd] =	wrdreg s24;
	v30 =	vsel vm5, $0x409, v30;
	v32 =	vsel vm3, $0x38A, v32;
	v24 =	vsel vm6, $0x108, v24  }
0x68: {  	s8 =	simm.s32 $0x8400;
	s26 =	sadd.s32 s6, s12;
	[dreg:$0xe] =	wrdreg s25;
	v62 =	vsel vm1, $0x50C, v61;
	v32 =	vsel vm2, $0x40B, v32;
	v24 =	vsel vm5, $0x189, v24  }
0x69: {  	s16 =	sadd.s32 $0x5000, s2;
	s28 =	sadd.s32 s6, s13;
	[dreg:$0xf] =	wrdreg s26;
	v30 =	vsel vm3, $0x48A, v30;
	v32 =	vsel vm1, $0x48C, v32;
	v24 =	vsel vm3, $0x20A, v24  }
0x6a: {  	s18 =	sadd.s32 $0x6000, s2;
	s9 =	sadd.s32 s1, s16;
	[dreg:$0x10] =	wrdreg s28;
	v30 =	vsel vm2, $0x50B, v30;
	v32 =	vsel vm0, $0x50D, v32;
	v24 =	vsel vm2, $0x28B, v24  }
0x6b: {  	s19 =	sadd.s32 $0x7000, s2;
	s22 =	sadd.s32 s1, s18;
	[dreg:$0x9] =	wrdreg s9;
	v30 =	vsel vm1, $0x58C, v30;
	v28 =	vsel vm4, $0x58E, v32;
	v24 =	vsel vm1, $0x30C, v24  }
0x6c: {  	s17 =	simm.s32 $0x4;
	s1 =	sadd.s32 s1, s19;
	[dreg:$0xa] =	wrdreg s22;
	v32 =	vsel vm0, $0x58D, v62;
	v27 =	vsel vm1, $0x38C, v22;
	v24 =	vsel vm0, $0x38D, v24  }
0x6d: {  	s29 =	sadd.s32 s6, s16;
	s30 =	sadd.s32 s6, s18;
	[dreg:$0xb] =	wrdreg s1;
	v22 =	vsel vm4, $0x40E, v24;
	v24 =	vsel vm0, $0x40D, v27;
	v27 =	vsel vm2, $0x38B, v23  }
0x6e: {  	s31 =	sadd.s32 s6, s19;
	s6 =	simm.s32 $0x6400;
	[dreg:$0x11] =	wrdreg s29;
	v63 =	vsel vm0, $0x60D, v30;
	v30 =	vsel vm4, $0x60E, v32;
	v27 =	vsel vm1, $0x40C, v27  }
0x6f: {  	s24 =	simm.s32 $0x2;
	s25 =	simm.s32 $0xC400;
	[dreg:$0x12] =	wrdreg s30;
	v32 =	vsel vm4, $0x68E, v63;
	v23 =	vand.u32 $0xF, v56;
	v27 =	vsel vm0, $0x48D, v27  }
0x70: {  	s26 =	simm.s32 $0x3;
	[dreg:$0x13] =	wrdreg s31;
	s9 =	simm.s32 $0x1;
	v24 =	vsel vm4, $0x48E, v24;
	v26 =	vsel vm4, $0x50E, v27;
	v27 =	vand.u32 $0xF, v58  }
.LBB2_1:
0x71: {  	[dreg:$0x15] =	wrdreg s14  }
0x72: {  	s1 =	rddreg [dreg:$0x3];
	s29 =	sand.u32 $0x70, s3;
	s30 =	simm.s32 $0x5  }
0x73: {  	[tilespmem:s3], [sflag:$0x5] =	stream.linear.gather [hbm4b:s1+s3], $0x6400, $0x38;
	[tilespmem:$0xE400] =	vst v63  }
0x74: {  	v33 =	vmov s29;
	_ =	swait.ge [sflag:s30], $0x6400  }
0x75: {  	v33 =	vshll.u32 v33, $0x6;
	[sflag:s30] =	ssyncset.done $0x0  }
0x76: {  	s20 =	simm.s32 $0x0;
	v33 =	vor.u32 v1, v33;
	[sflag:s30] =	ssyncadd.s32 $0xFFFF9C00  }
0x77: {  	v33 =	vor.u32 s20, v33;
	[tilespmem:s6], [sflag:$0x1] =	stream.indirect.gather [hbm4b:s4+s0], $0x40, s3, s0, $0xb8;
	[tilespmem:$0xE400] =	vst v63  }
0x78: {  	v34 =	vor.u32 v0, v33  }
0x79: {  	[tilespmem:s8], [sflag:$0x2] =	stream.indirect.gather [hbm4b:s4+s0], $0x40, s0, s0, $0xb8;
	[tilespmem:$0xE400] =	vst v63  }
0x7a: {  	_ =	swait.ge [sflag:s9], $0x2000  }
0x7b: {  	s31 =	simm.s32 $0x0;
	[sflag:s9] =	ssyncset.done $0x0  }
0x7c: {  	s20 =	sor.u32 s29, s31;
	[sflag:s9] =	ssyncadd.s32 $0xFFFFE000  }
0x7d: {  	v35 =	vor.u32 s20, v2;
	v34 =	vld.idx.msk [tilespmem:v34+s6+$0x0], $0xffff  }
0x7e: {  	v36 =	vor.u32 v3, v33;
	_ =	sdelay $0x3  }
0x7f: {  	[tilespmem:v35+s11+$0x0] =	vst.idx.msk $0xffff, v34  }
0x80: {  	v62 =	vor.u32 s20, v4;
	v34 =	vld.idx.msk [tilespmem:v36+s6+$0x0], $0xffff  }
0x81: {  	v63 =	vor.u32 v5, v33;
	_ =	sdelay $0x3  }
0x82: {  	[tilespmem:v62+s11+$0x0] =	vst.idx.msk $0xffff, v34  }
0x83: {  	v40 =	vor.u32 s20, v6;
	v34 =	vld.idx.msk [tilespmem:v63+s6+$0x0], $0xffff  }
0x84: {  	v41 =	vor.u32 v7, v33;
	_ =	sdelay $0x3  }
0x85: {  	[tilespmem:v40+s11+$0x0] =	vst.idx.msk $0xffff, v34  }
0x86: {  	v42 =	vor.u32 s20, v8;
	v34 =	vld.idx.msk [tilespmem:v41+s6+$0x0], $0xffff  }
0x87: {  	v43 =	vor.u32 v9, v33;
	_ =	sdelay $0x3  }
0x88: {  	[tilespmem:v42+s11+$0x0] =	vst.idx.msk $0xffff, v34  }
0x89: {  	v44 =	vor.u32 s20, v10;
	v34 =	vld.idx.msk [tilespmem:v43+s6+$0x0], $0xffff  }
0x8a: {  	v45 =	vor.u32 v11, v33;
	_ =	sdelay $0x3  }
0x8b: {  	[tilespmem:v44+s11+$0x0] =	vst.idx.msk $0xffff, v34  }
0x8c: {  	v46 =	vor.u32 s20, v12;
	v34 =	vld.idx.msk [tilespmem:v45+s6+$0x0], $0xffff  }
0x8d: {  	v47 =	vor.u32 v13, v33;
	_ =	sdelay $0x3  }
0x8e: {  	[tilespmem:v46+s11+$0x0] =	vst.idx.msk $0xffff, v34  }
0x8f: {  	v48 =	vor.u32 s20, v14;
	v34 =	vld.idx.msk [tilespmem:v47+s6+$0x0], $0xffff  }
0x90: {  	v49 =	vor.u32 v16, v33;
	_ =	sdelay $0x3  }
0x91: {  	[tilespmem:v48+s11+$0x0] =	vst.idx.msk $0xffff, v34  }
0x92: {  	v50 =	vor.u32 s20, v17;
	v34 =	vld.idx.msk [tilespmem:v49+s6+$0x0], $0xffff  }
0x93: {  	v51 =	vor.u32 v15, v33;
	_ =	sdelay $0x3  }
0x94: {  	[tilespmem:v50+s11+$0x0] =	vst.idx.msk $0xffff, v34  }
0x95: {  	v52 =	vor.u32 s20, v18;
	v34 =	vld.idx.msk [tilespmem:v51+s6+$0x0], $0xffff  }
0x96: {  	v53 =	vor.u32 v19, v33;
	_ =	sdelay $0x3  }
0x97: {  	[tilespmem:v52+s11+$0x0] =	vst.idx.msk $0xffff, v34  }
0x98: {  	v54 =	vor.u32 s20, v20;
	v34 =	vld.idx.msk [tilespmem:v53+s6+$0x0], $0xffff  }
0x99: {  	v55 =	vor.u32 v21, v33;
	_ =	sdelay $0x3  }
0x9a: {  	[tilespmem:v54+s11+$0x0] =	vst.idx.msk $0xffff, v34  }
0x9b: {  	v56 =	vor.u32 s20, v22;
	v34 =	vld.idx.msk [tilespmem:v55+s6+$0x0], $0xffff  }
0x9c: {  	v57 =	vor.u32 v23, v33;
	_ =	sdelay $0x3  }
0x9d: {  	[tilespmem:v56+s11+$0x0] =	vst.idx.msk $0xffff, v34  }
0x9e: {  	v58 =	vor.u32 s20, v24;
	v34 =	vld.idx.msk [tilespmem:v57+s6+$0x0], $0xffff  }
0x9f: {  	v59 =	vor.u32 v25, v33;
	_ =	sdelay $0x3  }
0xa0: {  	[tilespmem:v58+s11+$0x0] =	vst.idx.msk $0xffff, v34  }
0xa1: {  	v60 =	vor.u32 s20, v26;
	v34 =	vld.idx.msk [tilespmem:v59+s6+$0x0], $0xffff  }
0xa2: {  	v61 =	vor.u32 v27, v33;
	_ =	sdelay $0x3  }
0xa3: {  	[tilespmem:v60+s11+$0x0] =	vst.idx.msk $0xffff, v34  }
0xa4: {  	v62 =	vor.u32 s20, v28;
	v34 =	vld.idx.msk [tilespmem:v61+s6+$0x0], $0xffff  }
0xa5: {  	v63 =	vor.u32 v29, v33;
	_ =	sdelay $0x3  }
0xa6: {  	[tilespmem:v62+s11+$0x0] =	vst.idx.msk $0xffff, v34  }
0xa7: {  	v35 =	vor.u32 s20, v30;
	v34 =	vld.idx.msk [tilespmem:v63+s6+$0x0], $0xffff  }
0xa8: {  	v33 =	vor.u32 v31, v33  }
0xa9: {  	s21 =	simm.s32 $0x10  }
0xaa: {  	s22 =	simm.s32 $0x1;
	s23 =	simm.s32 $0x2;
	s28 =	sand.u32 $0x70, s21  }
.LBB2_2:
0xab: {  	p0 =	sne.s32 s23, $0x1F;
	v36 =	vmov s28  }
0xac: {  	s1 =	sshrl.u32 s22, $0x3;
	s22 =	smov.u32 s23;
	v36 =	vshll.u32 v36, $0x6;
	[tilespmem:v35+s11+$0x0] =	vst.idx.msk $0xffff, v34  }
0xad: {  	s29 =	sshll.u32 s1, $0x4;
	v34 =	vor.u32 v1, v36;
	v35 =	vld.idx.msk [tilespmem:v33+s6+$0x0], $0xffff  }
0xae: {  	v33 =	vor.u32 s29, v34;
	v34 =	vor.u32 s20, v32  }
0xaf: {  	v36 =	vor.u32 v0, v33;
	_ =	sdelay $0x3  }
0xb0: {  	s1 =	sshll.u32 s1, $0xB;
	[tilespmem:v34+s11+$0x0] =	vst.idx.msk $0xffff, v35  }
0xb1: {  	s20 =	sor.u32 s28, s1;
	v34 =	vld.idx.msk [tilespmem:v36+s6+$0x0], $0xffff  }
0xb2: {  	v35 =	vor.u32 s20, v2  }
0xb3: {  	v36 =	vor.u32 v3, v33;
	_ =	sdelay $0x3  }
0xb4: {  	[tilespmem:v35+s11+$0x0] =	vst.idx.msk $0xffff, v34  }
0xb5: {  	v34 =	vld.idx.msk [tilespmem:v36+s6+$0x0], $0xffff  }
0xb6: {  	v35 =	vor.u32 s20, v4  }
0xb7: {  	v36 =	vor.u32 v5, v33;
	_ =	sdelay $0x3  }
0xb8: {  	[tilespmem:v35+s11+$0x0] =	vst.idx.msk $0xffff, v34  }
0xb9: {  	v34 =	vld.idx.msk [tilespmem:v36+s6+$0x0], $0xffff  }
0xba: {  	v35 =	vor.u32 s20, v6  }
0xbb: {  	v36 =	vor.u32 v7, v33;
	_ =	sdelay $0x3  }
0xbc: {  	[tilespmem:v35+s11+$0x0] =	vst.idx.msk $0xffff, v34  }
0xbd: {  	v34 =	vld.idx.msk [tilespmem:v36+s6+$0x0], $0xffff  }
0xbe: {  	v35 =	vor.u32 s20, v8  }
0xbf: {  	v36 =	vor.u32 v9, v33;
	_ =	sdelay $0x3  }
0xc0: {  	[tilespmem:v35+s11+$0x0] =	vst.idx.msk $0xffff, v34  }
0xc1: {  	v34 =	vld.idx.msk [tilespmem:v36+s6+$0x0], $0xffff  }
0xc2: {  	v35 =	vor.u32 s20, v10  }
0xc3: {  	v36 =	vor.u32 v11, v33;
	_ =	sdelay $0x3  }
0xc4: {  	[tilespmem:v35+s11+$0x0] =	vst.idx.msk $0xffff, v34  }
0xc5: {  	v34 =	vld.idx.msk [tilespmem:v36+s6+$0x0], $0xffff  }
0xc6: {  	v35 =	vor.u32 s20, v12  }
0xc7: {  	v36 =	vor.u32 v13, v33;
	_ =	sdelay $0x3  }
0xc8: {  	[tilespmem:v35+s11+$0x0] =	vst.idx.msk $0xffff, v34  }
0xc9: {  	v34 =	vld.idx.msk [tilespmem:v36+s6+$0x0], $0xffff  }
0xca: {  	v35 =	vor.u32 s20, v14  }
0xcb: {  	v36 =	vor.u32 v16, v33;
	_ =	sdelay $0x3  }
0xcc: {  	[tilespmem:v35+s11+$0x0] =	vst.idx.msk $0xffff, v34  }
0xcd: {  	v34 =	vld.idx.msk [tilespmem:v36+s6+$0x0], $0xffff  }
0xce: {  	v35 =	vor.u32 s20, v17  }
0xcf: {  	v36 =	vor.u32 v15, v33;
	_ =	sdelay $0x3  }
0xd0: {  	[tilespmem:v35+s11+$0x0] =	vst.idx.msk $0xffff, v34  }
0xd1: {  	v34 =	vld.idx.msk [tilespmem:v36+s6+$0x0], $0xffff  }
0xd2: {  	v35 =	vor.u32 s20, v18  }
0xd3: {  	v36 =	vor.u32 v19, v33;
	_ =	sdelay $0x3  }
0xd4: {  	[tilespmem:v35+s11+$0x0] =	vst.idx.msk $0xffff, v34  }
0xd5: {  	v34 =	vld.idx.msk [tilespmem:v36+s6+$0x0], $0xffff  }
0xd6: {  	v35 =	vor.u32 s20, v20  }
0xd7: {  	v36 =	vor.u32 v21, v33;
	_ =	sdelay $0x3  }
0xd8: {  	[tilespmem:v35+s11+$0x0] =	vst.idx.msk $0xffff, v34  }
0xd9: {  	v34 =	vld.idx.msk [tilespmem:v36+s6+$0x0], $0xffff  }
0xda: {  	v35 =	vor.u32 s20, v22  }
0xdb: {  	v36 =	vor.u32 v23, v33;
	_ =	sdelay $0x3  }
0xdc: {  	[tilespmem:v35+s11+$0x0] =	vst.idx.msk $0xffff, v34  }
0xdd: {  	v34 =	vld.idx.msk [tilespmem:v36+s6+$0x0], $0xffff  }
0xde: {  	v35 =	vor.u32 s20, v24  }
0xdf: {  	v36 =	vor.u32 v25, v33;
	_ =	sdelay $0x3  }
0xe0: {  	[tilespmem:v35+s11+$0x0] =	vst.idx.msk $0xffff, v34  }
0xe1: {  	v34 =	vld.idx.msk [tilespmem:v36+s6+$0x0], $0xffff  }
0xe2: {  	v35 =	vor.u32 s20, v26  }
0xe3: {  	v36 =	vor.u32 v27, v33;
	_ =	sdelay $0x3  }
0xe4: {  	[tilespmem:v35+s11+$0x0] =	vst.idx.msk $0xffff, v34  }
0xe5: {  	v34 =	vld.idx.msk [tilespmem:v36+s6+$0x0], $0xffff  }
0xe6: {  	v35 =	vor.u32 s20, v28  }
0xe7: {  	v36 =	vor.u32 v29, v33;
	_ =	sdelay $0x3  }
0xe8: {  	[tilespmem:v35+s11+$0x0] =	vst.idx.msk $0xffff, v34  }
.Ltmp0:
0xe9: {  	v34 =	vld.idx.msk [tilespmem:v36+s6+$0x0], $0xffff;
	(pc) =	sbr.rel @p0 .LBB2_2-.Ltmp0, $4  }
0xea: {  	v35 =	vor.u32 s20, v30  }
0xeb: {  	v33 =	vor.u32 v31, v33  }
0xec: {  	s21 =	sadd.s32 $0x10, s21  }
0xed: {  	s23 =	sadd.s32 $0x1, s23;
	s28 =	sand.u32 $0x70, s21  }
0xee: {  	_ =	sdelay $0x1  }
0xef: {  	v36 =	vmov s28  }
0xf0: {  	s1 =	sshrl.u32 s22, $0x3;
	v36 =	vshll.u32 v36, $0x6  }
0xf1: {  	[tilespmem:v35+s11+$0x0] =	vst.idx.msk $0xffff, v34;
	s21 =	sshll.u32 s1, $0x4;
	v55 =	vor.u32 v1, v36  }
0xf2: {  	v56 =	vor.u32 s20, v32;
	v33 =	vld.idx.msk [tilespmem:v33+s6+$0x0], $0xffff;
	v34 =	vor.u32 s21, v55  }
0xf3: {  	v57 =	vor.u32 v0, v34;
	_ =	sdelay $0x2  }
0xf4: {  	s1 =	sshll.u32 s1, $0xB  }
0xf5: {  	s1 =	sor.u32 s28, s1;
	[tilespmem:v56+s11+$0x0] =	vst.idx.msk $0xffff, v33  }
0xf6: {  	v58 =	vor.u32 s1, v2;
	v33 =	vld.idx.msk [tilespmem:v57+s6+$0x0], $0xffff  }
0xf7: {  	v59 =	vor.u32 v3, v34;
	_ =	sdelay $0x3  }
0xf8: {  	[tilespmem:v58+s11+$0x0] =	vst.idx.msk $0xffff, v33  }
0xf9: {  	v60 =	vor.u32 s1, v4;
	v33 =	vld.idx.msk [tilespmem:v59+s6+$0x0], $0xffff  }
0xfa: {  	v61 =	vor.u32 v5, v34;
	_ =	sdelay $0x3  }
0xfb: {  	[tilespmem:v60+s11+$0x0] =	vst.idx.msk $0xffff, v33  }
0xfc: {  	v62 =	vor.u32 s1, v6;
	v33 =	vld.idx.msk [tilespmem:v61+s6+$0x0], $0xffff  }
0xfd: {  	v63 =	vor.u32 v7, v34;
	_ =	sdelay $0x3  }
0xfe: {  	[tilespmem:v62+s11+$0x0] =	vst.idx.msk $0xffff, v33  }
0xff: {  	v40 =	vor.u32 s1, v8;
	v33 =	vld.idx.msk [tilespmem:v63+s6+$0x0], $0xffff  }
0x100: {  	v41 =	vor.u32 v9, v34;
	_ =	sdelay $0x3  }
0x101: {  	[tilespmem:v40+s11+$0x0] =	vst.idx.msk $0xffff, v33  }
0x102: {  	v42 =	vor.u32 s1, v10;
	v33 =	vld.idx.msk [tilespmem:v41+s6+$0x0], $0xffff  }
0x103: {  	v43 =	vor.u32 v11, v34;
	_ =	sdelay $0x3  }
0x104: {  	[tilespmem:v42+s11+$0x0] =	vst.idx.msk $0xffff, v33  }
0x105: {  	v44 =	vor.u32 s1, v12;
	v33 =	vld.idx.msk [tilespmem:v43+s6+$0x0], $0xffff  }
0x106: {  	v45 =	vor.u32 v13, v34;
	_ =	sdelay $0x3  }
0x107: {  	[tilespmem:v44+s11+$0x0] =	vst.idx.msk $0xffff, v33  }
0x108: {  	v46 =	vor.u32 s1, v14;
	v33 =	vld.idx.msk [tilespmem:v45+s6+$0x0], $0xffff  }
0x109: {  	v47 =	vor.u32 v16, v34;
	_ =	sdelay $0x3  }
0x10a: {  	[tilespmem:v46+s11+$0x0] =	vst.idx.msk $0xffff, v33  }
0x10b: {  	v48 =	vor.u32 s1, v17;
	v33 =	vld.idx.msk [tilespmem:v47+s6+$0x0], $0xffff  }
0x10c: {  	v49 =	vor.u32 v15, v34;
	_ =	sdelay $0x3  }
0x10d: {  	[tilespmem:v48+s11+$0x0] =	vst.idx.msk $0xffff, v33  }
0x10e: {  	v50 =	vor.u32 s1, v18;
	v33 =	vld.idx.msk [tilespmem:v49+s6+$0x0], $0xffff  }
0x10f: {  	v51 =	vor.u32 v19, v34;
	_ =	sdelay $0x3  }
0x110: {  	[tilespmem:v50+s11+$0x0] =	vst.idx.msk $0xffff, v33  }
0x111: {  	v52 =	vor.u32 s1, v20;
	v33 =	vld.idx.msk [tilespmem:v51+s6+$0x0], $0xffff  }
0x112: {  	v53 =	vor.u32 v21, v34;
	_ =	sdelay $0x3  }
0x113: {  	[tilespmem:v52+s11+$0x0] =	vst.idx.msk $0xffff, v33  }
0x114: {  	v54 =	vor.u32 s1, v22;
	v33 =	vld.idx.msk [tilespmem:v53+s6+$0x0], $0xffff  }
0x115: {  	v55 =	vor.u32 v23, v34;
	_ =	sdelay $0x3  }
0x116: {  	[tilespmem:v54+s11+$0x0] =	vst.idx.msk $0xffff, v33  }
0x117: {  	v56 =	vor.u32 s1, v24;
	v33 =	vld.idx.msk [tilespmem:v55+s6+$0x0], $0xffff  }
0x118: {  	v57 =	vor.u32 v25, v34;
	_ =	sdelay $0x3  }
0x119: {  	[tilespmem:v56+s11+$0x0] =	vst.idx.msk $0xffff, v33  }
0x11a: {  	v58 =	vor.u32 s1, v26;
	v33 =	vld.idx.msk [tilespmem:v57+s6+$0x0], $0xffff  }
0x11b: {  	v59 =	vor.u32 v27, v34;
	_ =	sdelay $0x3  }
0x11c: {  	[tilespmem:v58+s11+$0x0] =	vst.idx.msk $0xffff, v33  }
0x11d: {  	v60 =	vor.u32 s1, v28;
	v33 =	vld.idx.msk [tilespmem:v59+s6+$0x0], $0xffff  }
0x11e: {  	v61 =	vor.u32 v29, v34;
	_ =	sdelay $0x3  }
0x11f: {  	[tilespmem:v60+s11+$0x0] =	vst.idx.msk $0xffff, v33  }
0x120: {  	v62 =	vor.u32 s1, v30;
	v33 =	vld.idx.msk [tilespmem:v61+s6+$0x0], $0xffff  }
0x121: {  	v34 =	vor.u32 v31, v34;
	_ =	sdelay $0x3  }
0x122: {  	[tilespmem:v62+s11+$0x0] =	vst.idx.msk $0xffff, v33  }
0x123: {  	v63 =	vor.u32 s1, v32;
	v33 =	vld.idx.msk [tilespmem:v34+s6+$0x0], $0xffff;
	_ =	sdelay $0x4  }
0x124: {  	s20 =	simm.s32 $0x0;
	s22 =	rddreg [dreg:$0x4];
	[tilespmem:v63+s11+$0x0] =	vst.idx.msk $0xffff, v33  }
0x125: {  	[hbm4b:s22+s20] =	stream.linear.scatter [tilespmem:s11], [sflag:$0x3], $0x400, $0x38;
	[tilespmem:$0xE400] =	vst v63  }
0x126: {  	s23 =	rddreg [dreg:$0x5];
	s14 =	simm.s32 $0xA800  }
0x127: {  	[hbm4b:s23+s20] =	stream.linear.scatter [tilespmem:s14], [sflag:$0x3], $0x400, $0x38;
	[tilespmem:$0xE400] =	vst v63  }
0x128: {  	s29 =	simm.s32 $0xAC00;
	s28 =	rddreg [dreg:$0x6]  }
0x129: {  	[hbm4b:s28+s20] =	stream.linear.scatter [tilespmem:s29], [sflag:$0x3], $0x400, $0x38;
	[tilespmem:$0xE400] =	vst v63  }
0x12a: {  	s30 =	rddreg [dreg:$0x7];
	s31 =	simm.s32 $0xB000  }
0x12b: {  	[hbm4b:s30+s20] =	stream.linear.scatter [tilespmem:s31], [sflag:$0x3], $0x400, $0x38;
	[tilespmem:$0xE400] =	vst v63  }
0x12c: {  	s15 =	rddreg [dreg:$0x8];
	s21 =	simm.s32 $0xB400  }
0x12d: {  	[hbm4b:s15+s20] =	stream.linear.scatter [tilespmem:s21], [sflag:$0x3], $0x400, $0x38;
	[tilespmem:$0xE400] =	vst v63  }
0x12e: {  	s22 =	rddreg [dreg:$0x9];
	s23 =	simm.s32 $0xB800  }
0x12f: {  	[hbm4b:s22+s20] =	stream.linear.scatter [tilespmem:s23], [sflag:$0x3], $0x400, $0x38;
	[tilespmem:$0xE400] =	vst v63  }
0x130: {  	s28 =	rddreg [dreg:$0xa];
	s29 =	simm.s32 $0xBC00  }
0x131: {  	[hbm4b:s28+s20] =	stream.linear.scatter [tilespmem:s29], [sflag:$0x3], $0x400, $0x38;
	[tilespmem:$0xE400] =	vst v63  }
0x132: {  	s30 =	rddreg [dreg:$0xb];
	s31 =	simm.s32 $0xC000;
	s21 =	simm.s32 $0x0  }
0x133: {  	[hbm4b:s30+s20] =	stream.linear.scatter [tilespmem:s31], [sflag:$0x3], $0x400, $0x38;
	[tilespmem:$0xE400] =	vst v63  }
.LBB2_4:
0x134: {  	s1 =	sand.u32 $0x70, s20  }
0x135: {  	v33 =	vmov s1  }
0x136: {  	v33 =	vshll.u32 v33, $0x6  }
0x137: {  	s23 =	sshll.u32 s21, $0x1;
	s28 =	simm.s32 $0x0;
	v33 =	vor.u32 v1, v33  }
0x138: {  	_ =	swait.ge [sflag:s24], $0x2000;
	s22 =	sadd.s32 $0x2, s23;
	v33 =	vor.u32 s28, v33  }
0x139: {  	[sflag:s24] =	ssyncset.done $0x0;
	s28 =	sshll.u32 s22, $0x7;
	v34 =	vor.u32 v0, v33  }
0x13a: {  	[sflag:s24] =	ssyncadd.s32 $0xFFFFE000;
	s28 =	sand.u32 $0x3FFFFF00, s28  }
0x13b: {  	[tilespmem:s6], [sflag:$0x1] =	stream.indirect.gather [hbm4b:s4+s0], $0x40, s28, s0, $0xb8;
	[tilespmem:$0xE400] =	vst v63  }
0x13c: {  	s28 =	simm.s32 $0x0  }
0x13d: {  	s28 =	sor.u32 s1, s28  }
0x13e: {  	v35 =	vor.u32 s28, v2;
	v34 =	vld.idx.msk [tilespmem:v34+s8+$0x0], $0xffff  }
0x13f: {  	v36 =	vor.u32 v3, v33;
	_ =	sdelay $0x3  }
0x140: {  	[tilespmem:v35+s25+$0x0] =	vst.idx.msk $0xffff, v34  }
0x141: {  	v62 =	vor.u32 s28, v4;
	v34 =	vld.idx.msk [tilespmem:v36+s8+$0x0], $0xffff  }
0x142: {  	v63 =	vor.u32 v5, v33;
	_ =	sdelay $0x3  }
0x143: {  	[tilespmem:v62+s25+$0x0] =	vst.idx.msk $0xffff, v34  }
0x144: {  	v40 =	vor.u32 s28, v6;
	v34 =	vld.idx.msk [tilespmem:v63+s8+$0x0], $0xffff  }
0x145: {  	v41 =	vor.u32 v7, v33;
	_ =	sdelay $0x3  }
0x146: {  	[tilespmem:v40+s25+$0x0] =	vst.idx.msk $0xffff, v34  }
0x147: {  	v42 =	vor.u32 s28, v8;
	v34 =	vld.idx.msk [tilespmem:v41+s8+$0x0], $0xffff  }
0x148: {  	v43 =	vor.u32 v9, v33;
	_ =	sdelay $0x3  }
0x149: {  	[tilespmem:v42+s25+$0x0] =	vst.idx.msk $0xffff, v34  }
0x14a: {  	v44 =	vor.u32 s28, v10;
	v34 =	vld.idx.msk [tilespmem:v43+s8+$0x0], $0xffff  }
0x14b: {  	v45 =	vor.u32 v11, v33;
	_ =	sdelay $0x3  }
0x14c: {  	[tilespmem:v44+s25+$0x0] =	vst.idx.msk $0xffff, v34  }
0x14d: {  	v46 =	vor.u32 s28, v12;
	v34 =	vld.idx.msk [tilespmem:v45+s8+$0x0], $0xffff  }
0x14e: {  	v47 =	vor.u32 v13, v33;
	_ =	sdelay $0x3  }
0x14f: {  	[tilespmem:v46+s25+$0x0] =	vst.idx.msk $0xffff, v34  }
0x150: {  	v48 =	vor.u32 s28, v14;
	v34 =	vld.idx.msk [tilespmem:v47+s8+$0x0], $0xffff  }
0x151: {  	v49 =	vor.u32 v16, v33;
	_ =	sdelay $0x3  }
0x152: {  	[tilespmem:v48+s25+$0x0] =	vst.idx.msk $0xffff, v34  }
0x153: {  	v50 =	vor.u32 s28, v17;
	v34 =	vld.idx.msk [tilespmem:v49+s8+$0x0], $0xffff  }
0x154: {  	v51 =	vor.u32 v15, v33;
	_ =	sdelay $0x3  }
0x155: {  	[tilespmem:v50+s25+$0x0] =	vst.idx.msk $0xffff, v34  }
0x156: {  	v52 =	vor.u32 s28, v18;
	v34 =	vld.idx.msk [tilespmem:v51+s8+$0x0], $0xffff  }
0x157: {  	v53 =	vor.u32 v19, v33;
	_ =	sdelay $0x3  }
0x158: {  	[tilespmem:v52+s25+$0x0] =	vst.idx.msk $0xffff, v34  }
0x159: {  	v54 =	vor.u32 s28, v20;
	v34 =	vld.idx.msk [tilespmem:v53+s8+$0x0], $0xffff  }
0x15a: {  	v55 =	vor.u32 v21, v33;
	_ =	sdelay $0x3  }
0x15b: {  	[tilespmem:v54+s25+$0x0] =	vst.idx.msk $0xffff, v34  }
0x15c: {  	v56 =	vor.u32 s28, v22;
	v34 =	vld.idx.msk [tilespmem:v55+s8+$0x0], $0xffff  }
0x15d: {  	v57 =	vor.u32 v23, v33;
	_ =	sdelay $0x3  }
0x15e: {  	[tilespmem:v56+s25+$0x0] =	vst.idx.msk $0xffff, v34  }
0x15f: {  	v58 =	vor.u32 s28, v24;
	v34 =	vld.idx.msk [tilespmem:v57+s8+$0x0], $0xffff  }
0x160: {  	v59 =	vor.u32 v25, v33;
	_ =	sdelay $0x3  }
0x161: {  	[tilespmem:v58+s25+$0x0] =	vst.idx.msk $0xffff, v34  }
0x162: {  	v60 =	vor.u32 s28, v26;
	v34 =	vld.idx.msk [tilespmem:v59+s8+$0x0], $0xffff  }
0x163: {  	v61 =	vor.u32 v27, v33;
	_ =	sdelay $0x3  }
0x164: {  	[tilespmem:v60+s25+$0x0] =	vst.idx.msk $0xffff, v34  }
0x165: {  	v62 =	vor.u32 s28, v28;
	v34 =	vld.idx.msk [tilespmem:v61+s8+$0x0], $0xffff  }
0x166: {  	v63 =	vor.u32 v29, v33;
	_ =	sdelay $0x3  }
0x167: {  	[tilespmem:v62+s25+$0x0] =	vst.idx.msk $0xffff, v34  }
0x168: {  	v35 =	vor.u32 s28, v30;
	v34 =	vld.idx.msk [tilespmem:v63+s8+$0x0], $0xffff  }
0x169: {  	v33 =	vor.u32 v31, v33  }
0x16a: {  	s29 =	simm.s32 $0x10  }
0x16b: {  	s30 =	simm.s32 $0x1;
	s31 =	simm.s32 $0x2;
	s1 =	sand.u32 $0x70, s29  }
.LBB2_5:
0x16c: {  	p0 =	sne.s32 s31, $0x1F;
	v36 =	vmov s1  }
0x16d: {  	s14 =	sshrl.u32 s30, $0x3;
	s30 =	smov.u32 s31;
	v36 =	vshll.u32 v36, $0x6;
	[tilespmem:v35+s25+$0x0] =	vst.idx.msk $0xffff, v34  }
0x16e: {  	s15 =	sshll.u32 s14, $0x4;
	v34 =	vor.u32 v1, v36;
	v35 =	vld.idx.msk [tilespmem:v33+s8+$0x0], $0xffff  }
0x16f: {  	v33 =	vor.u32 s15, v34;
	v34 =	vor.u32 s28, v32  }
0x170: {  	v36 =	vor.u32 v0, v33;
	_ =	sdelay $0x3  }
0x171: {  	s14 =	sshll.u32 s14, $0xB;
	[tilespmem:v34+s25+$0x0] =	vst.idx.msk $0xffff, v35  }
0x172: {  	s28 =	sor.u32 s1, s14;
	v34 =	vld.idx.msk [tilespmem:v36+s8+$0x0], $0xffff  }
0x173: {  	v35 =	vor.u32 s28, v2  }
0x174: {  	v36 =	vor.u32 v3, v33;
	_ =	sdelay $0x3  }
0x175: {  	[tilespmem:v35+s25+$0x0] =	vst.idx.msk $0xffff, v34  }
0x176: {  	v34 =	vld.idx.msk [tilespmem:v36+s8+$0x0], $0xffff  }
0x177: {  	v35 =	vor.u32 s28, v4  }
0x178: {  	v36 =	vor.u32 v5, v33;
	_ =	sdelay $0x3  }
0x179: {  	[tilespmem:v35+s25+$0x0] =	vst.idx.msk $0xffff, v34  }
0x17a: {  	v34 =	vld.idx.msk [tilespmem:v36+s8+$0x0], $0xffff  }
0x17b: {  	v35 =	vor.u32 s28, v6  }
0x17c: {  	v36 =	vor.u32 v7, v33;
	_ =	sdelay $0x3  }
0x17d: {  	[tilespmem:v35+s25+$0x0] =	vst.idx.msk $0xffff, v34  }
0x17e: {  	v34 =	vld.idx.msk [tilespmem:v36+s8+$0x0], $0xffff  }
0x17f: {  	v35 =	vor.u32 s28, v8  }
0x180: {  	v36 =	vor.u32 v9, v33;
	_ =	sdelay $0x3  }
0x181: {  	[tilespmem:v35+s25+$0x0] =	vst.idx.msk $0xffff, v34  }
0x182: {  	v34 =	vld.idx.msk [tilespmem:v36+s8+$0x0], $0xffff  }
0x183: {  	v35 =	vor.u32 s28, v10  }
0x184: {  	v36 =	vor.u32 v11, v33;
	_ =	sdelay $0x3  }
0x185: {  	[tilespmem:v35+s25+$0x0] =	vst.idx.msk $0xffff, v34  }
0x186: {  	v34 =	vld.idx.msk [tilespmem:v36+s8+$0x0], $0xffff  }
0x187: {  	v35 =	vor.u32 s28, v12  }
0x188: {  	v36 =	vor.u32 v13, v33;
	_ =	sdelay $0x3  }
0x189: {  	[tilespmem:v35+s25+$0x0] =	vst.idx.msk $0xffff, v34  }
0x18a: {  	v34 =	vld.idx.msk [tilespmem:v36+s8+$0x0], $0xffff  }
0x18b: {  	v35 =	vor.u32 s28, v14  }
0x18c: {  	v36 =	vor.u32 v16, v33;
	_ =	sdelay $0x3  }
0x18d: {  	[tilespmem:v35+s25+$0x0] =	vst.idx.msk $0xffff, v34  }
0x18e: {  	v34 =	vld.idx.msk [tilespmem:v36+s8+$0x0], $0xffff  }
0x18f: {  	v35 =	vor.u32 s28, v17  }
0x190: {  	v36 =	vor.u32 v15, v33;
	_ =	sdelay $0x3  }
0x191: {  	[tilespmem:v35+s25+$0x0] =	vst.idx.msk $0xffff, v34  }
0x192: {  	v34 =	vld.idx.msk [tilespmem:v36+s8+$0x0], $0xffff  }
0x193: {  	v35 =	vor.u32 s28, v18  }
0x194: {  	v36 =	vor.u32 v19, v33;
	_ =	sdelay $0x3  }
0x195: {  	[tilespmem:v35+s25+$0x0] =	vst.idx.msk $0xffff, v34  }
0x196: {  	v34 =	vld.idx.msk [tilespmem:v36+s8+$0x0], $0xffff  }
0x197: {  	v35 =	vor.u32 s28, v20  }
0x198: {  	v36 =	vor.u32 v21, v33;
	_ =	sdelay $0x3  }
0x199: {  	[tilespmem:v35+s25+$0x0] =	vst.idx.msk $0xffff, v34  }
0x19a: {  	v34 =	vld.idx.msk [tilespmem:v36+s8+$0x0], $0xffff  }
0x19b: {  	v35 =	vor.u32 s28, v22  }
0x19c: {  	v36 =	vor.u32 v23, v33;
	_ =	sdelay $0x3  }
0x19d: {  	[tilespmem:v35+s25+$0x0] =	vst.idx.msk $0xffff, v34  }
0x19e: {  	v34 =	vld.idx.msk [tilespmem:v36+s8+$0x0], $0xffff  }
0x19f: {  	v35 =	vor.u32 s28, v24  }
0x1a0: {  	v36 =	vor.u32 v25, v33;
	_ =	sdelay $0x3  }
0x1a1: {  	[tilespmem:v35+s25+$0x0] =	vst.idx.msk $0xffff, v34  }
0x1a2: {  	v34 =	vld.idx.msk [tilespmem:v36+s8+$0x0], $0xffff  }
0x1a3: {  	v35 =	vor.u32 s28, v26  }
0x1a4: {  	v36 =	vor.u32 v27, v33;
	_ =	sdelay $0x3  }
0x1a5: {  	[tilespmem:v35+s25+$0x0] =	vst.idx.msk $0xffff, v34  }
0x1a6: {  	v34 =	vld.idx.msk [tilespmem:v36+s8+$0x0], $0xffff  }
0x1a7: {  	v35 =	vor.u32 s28, v28  }
0x1a8: {  	v36 =	vor.u32 v29, v33;
	_ =	sdelay $0x3  }
0x1a9: {  	[tilespmem:v35+s25+$0x0] =	vst.idx.msk $0xffff, v34  }
.Ltmp1:
0x1aa: {  	v34 =	vld.idx.msk [tilespmem:v36+s8+$0x0], $0xffff;
	(pc) =	sbr.rel @p0 .LBB2_5-.Ltmp1, $4  }
0x1ab: {  	v35 =	vor.u32 s28, v30  }
0x1ac: {  	v33 =	vor.u32 v31, v33  }
0x1ad: {  	s29 =	sadd.s32 $0x10, s29  }
0x1ae: {  	s31 =	sadd.s32 $0x1, s31;
	s1 =	sand.u32 $0x70, s29  }
0x1af: {  	_ =	sdelay $0x1  }
0x1b0: {  	v36 =	vmov s1  }
0x1b1: {  	s14 =	sshrl.u32 s30, $0x3;
	v36 =	vshll.u32 v36, $0x6  }
0x1b2: {  	[tilespmem:v35+s25+$0x0] =	vst.idx.msk $0xffff, v34;
	s15 =	sshll.u32 s14, $0x4;
	v49 =	vor.u32 v1, v36  }
0x1b3: {  	v50 =	vor.u32 s28, v32;
	v33 =	vld.idx.msk [tilespmem:v33+s8+$0x0], $0xffff;
	v34 =	vor.u32 s15, v49  }
0x1b4: {  	v51 =	vor.u32 v0, v34;
	_ =	sdelay $0x2  }
0x1b5: {  	s14 =	sshll.u32 s14, $0xB  }
0x1b6: {  	s31 =	sor.u32 s1, s14;
	[tilespmem:v50+s25+$0x0] =	vst.idx.msk $0xffff, v33  }
0x1b7: {  	v52 =	vor.u32 s31, v2;
	v33 =	vld.idx.msk [tilespmem:v51+s8+$0x0], $0xffff  }
0x1b8: {  	v53 =	vor.u32 v3, v34;
	_ =	sdelay $0x3  }
0x1b9: {  	[tilespmem:v52+s25+$0x0] =	vst.idx.msk $0xffff, v33  }
0x1ba: {  	v54 =	vor.u32 s31, v4;
	v33 =	vld.idx.msk [tilespmem:v53+s8+$0x0], $0xffff  }
0x1bb: {  	v55 =	vor.u32 v5, v34;
	_ =	sdelay $0x3  }
0x1bc: {  	[tilespmem:v54+s25+$0x0] =	vst.idx.msk $0xffff, v33  }
0x1bd: {  	v56 =	vor.u32 s31, v6;
	v33 =	vld.idx.msk [tilespmem:v55+s8+$0x0], $0xffff  }
0x1be: {  	v57 =	vor.u32 v7, v34;
	_ =	sdelay $0x3  }
0x1bf: {  	[tilespmem:v56+s25+$0x0] =	vst.idx.msk $0xffff, v33  }
0x1c0: {  	v58 =	vor.u32 s31, v8;
	v33 =	vld.idx.msk [tilespmem:v57+s8+$0x0], $0xffff  }
0x1c1: {  	v59 =	vor.u32 v9, v34;
	_ =	sdelay $0x3  }
0x1c2: {  	[tilespmem:v58+s25+$0x0] =	vst.idx.msk $0xffff, v33  }
0x1c3: {  	v60 =	vor.u32 s31, v10;
	v33 =	vld.idx.msk [tilespmem:v59+s8+$0x0], $0xffff  }
0x1c4: {  	v61 =	vor.u32 v11, v34;
	_ =	sdelay $0x3  }
0x1c5: {  	[tilespmem:v60+s25+$0x0] =	vst.idx.msk $0xffff, v33  }
0x1c6: {  	v62 =	vor.u32 s31, v12;
	v33 =	vld.idx.msk [tilespmem:v61+s8+$0x0], $0xffff  }
0x1c7: {  	v63 =	vor.u32 v13, v34;
	_ =	sdelay $0x3  }
0x1c8: {  	[tilespmem:v62+s25+$0x0] =	vst.idx.msk $0xffff, v33  }
0x1c9: {  	v40 =	vor.u32 s31, v14;
	v33 =	vld.idx.msk [tilespmem:v63+s8+$0x0], $0xffff  }
0x1ca: {  	v41 =	vor.u32 v16, v34;
	_ =	sdelay $0x3  }
0x1cb: {  	[tilespmem:v40+s25+$0x0] =	vst.idx.msk $0xffff, v33  }
0x1cc: {  	v42 =	vor.u32 s31, v17;
	v33 =	vld.idx.msk [tilespmem:v41+s8+$0x0], $0xffff  }
0x1cd: {  	v43 =	vor.u32 v15, v34;
	_ =	sdelay $0x3  }
0x1ce: {  	[tilespmem:v42+s25+$0x0] =	vst.idx.msk $0xffff, v33  }
0x1cf: {  	v44 =	vor.u32 s31, v18;
	v33 =	vld.idx.msk [tilespmem:v43+s8+$0x0], $0xffff  }
0x1d0: {  	v45 =	vor.u32 v19, v34;
	_ =	sdelay $0x3  }
0x1d1: {  	[tilespmem:v44+s25+$0x0] =	vst.idx.msk $0xffff, v33  }
0x1d2: {  	v46 =	vor.u32 s31, v20;
	v33 =	vld.idx.msk [tilespmem:v45+s8+$0x0], $0xffff  }
0x1d3: {  	v47 =	vor.u32 v21, v34;
	_ =	sdelay $0x3  }
0x1d4: {  	[tilespmem:v46+s25+$0x0] =	vst.idx.msk $0xffff, v33  }
0x1d5: {  	v48 =	vor.u32 s31, v22;
	v33 =	vld.idx.msk [tilespmem:v47+s8+$0x0], $0xffff  }
0x1d6: {  	v49 =	vor.u32 v23, v34;
	_ =	sdelay $0x3  }
0x1d7: {  	[tilespmem:v48+s25+$0x0] =	vst.idx.msk $0xffff, v33  }
0x1d8: {  	v50 =	vor.u32 s31, v24;
	v33 =	vld.idx.msk [tilespmem:v49+s8+$0x0], $0xffff  }
0x1d9: {  	v51 =	vor.u32 v25, v34;
	_ =	sdelay $0x3  }
0x1da: {  	[tilespmem:v50+s25+$0x0] =	vst.idx.msk $0xffff, v33  }
0x1db: {  	v52 =	vor.u32 s31, v26;
	v33 =	vld.idx.msk [tilespmem:v51+s8+$0x0], $0xffff  }
0x1dc: {  	v53 =	vor.u32 v27, v34;
	_ =	sdelay $0x3  }
0x1dd: {  	[tilespmem:v52+s25+$0x0] =	vst.idx.msk $0xffff, v33  }
0x1de: {  	v54 =	vor.u32 s31, v28;
	v33 =	vld.idx.msk [tilespmem:v53+s8+$0x0], $0xffff  }
0x1df: {  	v55 =	vor.u32 v29, v34;
	_ =	sdelay $0x3  }
0x1e0: {  	[tilespmem:v54+s25+$0x0] =	vst.idx.msk $0xffff, v33  }
0x1e1: {  	v56 =	vor.u32 s31, v30;
	v33 =	vld.idx.msk [tilespmem:v55+s8+$0x0], $0xffff  }
0x1e2: {  	v34 =	vor.u32 v31, v34;
	_ =	sdelay $0x3  }
0x1e3: {  	[tilespmem:v56+s25+$0x0] =	vst.idx.msk $0xffff, v33  }
0x1e4: {  	v57 =	vor.u32 s31, v32;
	v33 =	vld.idx.msk [tilespmem:v34+s8+$0x0], $0xffff;
	_ =	sdelay $0x4  }
0x1e5: {  	[tilespmem:v57+s25+$0x0] =	vst.idx.msk $0xffff, v33  }
0x1e6: {  	_ =	swait.ge [sflag:s26], $0x400  }
0x1e7: {  	[sflag:s26] =	ssyncset.done $0x0  }
0x1e8: {  	[sflag:s26] =	ssyncadd.s32 $0xFFFFFC00  }
0x1e9: {  	_ =	swait.ge [sflag:s26], $0x400  }
0x1ea: {  	[sflag:s26] =	ssyncset.done $0x0  }
0x1eb: {  	[sflag:s26] =	ssyncadd.s32 $0xFFFFFC00  }
0x1ec: {  	_ =	swait.ge [sflag:s26], $0x400  }
0x1ed: {  	[sflag:s26] =	ssyncset.done $0x0  }
0x1ee: {  	[sflag:s26] =	ssyncadd.s32 $0xFFFFFC00  }
0x1ef: {  	_ =	swait.ge [sflag:s26], $0x400  }
0x1f0: {  	[sflag:s26] =	ssyncset.done $0x0  }
0x1f1: {  	[sflag:s26] =	ssyncadd.s32 $0xFFFFFC00  }
0x1f2: {  	_ =	swait.ge [sflag:s26], $0x400  }
0x1f3: {  	[sflag:s26] =	ssyncset.done $0x0  }
0x1f4: {  	[sflag:s26] =	ssyncadd.s32 $0xFFFFFC00  }
0x1f5: {  	_ =	swait.ge [sflag:s26], $0x400  }
0x1f6: {  	[sflag:s26] =	ssyncset.done $0x0  }
0x1f7: {  	[sflag:s26] =	ssyncadd.s32 $0xFFFFFC00  }
0x1f8: {  	s14 =	sadd.s32 s23, s5;
	_ =	swait.ge [sflag:s26], $0x400  }
0x1f9: {  	s1 =	sadd.s32 $0x1, s14;
	[sflag:s26] =	ssyncset.done $0x0  }
0x1fa: {  	s15 =	sshll.u32 s1, $0xA;
	s1 =	sshll.u32 s1, $0x7;
	[sflag:s26] =	ssyncadd.s32 $0xFFFFFC00  }
0x1fb: {  	s14 =	sand.u32 $0xFFF8000, s15;
	s1 =	sand.u32 $0xF80, s1;
	_ =	swait.ge [sflag:s26], $0x400  }
0x1fc: {  	s1 =	sor.u32 s1, s14;
	[sflag:s26] =	ssyncset.done $0x0  }
0x1fd: {  	s15 =	simm.s32 $0x0;
	s14 =	sadd.s32 s2, s1;
	[sflag:s26] =	ssyncadd.s32 $0xFFFFFC00  }
0x1fe: {  	[hbm4b:s14+s15] =	stream.linear.scatter [tilespmem:s25], [sflag:$0x4], $0x400, $0x38;
	[tilespmem:$0xE400] =	vst v63  }
0x1ff: {  	s23 =	sadd.s32 s1, s7;
	s31 =	simm.s32 $0xC800  }
0x200: {  	[hbm4b:s23+s15] =	stream.linear.scatter [tilespmem:s31], [sflag:$0x4], $0x400, $0x38;
	[tilespmem:$0xE400] =	vst v63  }
0x201: {  	s23 =	sadd.s32 s1, s10;
	s31 =	simm.s32 $0xCC00  }
0x202: {  	[hbm4b:s23+s15] =	stream.linear.scatter [tilespmem:s31], [sflag:$0x4], $0x400, $0x38;
	[tilespmem:$0xE400] =	vst v63  }
0x203: {  	s23 =	sadd.s32 s1, s12;
	s31 =	simm.s32 $0xD000  }
0x204: {  	[hbm4b:s23+s15] =	stream.linear.scatter [tilespmem:s31], [sflag:$0x4], $0x400, $0x38;
	[tilespmem:$0xE400] =	vst v63  }
0x205: {  	s23 =	sadd.s32 s1, s13;
	s31 =	simm.s32 $0xD400  }
0x206: {  	[hbm4b:s23+s15] =	stream.linear.scatter [tilespmem:s31], [sflag:$0x4], $0x400, $0x38;
	[tilespmem:$0xE400] =	vst v63  }
0x207: {  	s14 =	sand.u32 $0x70, s15;
	s23 =	sadd.s32 s1, s16;
	s31 =	simm.s32 $0xD800  }
0x208: {  	[hbm4b:s23+s15] =	stream.linear.scatter [tilespmem:s31], [sflag:$0x4], $0x400, $0x38;
	[tilespmem:$0xE400] =	vst v63  }
0x209: {  	v58 =	vmov s14;
	s23 =	sadd.s32 s1, s18;
	s31 =	simm.s32 $0xDC00  }
0x20a: {  	v33 =	vshll.u32 v58, $0x6;
	[hbm4b:s23+s15] =	stream.linear.scatter [tilespmem:s31], [sflag:$0x4], $0x400, $0x38;
	[tilespmem:$0xE400] =	vst v63  }
0x20b: {  	v33 =	vor.u32 v1, v33;
	s23 =	simm.s32 $0x0  }
0x20c: {  	s1 =	sadd.s32 s1, s19;
	s31 =	simm.s32 $0xE000;
	v33 =	vor.u32 s23, v33  }
0x20d: {  	[hbm4b:s1+s15] =	stream.linear.scatter [tilespmem:s31], [sflag:$0x4], $0x400, $0x38;
	v59 =	vor.u32 v0, v33;
	[tilespmem:$0xE400] =	vst v63  }
0x20e: {  	s31 =	sshll.u32 s21, $0x8;
	_ =	swait.ge [sflag:s9], $0x2000  }
0x20f: {  	s23 =	sand.u32 $0x3FFFFF00, s31;
	s31 =	simm.s32 $0x0;
	[sflag:s9] =	ssyncset.done $0x0  }
0x210: {  	s1 =	sadd.s32 $0x180, s23;
	s23 =	sor.u32 s14, s31;
	[sflag:s9] =	ssyncadd.s32 $0xFFFFE000  }
0x211: {  	[tilespmem:s8], [sflag:$0x2] =	stream.indirect.gather [hbm4b:s4+s0], $0x40, s1, s0, $0xb8;
	[tilespmem:$0xE400] =	vst v63  }
0x212: {  	v60 =	vor.u32 s23, v2;
	v34 =	vld.idx.msk [tilespmem:v59+s6+$0x0], $0xffff  }
0x213: {  	v61 =	vor.u32 v3, v33;
	_ =	sdelay $0x3  }
0x214: {  	[tilespmem:v60+s11+$0x0] =	vst.idx.msk $0xffff, v34  }
0x215: {  	v62 =	vor.u32 s23, v4;
	v34 =	vld.idx.msk [tilespmem:v61+s6+$0x0], $0xffff  }
0x216: {  	v63 =	vor.u32 v5, v33;
	_ =	sdelay $0x3  }
0x217: {  	[tilespmem:v62+s11+$0x0] =	vst.idx.msk $0xffff, v34  }
0x218: {  	v40 =	vor.u32 s23, v6;
	v34 =	vld.idx.msk [tilespmem:v63+s6+$0x0], $0xffff  }
0x219: {  	v41 =	vor.u32 v7, v33;
	_ =	sdelay $0x3  }
0x21a: {  	[tilespmem:v40+s11+$0x0] =	vst.idx.msk $0xffff, v34  }
0x21b: {  	v42 =	vor.u32 s23, v8;
	v34 =	vld.idx.msk [tilespmem:v41+s6+$0x0], $0xffff  }
0x21c: {  	v43 =	vor.u32 v9, v33;
	_ =	sdelay $0x3  }
0x21d: {  	[tilespmem:v42+s11+$0x0] =	vst.idx.msk $0xffff, v34  }
0x21e: {  	v44 =	vor.u32 s23, v10;
	v34 =	vld.idx.msk [tilespmem:v43+s6+$0x0], $0xffff  }
0x21f: {  	v45 =	vor.u32 v11, v33;
	_ =	sdelay $0x3  }
0x220: {  	[tilespmem:v44+s11+$0x0] =	vst.idx.msk $0xffff, v34  }
0x221: {  	v46 =	vor.u32 s23, v12;
	v34 =	vld.idx.msk [tilespmem:v45+s6+$0x0], $0xffff  }
0x222: {  	v47 =	vor.u32 v13, v33;
	_ =	sdelay $0x3  }
0x223: {  	[tilespmem:v46+s11+$0x0] =	vst.idx.msk $0xffff, v34  }
0x224: {  	v48 =	vor.u32 s23, v14;
	v34 =	vld.idx.msk [tilespmem:v47+s6+$0x0], $0xffff  }
0x225: {  	v49 =	vor.u32 v16, v33;
	_ =	sdelay $0x3  }
0x226: {  	[tilespmem:v48+s11+$0x0] =	vst.idx.msk $0xffff, v34  }
0x227: {  	v50 =	vor.u32 s23, v17;
	v34 =	vld.idx.msk [tilespmem:v49+s6+$0x0], $0xffff  }
0x228: {  	v51 =	vor.u32 v15, v33;
	_ =	sdelay $0x3  }
0x229: {  	[tilespmem:v50+s11+$0x0] =	vst.idx.msk $0xffff, v34  }
0x22a: {  	v52 =	vor.u32 s23, v18;
	v34 =	vld.idx.msk [tilespmem:v51+s6+$0x0], $0xffff  }
0x22b: {  	v53 =	vor.u32 v19, v33;
	_ =	sdelay $0x3  }
0x22c: {  	[tilespmem:v52+s11+$0x0] =	vst.idx.msk $0xffff, v34  }
0x22d: {  	v54 =	vor.u32 s23, v20;
	v34 =	vld.idx.msk [tilespmem:v53+s6+$0x0], $0xffff  }
0x22e: {  	v55 =	vor.u32 v21, v33;
	_ =	sdelay $0x3  }
0x22f: {  	[tilespmem:v54+s11+$0x0] =	vst.idx.msk $0xffff, v34  }
0x230: {  	v56 =	vor.u32 s23, v22;
	v34 =	vld.idx.msk [tilespmem:v55+s6+$0x0], $0xffff  }
0x231: {  	v57 =	vor.u32 v23, v33;
	_ =	sdelay $0x3  }
0x232: {  	[tilespmem:v56+s11+$0x0] =	vst.idx.msk $0xffff, v34  }
0x233: {  	v58 =	vor.u32 s23, v24;
	v34 =	vld.idx.msk [tilespmem:v57+s6+$0x0], $0xffff  }
0x234: {  	v59 =	vor.u32 v25, v33;
	_ =	sdelay $0x3  }
0x235: {  	[tilespmem:v58+s11+$0x0] =	vst.idx.msk $0xffff, v34  }
0x236: {  	v60 =	vor.u32 s23, v26;
	v34 =	vld.idx.msk [tilespmem:v59+s6+$0x0], $0xffff  }
0x237: {  	v61 =	vor.u32 v27, v33;
	_ =	sdelay $0x3  }
0x238: {  	[tilespmem:v60+s11+$0x0] =	vst.idx.msk $0xffff, v34  }
0x239: {  	v62 =	vor.u32 s23, v28;
	v34 =	vld.idx.msk [tilespmem:v61+s6+$0x0], $0xffff  }
0x23a: {  	v63 =	vor.u32 v29, v33;
	_ =	sdelay $0x3  }
0x23b: {  	[tilespmem:v62+s11+$0x0] =	vst.idx.msk $0xffff, v34  }
0x23c: {  	v35 =	vor.u32 s23, v30;
	v34 =	vld.idx.msk [tilespmem:v63+s6+$0x0], $0xffff  }
0x23d: {  	v33 =	vor.u32 v31, v33  }
0x23e: {  	s28 =	simm.s32 $0x10  }
0x23f: {  	s29 =	simm.s32 $0x1;
	s30 =	simm.s32 $0x2;
	s1 =	sand.u32 $0x70, s28  }
.LBB2_7:
0x240: {  	p0 =	sne.s32 s30, $0x1F;
	v36 =	vmov s1  }
0x241: {  	s14 =	sshrl.u32 s29, $0x3;
	s29 =	smov.u32 s30;
	v36 =	vshll.u32 v36, $0x6;
	[tilespmem:v35+s11+$0x0] =	vst.idx.msk $0xffff, v34  }
0x242: {  	s15 =	sshll.u32 s14, $0x4;
	v34 =	vor.u32 v1, v36;
	v35 =	vld.idx.msk [tilespmem:v33+s6+$0x0], $0xffff  }
0x243: {  	v33 =	vor.u32 s15, v34;
	v34 =	vor.u32 s23, v32  }
0x244: {  	v36 =	vor.u32 v0, v33;
	_ =	sdelay $0x3  }
0x245: {  	s14 =	sshll.u32 s14, $0xB;
	[tilespmem:v34+s11+$0x0] =	vst.idx.msk $0xffff, v35  }
0x246: {  	s23 =	sor.u32 s1, s14;
	v34 =	vld.idx.msk [tilespmem:v36+s6+$0x0], $0xffff  }
0x247: {  	v35 =	vor.u32 s23, v2  }
0x248: {  	v36 =	vor.u32 v3, v33;
	_ =	sdelay $0x3  }
0x249: {  	[tilespmem:v35+s11+$0x0] =	vst.idx.msk $0xffff, v34  }
0x24a: {  	v34 =	vld.idx.msk [tilespmem:v36+s6+$0x0], $0xffff  }
0x24b: {  	v35 =	vor.u32 s23, v4  }
0x24c: {  	v36 =	vor.u32 v5, v33;
	_ =	sdelay $0x3  }
0x24d: {  	[tilespmem:v35+s11+$0x0] =	vst.idx.msk $0xffff, v34  }
0x24e: {  	v34 =	vld.idx.msk [tilespmem:v36+s6+$0x0], $0xffff  }
0x24f: {  	v35 =	vor.u32 s23, v6  }
0x250: {  	v36 =	vor.u32 v7, v33;
	_ =	sdelay $0x3  }
0x251: {  	[tilespmem:v35+s11+$0x0] =	vst.idx.msk $0xffff, v34  }
0x252: {  	v34 =	vld.idx.msk [tilespmem:v36+s6+$0x0], $0xffff  }
0x253: {  	v35 =	vor.u32 s23, v8  }
0x254: {  	v36 =	vor.u32 v9, v33;
	_ =	sdelay $0x3  }
0x255: {  	[tilespmem:v35+s11+$0x0] =	vst.idx.msk $0xffff, v34  }
0x256: {  	v34 =	vld.idx.msk [tilespmem:v36+s6+$0x0], $0xffff  }
0x257: {  	v35 =	vor.u32 s23, v10  }
0x258: {  	v36 =	vor.u32 v11, v33;
	_ =	sdelay $0x3  }
0x259: {  	[tilespmem:v35+s11+$0x0] =	vst.idx.msk $0xffff, v34  }
0x25a: {  	v34 =	vld.idx.msk [tilespmem:v36+s6+$0x0], $0xffff  }
0x25b: {  	v35 =	vor.u32 s23, v12  }
0x25c: {  	v36 =	vor.u32 v13, v33;
	_ =	sdelay $0x3  }
0x25d: {  	[tilespmem:v35+s11+$0x0] =	vst.idx.msk $0xffff, v34  }
0x25e: {  	v34 =	vld.idx.msk [tilespmem:v36+s6+$0x0], $0xffff  }
0x25f: {  	v35 =	vor.u32 s23, v14  }
0x260: {  	v36 =	vor.u32 v16, v33;
	_ =	sdelay $0x3  }
0x261: {  	[tilespmem:v35+s11+$0x0] =	vst.idx.msk $0xffff, v34  }
0x262: {  	v34 =	vld.idx.msk [tilespmem:v36+s6+$0x0], $0xffff  }
0x263: {  	v35 =	vor.u32 s23, v17  }
0x264: {  	v36 =	vor.u32 v15, v33;
	_ =	sdelay $0x3  }
0x265: {  	[tilespmem:v35+s11+$0x0] =	vst.idx.msk $0xffff, v34  }
0x266: {  	v34 =	vld.idx.msk [tilespmem:v36+s6+$0x0], $0xffff  }
0x267: {  	v35 =	vor.u32 s23, v18  }
0x268: {  	v36 =	vor.u32 v19, v33;
	_ =	sdelay $0x3  }
0x269: {  	[tilespmem:v35+s11+$0x0] =	vst.idx.msk $0xffff, v34  }
0x26a: {  	v34 =	vld.idx.msk [tilespmem:v36+s6+$0x0], $0xffff  }
0x26b: {  	v35 =	vor.u32 s23, v20  }
0x26c: {  	v36 =	vor.u32 v21, v33;
	_ =	sdelay $0x3  }
0x26d: {  	[tilespmem:v35+s11+$0x0] =	vst.idx.msk $0xffff, v34  }
0x26e: {  	v34 =	vld.idx.msk [tilespmem:v36+s6+$0x0], $0xffff  }
0x26f: {  	v35 =	vor.u32 s23, v22  }
0x270: {  	v36 =	vor.u32 v23, v33;
	_ =	sdelay $0x3  }
0x271: {  	[tilespmem:v35+s11+$0x0] =	vst.idx.msk $0xffff, v34  }
0x272: {  	v34 =	vld.idx.msk [tilespmem:v36+s6+$0x0], $0xffff  }
0x273: {  	v35 =	vor.u32 s23, v24  }
0x274: {  	v36 =	vor.u32 v25, v33;
	_ =	sdelay $0x3  }
0x275: {  	[tilespmem:v35+s11+$0x0] =	vst.idx.msk $0xffff, v34  }
0x276: {  	v34 =	vld.idx.msk [tilespmem:v36+s6+$0x0], $0xffff  }
0x277: {  	v35 =	vor.u32 s23, v26  }
0x278: {  	v36 =	vor.u32 v27, v33;
	_ =	sdelay $0x3  }
0x279: {  	[tilespmem:v35+s11+$0x0] =	vst.idx.msk $0xffff, v34  }
0x27a: {  	v34 =	vld.idx.msk [tilespmem:v36+s6+$0x0], $0xffff  }
0x27b: {  	v35 =	vor.u32 s23, v28  }
0x27c: {  	v36 =	vor.u32 v29, v33;
	_ =	sdelay $0x3  }
0x27d: {  	[tilespmem:v35+s11+$0x0] =	vst.idx.msk $0xffff, v34  }
.Ltmp2:
0x27e: {  	v34 =	vld.idx.msk [tilespmem:v36+s6+$0x0], $0xffff;
	(pc) =	sbr.rel @p0 .LBB2_7-.Ltmp2, $4  }
0x27f: {  	v35 =	vor.u32 s23, v30  }
0x280: {  	v33 =	vor.u32 v31, v33  }
0x281: {  	s28 =	sadd.s32 $0x10, s28  }
0x282: {  	s30 =	sadd.s32 $0x1, s30;
	s1 =	sand.u32 $0x70, s28  }
0x283: {  	_ =	sdelay $0x1  }
0x284: {  	v36 =	vmov s1  }
0x285: {  	s14 =	sshrl.u32 s29, $0x3;
	v36 =	vshll.u32 v36, $0x6  }
0x286: {  	[tilespmem:v35+s11+$0x0] =	vst.idx.msk $0xffff, v34;
	s15 =	sshll.u32 s14, $0x4;
	v55 =	vor.u32 v1, v36  }
0x287: {  	v56 =	vor.u32 s23, v32;
	v33 =	vld.idx.msk [tilespmem:v33+s6+$0x0], $0xffff;
	v34 =	vor.u32 s15, v55  }
0x288: {  	v57 =	vor.u32 v0, v34;
	_ =	sdelay $0x2  }
0x289: {  	s14 =	sshll.u32 s14, $0xB  }
0x28a: {  	s31 =	sor.u32 s1, s14;
	[tilespmem:v56+s11+$0x0] =	vst.idx.msk $0xffff, v33  }
0x28b: {  	v58 =	vor.u32 s31, v2;
	v33 =	vld.idx.msk [tilespmem:v57+s6+$0x0], $0xffff  }
0x28c: {  	v59 =	vor.u32 v3, v34;
	_ =	sdelay $0x3  }
0x28d: {  	[tilespmem:v58+s11+$0x0] =	vst.idx.msk $0xffff, v33  }
0x28e: {  	v60 =	vor.u32 s31, v4;
	v33 =	vld.idx.msk [tilespmem:v59+s6+$0x0], $0xffff  }
0x28f: {  	v61 =	vor.u32 v5, v34;
	_ =	sdelay $0x3  }
0x290: {  	[tilespmem:v60+s11+$0x0] =	vst.idx.msk $0xffff, v33  }
0x291: {  	v62 =	vor.u32 s31, v6;
	v33 =	vld.idx.msk [tilespmem:v61+s6+$0x0], $0xffff  }
0x292: {  	v63 =	vor.u32 v7, v34;
	_ =	sdelay $0x3  }
0x293: {  	[tilespmem:v62+s11+$0x0] =	vst.idx.msk $0xffff, v33  }
0x294: {  	v40 =	vor.u32 s31, v8;
	v33 =	vld.idx.msk [tilespmem:v63+s6+$0x0], $0xffff  }
0x295: {  	v41 =	vor.u32 v9, v34;
	_ =	sdelay $0x3  }
0x296: {  	[tilespmem:v40+s11+$0x0] =	vst.idx.msk $0xffff, v33  }
0x297: {  	v42 =	vor.u32 s31, v10;
	v33 =	vld.idx.msk [tilespmem:v41+s6+$0x0], $0xffff  }
0x298: {  	v43 =	vor.u32 v11, v34;
	_ =	sdelay $0x3  }
0x299: {  	[tilespmem:v42+s11+$0x0] =	vst.idx.msk $0xffff, v33  }
0x29a: {  	v44 =	vor.u32 s31, v12;
	v33 =	vld.idx.msk [tilespmem:v43+s6+$0x0], $0xffff  }
0x29b: {  	v45 =	vor.u32 v13, v34;
	_ =	sdelay $0x3  }
0x29c: {  	[tilespmem:v44+s11+$0x0] =	vst.idx.msk $0xffff, v33  }
0x29d: {  	v46 =	vor.u32 s31, v14;
	v33 =	vld.idx.msk [tilespmem:v45+s6+$0x0], $0xffff  }
0x29e: {  	v47 =	vor.u32 v16, v34;
	_ =	sdelay $0x3  }
0x29f: {  	[tilespmem:v46+s11+$0x0] =	vst.idx.msk $0xffff, v33  }
0x2a0: {  	v48 =	vor.u32 s31, v17;
	v33 =	vld.idx.msk [tilespmem:v47+s6+$0x0], $0xffff  }
0x2a1: {  	v49 =	vor.u32 v15, v34;
	_ =	sdelay $0x3  }
0x2a2: {  	[tilespmem:v48+s11+$0x0] =	vst.idx.msk $0xffff, v33  }
0x2a3: {  	v50 =	vor.u32 s31, v18;
	v33 =	vld.idx.msk [tilespmem:v49+s6+$0x0], $0xffff  }
0x2a4: {  	v51 =	vor.u32 v19, v34;
	_ =	sdelay $0x3  }
0x2a5: {  	[tilespmem:v50+s11+$0x0] =	vst.idx.msk $0xffff, v33  }
0x2a6: {  	v52 =	vor.u32 s31, v20;
	v33 =	vld.idx.msk [tilespmem:v51+s6+$0x0], $0xffff  }
0x2a7: {  	v53 =	vor.u32 v21, v34;
	_ =	sdelay $0x3  }
0x2a8: {  	[tilespmem:v52+s11+$0x0] =	vst.idx.msk $0xffff, v33  }
0x2a9: {  	v54 =	vor.u32 s31, v22;
	v33 =	vld.idx.msk [tilespmem:v53+s6+$0x0], $0xffff  }
0x2aa: {  	v55 =	vor.u32 v23, v34;
	_ =	sdelay $0x3  }
0x2ab: {  	[tilespmem:v54+s11+$0x0] =	vst.idx.msk $0xffff, v33  }
0x2ac: {  	v56 =	vor.u32 s31, v24;
	v33 =	vld.idx.msk [tilespmem:v55+s6+$0x0], $0xffff  }
0x2ad: {  	v57 =	vor.u32 v25, v34;
	_ =	sdelay $0x3  }
0x2ae: {  	[tilespmem:v56+s11+$0x0] =	vst.idx.msk $0xffff, v33  }
0x2af: {  	v58 =	vor.u32 s31, v26;
	v33 =	vld.idx.msk [tilespmem:v57+s6+$0x0], $0xffff  }
0x2b0: {  	v59 =	vor.u32 v27, v34;
	_ =	sdelay $0x3  }
0x2b1: {  	[tilespmem:v58+s11+$0x0] =	vst.idx.msk $0xffff, v33  }
0x2b2: {  	v60 =	vor.u32 s31, v28;
	v33 =	vld.idx.msk [tilespmem:v59+s6+$0x0], $0xffff  }
0x2b3: {  	v61 =	vor.u32 v29, v34;
	_ =	sdelay $0x3  }
0x2b4: {  	[tilespmem:v60+s11+$0x0] =	vst.idx.msk $0xffff, v33  }
0x2b5: {  	v62 =	vor.u32 s31, v30;
	v33 =	vld.idx.msk [tilespmem:v61+s6+$0x0], $0xffff  }
0x2b6: {  	v34 =	vor.u32 v31, v34;
	_ =	sdelay $0x3  }
0x2b7: {  	[tilespmem:v62+s11+$0x0] =	vst.idx.msk $0xffff, v33  }
0x2b8: {  	v63 =	vor.u32 s31, v32;
	v33 =	vld.idx.msk [tilespmem:v34+s6+$0x0], $0xffff;
	_ =	sdelay $0x4  }
0x2b9: {  	[tilespmem:v63+s11+$0x0] =	vst.idx.msk $0xffff, v33  }
0x2ba: {  	_ =	swait.ge [sflag:s17], $0x400  }
0x2bb: {  	[sflag:s17] =	ssyncset.done $0x0  }
0x2bc: {  	[sflag:s17] =	ssyncadd.s32 $0xFFFFFC00  }
0x2bd: {  	_ =	swait.ge [sflag:s17], $0x400  }
0x2be: {  	[sflag:s17] =	ssyncset.done $0x0  }
0x2bf: {  	[sflag:s17] =	ssyncadd.s32 $0xFFFFFC00  }
0x2c0: {  	_ =	swait.ge [sflag:s17], $0x400  }
0x2c1: {  	[sflag:s17] =	ssyncset.done $0x0  }
0x2c2: {  	[sflag:s17] =	ssyncadd.s32 $0xFFFFFC00  }
0x2c3: {  	_ =	swait.ge [sflag:s17], $0x400  }
0x2c4: {  	[sflag:s17] =	ssyncset.done $0x0  }
0x2c5: {  	[sflag:s17] =	ssyncadd.s32 $0xFFFFFC00  }
0x2c6: {  	_ =	swait.ge [sflag:s17], $0x400  }
0x2c7: {  	[sflag:s17] =	ssyncset.done $0x0  }
0x2c8: {  	[sflag:s17] =	ssyncadd.s32 $0xFFFFFC00  }
0x2c9: {  	_ =	swait.ge [sflag:s17], $0x400  }
0x2ca: {  	[sflag:s17] =	ssyncset.done $0x0  }
0x2cb: {  	[sflag:s17] =	ssyncadd.s32 $0xFFFFFC00  }
0x2cc: {  	_ =	swait.ge [sflag:s17], $0x400  }
0x2cd: {  	s14 =	sadd.s32 s5, s22;
	[sflag:s17] =	ssyncset.done $0x0  }
0x2ce: {  	s15 =	sshll.u32 s14, $0xA;
	s1 =	sshll.u32 s14, $0x7;
	[sflag:s17] =	ssyncadd.s32 $0xFFFFFC00  }
0x2cf: {  	s14 =	sand.u32 $0xFFF8000, s15;
	s1 =	sand.u32 $0xF00, s1;
	_ =	swait.ge [sflag:s17], $0x400  }
0x2d0: {  	s1 =	sor.u32 s1, s14;
	[sflag:s17] =	ssyncset.done $0x0  }
0x2d1: {  	s14 =	sadd.s32 s2, s1;
	[sflag:s17] =	ssyncadd.s32 $0xFFFFFC00  }
0x2d2: {  	[hbm4b:s14+s3] =	stream.linear.scatter [tilespmem:s11], [sflag:$0x3], $0x400, $0x38;
	[tilespmem:$0xE400] =	vst v63  }
0x2d3: {  	s23 =	simm.s32 $0xA800;
	s22 =	sadd.s32 s1, s7  }
0x2d4: {  	[hbm4b:s22+s3] =	stream.linear.scatter [tilespmem:s23], [sflag:$0x3], $0x400, $0x38;
	[tilespmem:$0xE400] =	vst v63  }
0x2d5: {  	s29 =	simm.s32 $0xAC00;
	s28 =	sadd.s32 s1, s10  }
0x2d6: {  	[hbm4b:s28+s3] =	stream.linear.scatter [tilespmem:s29], [sflag:$0x3], $0x400, $0x38;
	[tilespmem:$0xE400] =	vst v63  }
0x2d7: {  	s30 =	sadd.s32 s1, s12;
	s31 =	simm.s32 $0xB000  }
0x2d8: {  	[hbm4b:s30+s3] =	stream.linear.scatter [tilespmem:s31], [sflag:$0x3], $0x400, $0x38;
	[tilespmem:$0xE400] =	vst v63  }
0x2d9: {  	s21 =	sadd.s32 $0x1, s21;
	s15 =	sadd.s32 s1, s13;
	s22 =	simm.s32 $0xB400  }
0x2da: {  	[hbm4b:s15+s3] =	stream.linear.scatter [tilespmem:s22], [sflag:$0x3], $0x400, $0x38;
	[tilespmem:$0xE400] =	vst v63  }
0x2db: {  	p0 =	sne.s32 s21, $0x63;
	s23 =	sadd.s32 s1, s16;
	s28 =	simm.s32 $0xB800  }
0x2dc: {  	[hbm4b:s23+s3] =	stream.linear.scatter [tilespmem:s28], [sflag:$0x3], $0x400, $0x38;
	[tilespmem:$0xE400] =	vst v63  }
.Ltmp3:
0x2dd: {  	_ = 	snop;
	(pc) =	sbr.rel @p0 .LBB2_4-.Ltmp3, $4  }
0x2de: {  	s29 =	sadd.s32 s1, s18;
	s30 =	simm.s32 $0xBC00  }
0x2df: {  	[hbm4b:s29+s3] =	stream.linear.scatter [tilespmem:s30], [sflag:$0x3], $0x400, $0x38;
	[tilespmem:$0xE400] =	vst v63  }
0x2e0: {  	s1 =	sadd.s32 s1, s19;
	s31 =	simm.s32 $0xC000  }
0x2e1: {  	[hbm4b:s1+s3] =	stream.linear.scatter [tilespmem:s31], [sflag:$0x3], $0x400, $0x38;
	[tilespmem:$0xE400] =	vst v63  }
0x2e2: {  	s1 =	simm.s32 $0x0  }
0x2e3: {  	s1 =	sand.u32 $0x70, s1  }
0x2e4: {  	v33 =	vmov s1  }
0x2e5: {  	v33 =	vshll.u32 v33, $0x6  }
0x2e6: {  	s14 =	simm.s32 $0x0;
	v33 =	vor.u32 v1, v33  }
0x2e7: {  	v33 =	vor.u32 s14, v33  }
0x2e8: {  	v34 =	vor.u32 v0, v33;
	_ =	sdelay $0x1  }
0x2e9: {  	_ =	swait.ge [sflag:s24], $0x2000  }
0x2ea: {  	s31 =	simm.s32 $0x0;
	[sflag:s24] =	ssyncset.done $0x0  }
0x2eb: {  	[sflag:s24] =	ssyncadd.s32 $0xFFFFE000;
	s20 =	sor.u32 s1, s31  }
0x2ec: {  	v35 =	vor.u32 s20, v2;
	v34 =	vld.idx.msk [tilespmem:v34+s8+$0x0], $0xffff  }
0x2ed: {  	v36 =	vor.u32 v3, v33;
	_ =	sdelay $0x3  }
0x2ee: {  	[tilespmem:v35+s25+$0x0] =	vst.idx.msk $0xffff, v34  }
0x2ef: {  	v62 =	vor.u32 s20, v4;
	v34 =	vld.idx.msk [tilespmem:v36+s8+$0x0], $0xffff  }
0x2f0: {  	v63 =	vor.u32 v5, v33;
	_ =	sdelay $0x3  }
0x2f1: {  	[tilespmem:v62+s25+$0x0] =	vst.idx.msk $0xffff, v34  }
0x2f2: {  	v40 =	vor.u32 s20, v6;
	v34 =	vld.idx.msk [tilespmem:v63+s8+$0x0], $0xffff  }
0x2f3: {  	v41 =	vor.u32 v7, v33;
	_ =	sdelay $0x3  }
0x2f4: {  	[tilespmem:v40+s25+$0x0] =	vst.idx.msk $0xffff, v34  }
0x2f5: {  	v42 =	vor.u32 s20, v8;
	v34 =	vld.idx.msk [tilespmem:v41+s8+$0x0], $0xffff  }
0x2f6: {  	v43 =	vor.u32 v9, v33;
	_ =	sdelay $0x3  }
0x2f7: {  	[tilespmem:v42+s25+$0x0] =	vst.idx.msk $0xffff, v34  }
0x2f8: {  	v44 =	vor.u32 s20, v10;
	v34 =	vld.idx.msk [tilespmem:v43+s8+$0x0], $0xffff  }
0x2f9: {  	v45 =	vor.u32 v11, v33;
	_ =	sdelay $0x3  }
0x2fa: {  	[tilespmem:v44+s25+$0x0] =	vst.idx.msk $0xffff, v34  }
0x2fb: {  	v46 =	vor.u32 s20, v12;
	v34 =	vld.idx.msk [tilespmem:v45+s8+$0x0], $0xffff  }
0x2fc: {  	v47 =	vor.u32 v13, v33;
	_ =	sdelay $0x3  }
0x2fd: {  	[tilespmem:v46+s25+$0x0] =	vst.idx.msk $0xffff, v34  }
0x2fe: {  	v48 =	vor.u32 s20, v14;
	v34 =	vld.idx.msk [tilespmem:v47+s8+$0x0], $0xffff  }
0x2ff: {  	v49 =	vor.u32 v16, v33;
	_ =	sdelay $0x3  }
0x300: {  	[tilespmem:v48+s25+$0x0] =	vst.idx.msk $0xffff, v34  }
0x301: {  	v50 =	vor.u32 s20, v17;
	v34 =	vld.idx.msk [tilespmem:v49+s8+$0x0], $0xffff  }
0x302: {  	v51 =	vor.u32 v15, v33;
	_ =	sdelay $0x3  }
0x303: {  	[tilespmem:v50+s25+$0x0] =	vst.idx.msk $0xffff, v34  }
0x304: {  	v52 =	vor.u32 s20, v18;
	v34 =	vld.idx.msk [tilespmem:v51+s8+$0x0], $0xffff  }
0x305: {  	v53 =	vor.u32 v19, v33;
	_ =	sdelay $0x3  }
0x306: {  	[tilespmem:v52+s25+$0x0] =	vst.idx.msk $0xffff, v34  }
0x307: {  	v54 =	vor.u32 s20, v20;
	v34 =	vld.idx.msk [tilespmem:v53+s8+$0x0], $0xffff  }
0x308: {  	v55 =	vor.u32 v21, v33;
	_ =	sdelay $0x3  }
0x309: {  	[tilespmem:v54+s25+$0x0] =	vst.idx.msk $0xffff, v34  }
0x30a: {  	v56 =	vor.u32 s20, v22;
	v34 =	vld.idx.msk [tilespmem:v55+s8+$0x0], $0xffff  }
0x30b: {  	v57 =	vor.u32 v23, v33;
	_ =	sdelay $0x3  }
0x30c: {  	[tilespmem:v56+s25+$0x0] =	vst.idx.msk $0xffff, v34  }
0x30d: {  	v58 =	vor.u32 s20, v24;
	v34 =	vld.idx.msk [tilespmem:v57+s8+$0x0], $0xffff  }
0x30e: {  	v59 =	vor.u32 v25, v33;
	_ =	sdelay $0x3  }
0x30f: {  	[tilespmem:v58+s25+$0x0] =	vst.idx.msk $0xffff, v34  }
0x310: {  	v60 =	vor.u32 s20, v26;
	v34 =	vld.idx.msk [tilespmem:v59+s8+$0x0], $0xffff  }
0x311: {  	v61 =	vor.u32 v27, v33;
	_ =	sdelay $0x3  }
0x312: {  	[tilespmem:v60+s25+$0x0] =	vst.idx.msk $0xffff, v34  }
0x313: {  	v62 =	vor.u32 s20, v28;
	v34 =	vld.idx.msk [tilespmem:v61+s8+$0x0], $0xffff  }
0x314: {  	v63 =	vor.u32 v29, v33;
	_ =	sdelay $0x3  }
0x315: {  	[tilespmem:v62+s25+$0x0] =	vst.idx.msk $0xffff, v34  }
0x316: {  	v35 =	vor.u32 s20, v30;
	v34 =	vld.idx.msk [tilespmem:v63+s8+$0x0], $0xffff  }
0x317: {  	v33 =	vor.u32 v31, v33  }
0x318: {  	s21 =	simm.s32 $0x10  }
0x319: {  	s22 =	simm.s32 $0x1;
	s23 =	simm.s32 $0x2;
	s1 =	sand.u32 $0x70, s21  }
.LBB2_10:
0x31a: {  	p0 =	sne.s32 s23, $0x1F;
	v36 =	vmov s1  }
0x31b: {  	s14 =	sshrl.u32 s22, $0x3;
	s22 =	smov.u32 s23;
	v36 =	vshll.u32 v36, $0x6;
	[tilespmem:v35+s25+$0x0] =	vst.idx.msk $0xffff, v34  }
0x31c: {  	s15 =	sshll.u32 s14, $0x4;
	v34 =	vor.u32 v1, v36;
	v35 =	vld.idx.msk [tilespmem:v33+s8+$0x0], $0xffff  }
0x31d: {  	v33 =	vor.u32 s15, v34;
	v34 =	vor.u32 s20, v32  }
0x31e: {  	v36 =	vor.u32 v0, v33;
	_ =	sdelay $0x3  }
0x31f: {  	s14 =	sshll.u32 s14, $0xB;
	[tilespmem:v34+s25+$0x0] =	vst.idx.msk $0xffff, v35  }
0x320: {  	s20 =	sor.u32 s1, s14;
	v34 =	vld.idx.msk [tilespmem:v36+s8+$0x0], $0xffff  }
0x321: {  	v35 =	vor.u32 s20, v2  }
0x322: {  	v36 =	vor.u32 v3, v33;
	_ =	sdelay $0x3  }
0x323: {  	[tilespmem:v35+s25+$0x0] =	vst.idx.msk $0xffff, v34  }
0x324: {  	v34 =	vld.idx.msk [tilespmem:v36+s8+$0x0], $0xffff  }
0x325: {  	v35 =	vor.u32 s20, v4  }
0x326: {  	v36 =	vor.u32 v5, v33;
	_ =	sdelay $0x3  }
0x327: {  	[tilespmem:v35+s25+$0x0] =	vst.idx.msk $0xffff, v34  }
0x328: {  	v34 =	vld.idx.msk [tilespmem:v36+s8+$0x0], $0xffff  }
0x329: {  	v35 =	vor.u32 s20, v6  }
0x32a: {  	v36 =	vor.u32 v7, v33;
	_ =	sdelay $0x3  }
0x32b: {  	[tilespmem:v35+s25+$0x0] =	vst.idx.msk $0xffff, v34  }
0x32c: {  	v34 =	vld.idx.msk [tilespmem:v36+s8+$0x0], $0xffff  }
0x32d: {  	v35 =	vor.u32 s20, v8  }
0x32e: {  	v36 =	vor.u32 v9, v33;
	_ =	sdelay $0x3  }
0x32f: {  	[tilespmem:v35+s25+$0x0] =	vst.idx.msk $0xffff, v34  }
0x330: {  	v34 =	vld.idx.msk [tilespmem:v36+s8+$0x0], $0xffff  }
0x331: {  	v35 =	vor.u32 s20, v10  }
0x332: {  	v36 =	vor.u32 v11, v33;
	_ =	sdelay $0x3  }
0x333: {  	[tilespmem:v35+s25+$0x0] =	vst.idx.msk $0xffff, v34  }
0x334: {  	v34 =	vld.idx.msk [tilespmem:v36+s8+$0x0], $0xffff  }
0x335: {  	v35 =	vor.u32 s20, v12  }
0x336: {  	v36 =	vor.u32 v13, v33;
	_ =	sdelay $0x3  }
0x337: {  	[tilespmem:v35+s25+$0x0] =	vst.idx.msk $0xffff, v34  }
0x338: {  	v34 =	vld.idx.msk [tilespmem:v36+s8+$0x0], $0xffff  }
0x339: {  	v35 =	vor.u32 s20, v14  }
0x33a: {  	v36 =	vor.u32 v16, v33;
	_ =	sdelay $0x3  }
0x33b: {  	[tilespmem:v35+s25+$0x0] =	vst.idx.msk $0xffff, v34  }
0x33c: {  	v34 =	vld.idx.msk [tilespmem:v36+s8+$0x0], $0xffff  }
0x33d: {  	v35 =	vor.u32 s20, v17  }
0x33e: {  	v36 =	vor.u32 v15, v33;
	_ =	sdelay $0x3  }
0x33f: {  	[tilespmem:v35+s25+$0x0] =	vst.idx.msk $0xffff, v34  }
0x340: {  	v34 =	vld.idx.msk [tilespmem:v36+s8+$0x0], $0xffff  }
0x341: {  	v35 =	vor.u32 s20, v18  }
0x342: {  	v36 =	vor.u32 v19, v33;
	_ =	sdelay $0x3  }
0x343: {  	[tilespmem:v35+s25+$0x0] =	vst.idx.msk $0xffff, v34  }
0x344: {  	v34 =	vld.idx.msk [tilespmem:v36+s8+$0x0], $0xffff  }
0x345: {  	v35 =	vor.u32 s20, v20  }
0x346: {  	v36 =	vor.u32 v21, v33;
	_ =	sdelay $0x3  }
0x347: {  	[tilespmem:v35+s25+$0x0] =	vst.idx.msk $0xffff, v34  }
0x348: {  	v34 =	vld.idx.msk [tilespmem:v36+s8+$0x0], $0xffff  }
0x349: {  	v35 =	vor.u32 s20, v22  }
0x34a: {  	v36 =	vor.u32 v23, v33;
	_ =	sdelay $0x3  }
0x34b: {  	[tilespmem:v35+s25+$0x0] =	vst.idx.msk $0xffff, v34  }
0x34c: {  	v34 =	vld.idx.msk [tilespmem:v36+s8+$0x0], $0xffff  }
0x34d: {  	v35 =	vor.u32 s20, v24  }
0x34e: {  	v36 =	vor.u32 v25, v33;
	_ =	sdelay $0x3  }
0x34f: {  	[tilespmem:v35+s25+$0x0] =	vst.idx.msk $0xffff, v34  }
0x350: {  	v34 =	vld.idx.msk [tilespmem:v36+s8+$0x0], $0xffff  }
0x351: {  	v35 =	vor.u32 s20, v26  }
0x352: {  	v36 =	vor.u32 v27, v33;
	_ =	sdelay $0x3  }
0x353: {  	[tilespmem:v35+s25+$0x0] =	vst.idx.msk $0xffff, v34  }
0x354: {  	v34 =	vld.idx.msk [tilespmem:v36+s8+$0x0], $0xffff  }
0x355: {  	v35 =	vor.u32 s20, v28  }
0x356: {  	v36 =	vor.u32 v29, v33;
	_ =	sdelay $0x3  }
0x357: {  	[tilespmem:v35+s25+$0x0] =	vst.idx.msk $0xffff, v34  }
.Ltmp4:
0x358: {  	v34 =	vld.idx.msk [tilespmem:v36+s8+$0x0], $0xffff;
	(pc) =	sbr.rel @p0 .LBB2_10-.Ltmp4, $4  }
0x359: {  	v35 =	vor.u32 s20, v30  }
0x35a: {  	v33 =	vor.u32 v31, v33  }
0x35b: {  	s21 =	sadd.s32 $0x10, s21  }
0x35c: {  	s23 =	sadd.s32 $0x1, s23;
	s1 =	sand.u32 $0x70, s21  }
0x35d: {  	_ =	sdelay $0x1  }
0x35e: {  	v36 =	vmov s1  }
0x35f: {  	s14 =	sshrl.u32 s22, $0x3;
	v36 =	vshll.u32 v36, $0x6  }
0x360: {  	[tilespmem:v35+s25+$0x0] =	vst.idx.msk $0xffff, v34;
	s15 =	sshll.u32 s14, $0x4;
	v55 =	vor.u32 v1, v36  }
0x361: {  	v56 =	vor.u32 s20, v32;
	v33 =	vld.idx.msk [tilespmem:v33+s8+$0x0], $0xffff;
	v34 =	vor.u32 s15, v55  }
0x362: {  	v57 =	vor.u32 v0, v34;
	_ =	sdelay $0x2  }
0x363: {  	s14 =	sshll.u32 s14, $0xB  }
0x364: {  	s20 =	sor.u32 s1, s14;
	[tilespmem:v56+s25+$0x0] =	vst.idx.msk $0xffff, v33  }
0x365: {  	v58 =	vor.u32 s20, v2;
	v33 =	vld.idx.msk [tilespmem:v57+s8+$0x0], $0xffff  }
0x366: {  	v59 =	vor.u32 v3, v34;
	_ =	sdelay $0x3  }
0x367: {  	[tilespmem:v58+s25+$0x0] =	vst.idx.msk $0xffff, v33  }
0x368: {  	v60 =	vor.u32 s20, v4;
	v33 =	vld.idx.msk [tilespmem:v59+s8+$0x0], $0xffff  }
0x369: {  	v61 =	vor.u32 v5, v34;
	_ =	sdelay $0x3  }
0x36a: {  	[tilespmem:v60+s25+$0x0] =	vst.idx.msk $0xffff, v33  }
0x36b: {  	v62 =	vor.u32 s20, v6;
	v33 =	vld.idx.msk [tilespmem:v61+s8+$0x0], $0xffff  }
0x36c: {  	v63 =	vor.u32 v7, v34;
	_ =	sdelay $0x3  }
0x36d: {  	[tilespmem:v62+s25+$0x0] =	vst.idx.msk $0xffff, v33  }
0x36e: {  	v40 =	vor.u32 s20, v8;
	v33 =	vld.idx.msk [tilespmem:v63+s8+$0x0], $0xffff  }
0x36f: {  	v41 =	vor.u32 v9, v34;
	_ =	sdelay $0x3  }
0x370: {  	[tilespmem:v40+s25+$0x0] =	vst.idx.msk $0xffff, v33  }
0x371: {  	v42 =	vor.u32 s20, v10;
	v33 =	vld.idx.msk [tilespmem:v41+s8+$0x0], $0xffff  }
0x372: {  	v43 =	vor.u32 v11, v34;
	_ =	sdelay $0x3  }
0x373: {  	[tilespmem:v42+s25+$0x0] =	vst.idx.msk $0xffff, v33  }
0x374: {  	v44 =	vor.u32 s20, v12;
	v33 =	vld.idx.msk [tilespmem:v43+s8+$0x0], $0xffff  }
0x375: {  	v45 =	vor.u32 v13, v34;
	_ =	sdelay $0x3  }
0x376: {  	[tilespmem:v44+s25+$0x0] =	vst.idx.msk $0xffff, v33  }
0x377: {  	v46 =	vor.u32 s20, v14;
	v33 =	vld.idx.msk [tilespmem:v45+s8+$0x0], $0xffff  }
0x378: {  	v47 =	vor.u32 v16, v34;
	_ =	sdelay $0x3  }
0x379: {  	[tilespmem:v46+s25+$0x0] =	vst.idx.msk $0xffff, v33  }
0x37a: {  	v48 =	vor.u32 s20, v17;
	v33 =	vld.idx.msk [tilespmem:v47+s8+$0x0], $0xffff  }
0x37b: {  	v49 =	vor.u32 v15, v34;
	_ =	sdelay $0x3  }
0x37c: {  	[tilespmem:v48+s25+$0x0] =	vst.idx.msk $0xffff, v33  }
0x37d: {  	v50 =	vor.u32 s20, v18;
	v33 =	vld.idx.msk [tilespmem:v49+s8+$0x0], $0xffff  }
0x37e: {  	v51 =	vor.u32 v19, v34;
	_ =	sdelay $0x3  }
0x37f: {  	[tilespmem:v50+s25+$0x0] =	vst.idx.msk $0xffff, v33  }
0x380: {  	v52 =	vor.u32 s20, v20;
	v33 =	vld.idx.msk [tilespmem:v51+s8+$0x0], $0xffff  }
0x381: {  	v53 =	vor.u32 v21, v34;
	_ =	sdelay $0x3  }
0x382: {  	[tilespmem:v52+s25+$0x0] =	vst.idx.msk $0xffff, v33  }
0x383: {  	v54 =	vor.u32 s20, v22;
	v33 =	vld.idx.msk [tilespmem:v53+s8+$0x0], $0xffff  }
0x384: {  	v55 =	vor.u32 v23, v34;
	_ =	sdelay $0x3  }
0x385: {  	[tilespmem:v54+s25+$0x0] =	vst.idx.msk $0xffff, v33  }
0x386: {  	v56 =	vor.u32 s20, v24;
	v33 =	vld.idx.msk [tilespmem:v55+s8+$0x0], $0xffff  }
0x387: {  	v57 =	vor.u32 v25, v34;
	_ =	sdelay $0x3  }
0x388: {  	[tilespmem:v56+s25+$0x0] =	vst.idx.msk $0xffff, v33  }
0x389: {  	v58 =	vor.u32 s20, v26;
	v33 =	vld.idx.msk [tilespmem:v57+s8+$0x0], $0xffff  }
0x38a: {  	v59 =	vor.u32 v27, v34;
	_ =	sdelay $0x3  }
0x38b: {  	[tilespmem:v58+s25+$0x0] =	vst.idx.msk $0xffff, v33  }
0x38c: {  	v60 =	vor.u32 s20, v28;
	v33 =	vld.idx.msk [tilespmem:v59+s8+$0x0], $0xffff  }
0x38d: {  	v61 =	vor.u32 v29, v34;
	_ =	sdelay $0x3  }
0x38e: {  	[tilespmem:v60+s25+$0x0] =	vst.idx.msk $0xffff, v33  }
0x38f: {  	v62 =	vor.u32 s20, v30;
	v33 =	vld.idx.msk [tilespmem:v61+s8+$0x0], $0xffff  }
0x390: {  	v34 =	vor.u32 v31, v34;
	_ =	sdelay $0x3  }
0x391: {  	[tilespmem:v62+s25+$0x0] =	vst.idx.msk $0xffff, v33  }
0x392: {  	v63 =	vor.u32 s20, v32;
	v33 =	vld.idx.msk [tilespmem:v34+s8+$0x0], $0xffff;
	_ =	sdelay $0x4  }
0x393: {  	[tilespmem:v63+s25+$0x0] =	vst.idx.msk $0xffff, v33  }
0x394: {  	_ =	swait.ge [sflag:s26], $0x400  }
0x395: {  	[sflag:s26] =	ssyncset.done $0x0  }
0x396: {  	[sflag:s26] =	ssyncadd.s32 $0xFFFFFC00  }
0x397: {  	_ =	swait.ge [sflag:s26], $0x400  }
0x398: {  	[sflag:s26] =	ssyncset.done $0x0  }
0x399: {  	[sflag:s26] =	ssyncadd.s32 $0xFFFFFC00  }
0x39a: {  	_ =	swait.ge [sflag:s26], $0x400  }
0x39b: {  	[sflag:s26] =	ssyncset.done $0x0  }
0x39c: {  	[sflag:s26] =	ssyncadd.s32 $0xFFFFFC00  }
0x39d: {  	_ =	swait.ge [sflag:s26], $0x400  }
0x39e: {  	[sflag:s26] =	ssyncset.done $0x0  }
0x39f: {  	[sflag:s26] =	ssyncadd.s32 $0xFFFFFC00  }
0x3a0: {  	_ =	swait.ge [sflag:s26], $0x400  }
0x3a1: {  	[sflag:s26] =	ssyncset.done $0x0  }
0x3a2: {  	[sflag:s26] =	ssyncadd.s32 $0xFFFFFC00  }
0x3a3: {  	_ =	swait.ge [sflag:s26], $0x400  }
0x3a4: {  	[sflag:s26] =	ssyncset.done $0x0  }
0x3a5: {  	[sflag:s26] =	ssyncadd.s32 $0xFFFFFC00  }
0x3a6: {  	_ =	swait.ge [sflag:s26], $0x400  }
0x3a7: {  	[sflag:s26] =	ssyncset.done $0x0  }
0x3a8: {  	[sflag:s26] =	ssyncadd.s32 $0xFFFFFC00  }
0x3a9: {  	_ =	swait.ge [sflag:s26], $0x400  }
0x3aa: {  	[sflag:s26] =	ssyncset.done $0x0  }
0x3ab: {  	s21 =	rddreg [dreg:$0xc];
	[sflag:s26] =	ssyncadd.s32 $0xFFFFFC00  }
0x3ac: {  	[hbm4b:s21+s3] =	stream.linear.scatter [tilespmem:s25], [sflag:$0x4], $0x400, $0x38;
	[tilespmem:$0xE400] =	vst v63  }
0x3ad: {  	s23 =	simm.s32 $0xC800;
	s22 =	rddreg [dreg:$0xd]  }
0x3ae: {  	[hbm4b:s22+s3] =	stream.linear.scatter [tilespmem:s23], [sflag:$0x4], $0x400, $0x38;
	[tilespmem:$0xE400] =	vst v63  }
0x3af: {  	s29 =	simm.s32 $0xCC00;
	s28 =	rddreg [dreg:$0xe]  }
0x3b0: {  	[hbm4b:s28+s3] =	stream.linear.scatter [tilespmem:s29], [sflag:$0x4], $0x400, $0x38;
	[tilespmem:$0xE400] =	vst v63  }
0x3b1: {  	s31 =	simm.s32 $0xD000;
	s30 =	rddreg [dreg:$0xf]  }
0x3b2: {  	[hbm4b:s30+s3] =	stream.linear.scatter [tilespmem:s31], [sflag:$0x4], $0x400, $0x38;
	[tilespmem:$0xE400] =	vst v63  }
0x3b3: {  	s15 =	simm.s32 $0xD400;
	s14 =	rddreg [dreg:$0x10]  }
0x3b4: {  	[hbm4b:s14+s3] =	stream.linear.scatter [tilespmem:s15], [sflag:$0x4], $0x400, $0x38;
	[tilespmem:$0xE400] =	vst v63  }
0x3b5: {  	s20 =	rddreg [dreg:$0x11];
	s21 =	simm.s32 $0xD800  }
0x3b6: {  	[hbm4b:s20+s3] =	stream.linear.scatter [tilespmem:s21], [sflag:$0x4], $0x400, $0x38;
	[tilespmem:$0xE400] =	vst v63  }
0x3b7: {  	s22 =	rddreg [dreg:$0x12];
	s23 =	simm.s32 $0xDC00  }
0x3b8: {  	[hbm4b:s22+s3] =	stream.linear.scatter [tilespmem:s23], [sflag:$0x4], $0x400, $0x38;
	[tilespmem:$0xE400] =	vst v63  }
0x3b9: {  	s28 =	rddreg [dreg:$0x13];
	s29 =	simm.s32 $0xE000  }
0x3ba: {  	[hbm4b:s28+s3] =	stream.linear.scatter [tilespmem:s29], [sflag:$0x4], $0x400, $0x38;
	[tilespmem:$0xE400] =	vst v63  }
0x3bb: {  	_ =	swait.ge [sflag:s17], $0x400  }
0x3bc: {  	[sflag:s17] =	ssyncset.done $0x0  }
0x3bd: {  	[sflag:s17] =	ssyncadd.s32 $0xFFFFFC00  }
0x3be: {  	_ =	swait.ge [sflag:s17], $0x400  }
0x3bf: {  	[sflag:s17] =	ssyncset.done $0x0  }
0x3c0: {  	[sflag:s17] =	ssyncadd.s32 $0xFFFFFC00  }
0x3c1: {  	_ =	swait.ge [sflag:s17], $0x400  }
0x3c2: {  	[sflag:s17] =	ssyncset.done $0x0  }
0x3c3: {  	[sflag:s17] =	ssyncadd.s32 $0xFFFFFC00  }
0x3c4: {  	_ =	swait.ge [sflag:s17], $0x400  }
0x3c5: {  	[sflag:s17] =	ssyncset.done $0x0  }
0x3c6: {  	[sflag:s17] =	ssyncadd.s32 $0xFFFFFC00  }
0x3c7: {  	_ =	swait.ge [sflag:s17], $0x400  }
0x3c8: {  	[sflag:s17] =	ssyncset.done $0x0  }
0x3c9: {  	[sflag:s17] =	ssyncadd.s32 $0xFFFFFC00  }
0x3ca: {  	_ =	swait.ge [sflag:s17], $0x400  }
0x3cb: {  	[sflag:s17] =	ssyncset.done $0x0  }
0x3cc: {  	[sflag:s17] =	ssyncadd.s32 $0xFFFFFC00  }
0x3cd: {  	_ =	swait.ge [sflag:s17], $0x400  }
0x3ce: {  	[sflag:s17] =	ssyncset.done $0x0  }
0x3cf: {  	[sflag:s17] =	ssyncadd.s32 $0xFFFFFC00  }
0x3d0: {  	_ =	swait.ge [sflag:s17], $0x400  }
0x3d1: {  	s30 =	rddreg [dreg:$0x15]  }
0x3d2: {  	s31 =	rddreg [dreg:$0x14];
	s14 =	sadd.s32 $0x1, s30  }
0x3d3: {  	p0 =	sne.s32 s14, s31  }
.Ltmp5:
0x3d4: {  	_ = 	snop;
	(pc) =	sbr.rel @p0 .LBB2_1-.Ltmp5, $3  }
0x3d5: {  	_ =	sdelay $0x1  }
0x3d6: {  	[sflag:s17] =	ssyncset.done $0x0  }
0x3d7: {  	[sflag:s17] =	ssyncadd.s32 $0xFFFFFC00  }
0x3d8: {  	_ =	sfence.sel $0x180000  }
0x3d9: {  	[bflag:$0x0] =	sbarrier.arrive $0xFFFF  }
0x3da: {  	_ =	strace $0x90000047  }
0x3db: {  	s0 =	stileid.u32;
	[bflag:$0x2] =	sbarrier.arrive $0xFFFF  }
0x3dc: {  	p0 =	sne.s32 s0, $0x0;
	s0 =	rddreg [dreg:$0x2]  }
0x3dd: {  	s0 =	sadd.s32 @!p0 $0x100000, s0  }
0x3de: {  	[sflag:s0] =	ssyncadd.tile.s32 @!p0 $0x1;
	_ =	shalt  }
.Lfunc_end2:
_tile_overlayer_lowered:
.L_overlay_start_2:
0x3df: {  	(tag) =	ssettag $0x2  }
0x3e0: {  	s0 =	rddreg [dreg:$0x0];
	s2 =	stileid.u32  }
0x3e1: {  	s1 =	rddreg [dreg:$0x1];
	p0 =	sne.s32 s2, $0x0  }
0x3e2: {  	s3 =	rddreg [dreg:$0x2];
	[bflag:$0x3] =	sbarrier.arrive $0xFFFF;
	s2 =	simm.s32 @!p0 $0x1C05  }
0x3e3: {  	[timem:s3], [sflag:s2] =	dma.local @!p0 [hbm:s0], s1  }
0x3e4: {  	s0 =	simm.s32 @!p0 $0x5  }
0x3e5: {  	_ =	swait.ge @!p0 [sflag:s0], s1  }
0x3e6: {  	s1 =	ssub.s32 @!p0 $0x0, s1;
	[sflag:s0] =	ssyncset.done @!p0 $0x0  }
0x3e7: {  	[sflag:s0] =	ssyncadd.s32 @!p0 s1  }
0x3e8: {  	[bflag:$0x3] =	sbarrier.arrive $0xFFFF  }
0x3e9: {  	_ =	shalt  }

</sc_bundles>
